<compile_context>
chip_gen: v7x
topology: tpu7x:2x2x1
jax: 0.10.2.dev20260603
libtpu: 0.0.44.dev20260713+nightly
codegen_flags: <defaults>
</compile_context>

<pallas_src>
import functools

import jax
import jax.numpy as jnp
from jax import lax
from jax.experimental import pallas as pl
from jax.experimental.pallas import tpu as pltpu
from jax.experimental.pallas import tpu_sc as plsc

B, L, D = 4096, 200, 16
NT = 4
NC, NS = 2, 16
NW = NC * NS
NBG = 8
NLG = NW // NBG
BPW = B // NBG
LPW = L // NLG
ROWS = NT * BPW
UB = 16
OBP = BPW + 1
NSTR = BPW // 128

_mesh = plsc.VectorSubcoreMesh(core_axis_name="c", subcore_axis_name="s")


@functools.partial(
    pl.kernel,
    out_type=jax.ShapeDtypeStruct((L, NT * D, B), jnp.float32),
    mesh=_mesh,
    compiler_params=pltpu.CompilerParams(
        use_tc_tiling_on_sc=False, needs_layout_passes=False
    ),
    scratch_types=[
        pltpu.VMEM((2, NT, BPW), jnp.int32),
        pltpu.VMEM((2 * ROWS, D), jnp.float32),
        pltpu.VMEM((NT * D, OBP), jnp.float32),
        pltpu.SemaphoreType.DMA,
        pltpu.SemaphoreType.DMA,
        pltpu.SemaphoreType.DMA,
        pltpu.SemaphoreType.DMA,
        pltpu.SemaphoreType.DMA,
    ],
)
def _embed_kernel(
    w0, w1, w2, w3, i0, i1, i2, i3, out_hbm,
    idx_v, stage_v, outbuf_v, sem0, sem1, semi0, semi1, sem_w,
):
    tables = (w0, w1, w2, w3)
    idxs = (i0, i1, i2, i3)
    sems = (sem0, sem1)
    semis = (semi0, semi1)
    wid = lax.axis_index("s") * NC + lax.axis_index("c")
    lg = wid // NBG
    b0 = (wid % NBG) * BPW
    l_base = lg * LPW
    lane = lax.iota(jnp.int32, 16)
    d_idx = [lane + t * D for t in range(NT)]

    def fetch_idx(c, slot):
        l = l_base + c
        for t in range(NT):
            pltpu.async_copy(
                idxs[t].at[l, pl.ds(b0, BPW)], idx_v.at[slot, t], semis[slot]
            )

    def fire_gathers(c, slot):
        pltpu.make_async_copy(
            i0.at[pl.ds(0, NT), pl.ds(0, BPW)], idx_v.at[slot], semis[slot]
        ).wait()
        for t in range(NT):
            for j in range(NSTR):
                pltpu.async_copy(
                    tables[t].at[idx_v.at[slot, t, pl.ds(j * 128, 128)]],
                    stage_v.at[pl.ds(slot * ROWS + t * BPW + j * 128, 128)],
                    sems[slot],
                )

    def drain(slot):
        pltpu.make_async_copy(
            w2.at[pl.ds(0, ROWS)], stage_v.at[pl.ds(slot * ROWS, ROWS)], sems[slot]
        ).wait()

    def wait_write():
        pltpu.make_async_copy(
            outbuf_v.at[:, pl.ds(0, BPW)],
            out_hbm.at[l_base, :, pl.ds(b0, BPW)],
            sem_w,
        ).wait()

    def process(c, slot):
        base = slot * ROWS
        wait_write()

        @plsc.parallel_loop(0, BPW, 1, unroll=UB)
        def tbody(bb):
            bvec = jnp.full((16,), 0, jnp.int32) + bb
            for t in range(NT):
                v = stage_v[base + t * BPW + bb, :]
                plsc.store_scatter(outbuf_v, [d_idx[t], bvec], v)

        pltpu.async_copy(
            outbuf_v.at[:, pl.ds(0, BPW)],
            out_hbm.at[l_base + c, :, pl.ds(b0, BPW)],
            sem_w,
        )

    fetch_idx(0, 0)
    fire_gathers(0, 0)
    fetch_idx(1, 1)
    pltpu.async_copy(
        outbuf_v.at[:, pl.ds(0, BPW)],
        out_hbm.at[l_base, :, pl.ds(b0, BPW)],
        sem_w,
    )

    def body(k, carry):
        c0 = 2 * k
        fire_gathers(c0 + 1, 1)
        drain(0)

        @pl.when(c0 + 2 < LPW)
        def _():
            fetch_idx(c0 + 2, 0)

        process(c0, 0)

        @pl.when(c0 + 2 < LPW)
        def _():
            fire_gathers(c0 + 2, 0)

        drain(1)

        @pl.when(c0 + 3 < LPW)
        def _():
            fetch_idx(c0 + 3, 1)

        process(c0 + 1, 1)
        return carry

    lax.fori_loop(0, LPW // 2, body, 0)
    wait_write()


def kernel(event_name, level, fqid, room_fqid, W_event_name, W_level, W_fqid, W_room_fqid):
    iT = [a.astype(jnp.int32).T for a in (event_name, level, fqid, room_fqid)]
    out = _embed_kernel(W_event_name, W_level, W_fqid, W_room_fqid, *iT)
    return out.transpose(2, 0, 1)

# --- scband reference (transcript-rebuilt; emitter-appended) ---
"""Pipeline reference for scband-pspevent-embedding-5592047419607 (READ-ONLY COPY).

The authoritative reference and input builder live on the scoring server;
editing this copy changes nothing except your own understanding.
"""

import jax, jax.numpy as jnp
import numpy as np

B, L = 4096, 200
EVENT_N, LEVEL_N, FQID_N, ROOM_N = 1000, 1000, 100000, 1000
D = 16

def _table(k, n, d):
    t = jax.random.normal(k, (n, d), dtype=jnp.float32)
    # torch padding_idx=0 initializes that row to zeros
    return t.at[0].set(0.0)

def setup_inputs(seed: int = 0) -> dict:
    key = jax.random.key(seed)
    ks = jax.random.split(key, 8)
    event_name = jax.random.randint(ks[0], (B, L), 0, EVENT_N, dtype=jnp.int64)
    level = jax.random.randint(ks[1], (B, L), 0, LEVEL_N, dtype=jnp.int64)
    fqid = jax.random.randint(ks[2], (B, L), 0, FQID_N, dtype=jnp.int64)
    room_fqid = jax.random.randint(ks[3], (B, L), 0, ROOM_N, dtype=jnp.int64)
    return {
        "event_name": event_name,
        "level": level,
        "fqid": fqid,
        "room_fqid": room_fqid,
        "W_event_name": _table(ks[4], EVENT_N, D),
        "W_level": _table(ks[5], LEVEL_N, D),
        "W_fqid": _table(ks[6], FQID_N, D),
        "W_room_fqid": _table(ks[7], ROOM_N, D),
    }

def reference(event_name, level, fqid, room_fqid, W_event_name, W_level, W_fqid, W_room_fqid):
    e = jnp.take(W_event_name, event_name, axis=0)
    lv = jnp.take(W_level, level, axis=0)
    f = jnp.take(W_fqid, fqid, axis=0)
    r = jnp.take(W_room_fqid, room_fqid, axis=0)
    return jnp.concatenate([e, lv, f, r], axis=2)

if __name__ == "__main__":
    import jax
    _d = setup_inputs()
    print(jax.jit(kernel)(*tuple(_d.values())))

</pallas_src>

<mosaic_0001>
#map = affine_map<(d0, d1) -> (0, 0)>
#map1 = affine_map<(d0, d1) -> (0, 0, 0)>
module attributes {stable_mosaic.version = 14 : i64} {
  func.func @_embed_kernel(%arg0: i32, %arg1: i32, %arg2: memref<1000x16xf32, #tpu.memory_space<hbm>>, %arg3: memref<1000x16xf32, #tpu.memory_space<hbm>>, %arg4: memref<100000x16xf32, #tpu.memory_space<hbm>>, %arg5: memref<1000x16xf32, #tpu.memory_space<hbm>>, %arg6: memref<200x4096xi32, #tpu.memory_space<hbm>>, %arg7: memref<200x4096xi32, #tpu.memory_space<hbm>>, %arg8: memref<200x4096xi32, #tpu.memory_space<hbm>>, %arg9: memref<200x4096xi32, #tpu.memory_space<hbm>>, %arg10: memref<200x64x4096xf32, #tpu.memory_space<hbm>>, %arg11: memref<2x4x512xi32, #tpu.memory_space<vmem>>, %arg12: memref<4096x16xf32, #tpu.memory_space<vmem>>, %arg13: memref<64x513xf32, #tpu.memory_space<vmem>>, %arg14: memref<!tpu.dma_semaphore, #tpu.memory_space<semaphore_mem>>, %arg15: memref<!tpu.dma_semaphore, #tpu.memory_space<semaphore_mem>>, %arg16: memref<!tpu.dma_semaphore, #tpu.memory_space<semaphore_mem>>, %arg17: memref<!tpu.dma_semaphore, #tpu.memory_space<semaphore_mem>>, %arg18: memref<!tpu.dma_semaphore, #tpu.memory_space<semaphore_mem>>) attributes {dimension_semantics = [#tpu.dimension_semantics<core_parallel>, #tpu.dimension_semantics<subcore_parallel>], iteration_bounds = array<i64: 2, 16>, scalar_prefetch = 0 : i64, scratch_operands = 8 : i64, tpu.core_type = #tpu.core_type<sc_vector_subcore>, window_params = [{transform_indices = #map}, {transform_indices = #map}, {transform_indices = #map}, {transform_indices = #map}, {transform_indices = #map}, {transform_indices = #map}, {transform_indices = #map}, {transform_indices = #map}, {transform_indices = #map1}]} {
    %mul3A = arith.constant 2 : i32
    %mul3A_0 = arith.muli %arg1, %mul3A : i32
    %add3A = arith.addi %mul3A_0, %arg0 : i32
    %jit3A = arith.constant 8 : i32
    %div3A = arith.divsi %add3A, %jit3A : i32
    %sign3A = arith.constant 0 : i32
    %sign3A_1 = arith.cmpi sgt, %add3A, %sign3A : i32
    %sign3A_2 = arith.extui %sign3A_1 : i1 to i32
    %sign3A_3 = arith.constant 0 : i32
    %sign3A_4 = arith.cmpi slt, %add3A, %sign3A_3 : i32
    %sign3A_5 = arith.extui %sign3A_4 : i1 to i32
    %sign3A_6 = arith.subi %sign3A_2, %sign3A_5 : i32
    %sign3A_7 = arith.constant 0 : i32
    %sign3A_8 = arith.cmpi sgt, %jit3A, %sign3A_7 : i32
    %sign3A_9 = arith.extui %sign3A_8 : i1 to i32
    %sign3A_10 = arith.constant 0 : i32
    %sign3A_11 = arith.cmpi slt, %jit3A, %sign3A_10 : i32
    %sign3A_12 = arith.extui %sign3A_11 : i1 to i32
    %sign3A_13 = arith.subi %sign3A_9, %sign3A_12 : i32
    %ne3A = arith.cmpi ne, %sign3A_6, %sign3A_13 : i32
    %rem3A = arith.remsi %add3A, %jit3A : i32
    %ne3A_14 = arith.constant 0 : i32
    %ne3A_15 = arith.cmpi ne, %rem3A, %ne3A_14 : i32
    %and3A = arith.andi %ne3A, %ne3A_15 : i1
    %sub3A = arith.constant 1 : i32
    %sub3A_16 = arith.subi %div3A, %sub3A : i32
    %select_n3A = arith.select %and3A, %sub3A_16, %div3A : i32
    %jit3A_17 = arith.constant 8 : i32
    %eq3A = arith.constant 0 : i32
    %eq3A_18 = arith.cmpi eq, %jit3A_17, %eq3A : i32
    %jit3A_19 = arith.constant 1 : i32
    %select_n3A_20 = arith.select %eq3A_18, %jit3A_19, %jit3A_17 : i32
    %rem3A_21 = arith.remsi %add3A, %select_n3A_20 : i32
    %ne3A_22 = arith.constant 0 : i32
    %ne3A_23 = arith.cmpi ne, %rem3A_21, %ne3A_22 : i32
    %lt3A = arith.constant 0 : i32
    %lt3A_24 = arith.cmpi slt, %rem3A_21, %lt3A : i32
    %lt3A_25 = arith.constant 0 : i32
    %lt3A_26 = arith.cmpi slt, %select_n3A_20, %lt3A_25 : i32
    %ne3A_27 = arith.xori %lt3A_24, %lt3A_26 : i1
    %and3A_28 = arith.andi %ne3A_27, %ne3A_23 : i1
    %add3A_29 = arith.addi %rem3A_21, %select_n3A_20 : i32
    %select_n3A_30 = arith.select %and3A_28, %add3A_29, %rem3A_21 : i32
    %mul3A_31 = arith.constant 512 : i32
    %mul3A_32 = arith.muli %select_n3A_30, %mul3A_31 : i32
    %mul3A_33 = arith.constant 50 : i32
    %mul3A_34 = arith.muli %select_n3A, %mul3A_33 : i32
    %iota3A = tpu.iota {dimensions = array<i32: 0>} : vector<16xi32>
    %add3A_35 = arith.constant 0 : i32
    %add3A_36 = vector.broadcast %add3A_35 : i32 to vector<16xi32>
    %add3A_37 = arith.addi %iota3A, %add3A_36 : vector<16xi32>
    %add3A_38 = arith.constant 16 : i32
    %add3A_39 = vector.broadcast %add3A_38 : i32 to vector<16xi32>
    %add3A_40 = arith.addi %iota3A, %add3A_39 : vector<16xi32>
    %add3A_41 = arith.constant 32 : i32
    %add3A_42 = vector.broadcast %add3A_41 : i32 to vector<16xi32>
    %add3A_43 = arith.addi %iota3A, %add3A_42 : vector<16xi32>
    %add3A_44 = arith.constant 48 : i32
    %add3A_45 = vector.broadcast %add3A_44 : i32 to vector<16xi32>
    %add3A_46 = arith.addi %iota3A, %add3A_45 : vector<16xi32>
    %add3A_47 = arith.constant 0 : i32
    %add3A_48 = arith.addi %mul3A_34, %add3A_47 : i32
    %dma_start3A = arith.constant 0 : i32
    %dma_start3A_49 = arith.constant 0 : i32
    %dma_start3A_50 = arith.constant 0 : i32
    %dma_start3A_51 = tpu.memref_slice %arg11[%dma_start3A, %dma_start3A_49, %dma_start3A_50] : memref<2x4x512xi32, #tpu.memory_space<vmem>> -> memref<1x1x512xi32, #tpu.memory_space<vmem>>
    %dma_start3A_52 = tpu.memref_squeeze %dma_start3A_51 : memref<1x1x512xi32, #tpu.memory_space<vmem>> -> memref<512xi32, #tpu.memory_space<vmem>>
    %dma_start3A_53 = tpu.memref_slice %arg6[%add3A_48, %mul3A_32] : memref<200x4096xi32, #tpu.memory_space<hbm>> -> memref<1x512xi32, #tpu.memory_space<hbm>>
    %dma_start3A_54 = tpu.memref_squeeze %dma_start3A_53 : memref<1x512xi32, #tpu.memory_space<hbm>> -> memref<512xi32, #tpu.memory_space<hbm>>
    %dma_start3A_55 = arith.constant 0 : i32
    %dma_start3A_56 = tpu.memref_slice %arg11[%dma_start3A, %dma_start3A_49, %dma_start3A_55] : memref<2x4x512xi32, #tpu.memory_space<vmem>> -> memref<1x1x512xi32, #tpu.memory_space<vmem>>
    %dma_start3A_57 = tpu.memref_squeeze %dma_start3A_56 : memref<1x1x512xi32, #tpu.memory_space<vmem>> -> memref<512xi32, #tpu.memory_space<vmem>>
    %dma_start3A_58 = tpu.memref_slice %arg6[%add3A_48, %mul3A_32] : memref<200x4096xi32, #tpu.memory_space<hbm>> -> memref<1x512xi32, #tpu.memory_space<hbm>>
    %dma_start3A_59 = tpu.memref_squeeze %dma_start3A_58 : memref<1x512xi32, #tpu.memory_space<hbm>> -> memref<512xi32, #tpu.memory_space<hbm>>
    tpu.enqueue_dma source(%dma_start3A_59 : memref<512xi32, #tpu.memory_space<hbm>>) target(%dma_start3A_57 : memref<512xi32, #tpu.memory_space<vmem>>) target_semaphore(%arg16 : memref<!tpu.dma_semaphore, #tpu.memory_space<semaphore_mem>>)
    %dma_start3A_60 = arith.constant 0 : i32
    %dma_start3A_61 = arith.constant 1 : i32
    %dma_start3A_62 = arith.constant 0 : i32
    %dma_start3A_63 = tpu.memref_slice %arg11[%dma_start3A_60, %dma_start3A_61, %dma_start3A_62] : memref<2x4x512xi32, #tpu.memory_space<vmem>> -> memref<1x1x512xi32, #tpu.memory_space<vmem>>
    %dma_start3A_64 = tpu.memref_squeeze %dma_start3A_63 : memref<1x1x512xi32, #tpu.memory_space<vmem>> -> memref<512xi32, #tpu.memory_space<vmem>>
    %dma_start3A_65 = tpu.memref_slice %arg7[%add3A_48, %mul3A_32] : memref<200x4096xi32, #tpu.memory_space<hbm>> -> memref<1x512xi32, #tpu.memory_space<hbm>>
    %dma_start3A_66 = tpu.memref_squeeze %dma_start3A_65 : memref<1x512xi32, #tpu.memory_space<hbm>> -> memref<512xi32, #tpu.memory_space<hbm>>
    %dma_start3A_67 = arith.constant 0 : i32
    %dma_start3A_68 = tpu.memref_slice %arg11[%dma_start3A_60, %dma_start3A_61, %dma_start3A_67] : memref<2x4x512xi32, #tpu.memory_space<vmem>> -> memref<1x1x512xi32, #tpu.memory_space<vmem>>
    %dma_start3A_69 = tpu.memref_squeeze %dma_start3A_68 : memref<1x1x512xi32, #tpu.memory_space<vmem>> -> memref<512xi32, #tpu.memory_space<vmem>>
    %dma_start3A_70 = tpu.memref_slice %arg7[%add3A_48, %mul3A_32] : memref<200x4096xi32, #tpu.memory_space<hbm>> -> memref<1x512xi32, #tpu.memory_space<hbm>>
    %dma_start3A_71 = tpu.memref_squeeze %dma_start3A_70 : memref<1x512xi32, #tpu.memory_space<hbm>> -> memref<512xi32, #tpu.memory_space<hbm>>
    tpu.enqueue_dma source(%dma_start3A_71 : memref<512xi32, #tpu.memory_space<hbm>>) target(%dma_start3A_69 : memref<512xi32, #tpu.memory_space<vmem>>) target_semaphore(%arg16 : memref<!tpu.dma_semaphore, #tpu.memory_space<semaphore_mem>>)
    %dma_start3A_72 = arith.constant 0 : i32
    %dma_start3A_73 = arith.constant 2 : i32
    %dma_start3A_74 = arith.constant 0 : i32
    %dma_start3A_75 = tpu.memref_slice %arg11[%dma_start3A_72, %dma_start3A_73, %dma_start3A_74] : memref<2x4x512xi32, #tpu.memory_space<vmem>> -> memref<1x1x512xi32, #tpu.memory_space<vmem>>
    %dma_start3A_76 = tpu.memref_squeeze %dma_start3A_75 : memref<1x1x512xi32, #tpu.memory_space<vmem>> -> memref<512xi32, #tpu.memory_space<vmem>>
    %dma_start3A_77 = tpu.memref_slice %arg8[%add3A_48, %mul3A_32] : memref<200x4096xi32, #tpu.memory_space<hbm>> -> memref<1x512xi32, #tpu.memory_space<hbm>>
    %dma_start3A_78 = tpu.memref_squeeze %dma_start3A_77 : memref<1x512xi32, #tpu.memory_space<hbm>> -> memref<512xi32, #tpu.memory_space<hbm>>
    %dma_start3A_79 = arith.constant 0 : i32
    %dma_start3A_80 = tpu.memref_slice %arg11[%dma_start3A_72, %dma_start3A_73, %dma_start3A_79] : memref<2x4x512xi32, #tpu.memory_space<vmem>> -> memref<1x1x512xi32, #tpu.memory_space<vmem>>
    %dma_start3A_81 = tpu.memref_squeeze %dma_start3A_80 : memref<1x1x512xi32, #tpu.memory_space<vmem>> -> memref<512xi32, #tpu.memory_space<vmem>>
    %dma_start3A_82 = tpu.memref_slice %arg8[%add3A_48, %mul3A_32] : memref<200x4096xi32, #tpu.memory_space<hbm>> -> memref<1x512xi32, #tpu.memory_space<hbm>>
    %dma_start3A_83 = tpu.memref_squeeze %dma_start3A_82 : memref<1x512xi32, #tpu.memory_space<hbm>> -> memref<512xi32, #tpu.memory_space<hbm>>
    tpu.enqueue_dma source(%dma_start3A_83 : memref<512xi32, #tpu.memory_space<hbm>>) target(%dma_start3A_81 : memref<512xi32, #tpu.memory_space<vmem>>) target_semaphore(%arg16 : memref<!tpu.dma_semaphore, #tpu.memory_space<semaphore_mem>>)
    %dma_start3A_84 = arith.constant 0 : i32
    %dma_start3A_85 = arith.constant 3 : i32
    %dma_start3A_86 = arith.constant 0 : i32
    %dma_start3A_87 = tpu.memref_slice %arg11[%dma_start3A_84, %dma_start3A_85, %dma_start3A_86] : memref<2x4x512xi32, #tpu.memory_space<vmem>> -> memref<1x1x512xi32, #tpu.memory_space<vmem>>
    %dma_start3A_88 = tpu.memref_squeeze %dma_start3A_87 : memref<1x1x512xi32, #tpu.memory_space<vmem>> -> memref<512xi32, #tpu.memory_space<vmem>>
    %dma_start3A_89 = tpu.memref_slice %arg9[%add3A_48, %mul3A_32] : memref<200x4096xi32, #tpu.memory_space<hbm>> -> memref<1x512xi32, #tpu.memory_space<hbm>>
    %dma_start3A_90 = tpu.memref_squeeze %dma_start3A_89 : memref<1x512xi32, #tpu.memory_space<hbm>> -> memref<512xi32, #tpu.memory_space<hbm>>
    %dma_start3A_91 = arith.constant 0 : i32
    %dma_start3A_92 = tpu.memref_slice %arg11[%dma_start3A_84, %dma_start3A_85, %dma_start3A_91] : memref<2x4x512xi32, #tpu.memory_space<vmem>> -> memref<1x1x512xi32, #tpu.memory_space<vmem>>
    %dma_start3A_93 = tpu.memref_squeeze %dma_start3A_92 : memref<1x1x512xi32, #tpu.memory_space<vmem>> -> memref<512xi32, #tpu.memory_space<vmem>>
    %dma_start3A_94 = tpu.memref_slice %arg9[%add3A_48, %mul3A_32] : memref<200x4096xi32, #tpu.memory_space<hbm>> -> memref<1x512xi32, #tpu.memory_space<hbm>>
    %dma_start3A_95 = tpu.memref_squeeze %dma_start3A_94 : memref<1x512xi32, #tpu.memory_space<hbm>> -> memref<512xi32, #tpu.memory_space<hbm>>
    tpu.enqueue_dma source(%dma_start3A_95 : memref<512xi32, #tpu.memory_space<hbm>>) target(%dma_start3A_93 : memref<512xi32, #tpu.memory_space<vmem>>) target_semaphore(%arg16 : memref<!tpu.dma_semaphore, #tpu.memory_space<semaphore_mem>>)
    %dma_wait3A = arith.constant 0 : i32
    %dma_wait3A_96 = arith.constant 0 : i32
    %dma_wait3A_97 = arith.constant 0 : i32
    %dma_wait3A_98 = tpu.memref_slice %arg11[%dma_wait3A, %dma_wait3A_96, %dma_wait3A_97] : memref<2x4x512xi32, #tpu.memory_space<vmem>> -> memref<1x4x512xi32, #tpu.memory_space<vmem>>
    %dma_wait3A_99 = tpu.memref_squeeze %dma_wait3A_98 : memref<1x4x512xi32, #tpu.memory_space<vmem>> -> memref<4x512xi32, #tpu.memory_space<vmem>>
    %dma_wait3A_100 = arith.constant 0 : i32
    %dma_wait3A_101 = arith.constant 0 : i32
    %dma_wait3A_102 = tpu.memref_slice %arg6[%dma_wait3A_100, %dma_wait3A_101] : memref<200x4096xi32, #tpu.memory_space<hbm>> -> memref<4x512xi32, #tpu.memory_space<hbm>>
    %dma_wait3A_103 = arith.constant 0 : i32
    %dma_wait3A_104 = arith.constant 0 : i32
    %dma_wait3A_105 = tpu.memref_slice %arg11[%dma_wait3A, %dma_wait3A_103, %dma_wait3A_104] : memref<2x4x512xi32, #tpu.memory_space<vmem>> -> memref<1x4x512xi32, #tpu.memory_space<vmem>>
    %dma_wait3A_106 = tpu.memref_squeeze %dma_wait3A_105 : memref<1x4x512xi32, #tpu.memory_space<vmem>> -> memref<4x512xi32, #tpu.memory_space<vmem>>
    %dma_wait3A_107 = arith.constant 0 : i32
    %dma_wait3A_108 = arith.constant 0 : i32
    %dma_wait3A_109 = tpu.memref_slice %arg6[%dma_wait3A_107, %dma_wait3A_108] : memref<200x4096xi32, #tpu.memory_space<hbm>> -> memref<4x512xi32, #tpu.memory_space<hbm>>
    tpu.wait_dma2 semaphore(%arg16 : memref<!tpu.dma_semaphore, #tpu.memory_space<semaphore_mem>>) src(%dma_wait3A_109 : memref<4x512xi32, #tpu.memory_space<hbm>>) dst(%dma_wait3A_106 : memref<4x512xi32, #tpu.memory_space<vmem>>)
    %dma_start3A_110 = arith.constant 0 : i32
    %dma_start3A_111 = arith.constant 0 : i32
    %dma_start3A_112 = arith.constant 0 : i32
    %dma_start3A_113 = arith.constant 0 : i32
    %dma_start3A_114 = tpu.memref_slice %arg12[%dma_start3A_112, %dma_start3A_113] : memref<4096x16xf32, #tpu.memory_space<vmem>> -> memref<128x16xf32, #tpu.memory_space<vmem>>
    %dma_start3A_115 = arith.constant 0 : i32
    %dma_start3A_116 = tpu.memref_slice %arg11[%dma_start3A_110, %dma_start3A_111, %dma_start3A_115] : memref<2x4x512xi32, #tpu.memory_space<vmem>> -> memref<1x1x128xi32, #tpu.memory_space<vmem>>
    %dma_start3A_117 = tpu.memref_squeeze %dma_start3A_116 : memref<1x1x128xi32, #tpu.memory_space<vmem>> -> memref<128xi32, #tpu.memory_space<vmem>>
    %dma_start3A_118 = arith.constant 0 : i32
    %dma_start3A_119 = arith.constant 0 : i32
    %dma_start3A_120 = tpu.memref_slice %arg2[%dma_start3A_118, %dma_start3A_119] : memref<1000x16xf32, #tpu.memory_space<hbm>> -> memref<1000x16xf32, #tpu.memory_space<hbm>>
    tpu.enqueue_indirect_dma source(%dma_start3A_120 : memref<1000x16xf32, #tpu.memory_space<hbm>>) target(%dma_start3A_114 : memref<128x16xf32, #tpu.memory_space<vmem>>) offsets(%dma_start3A_117 : memref<128xi32, #tpu.memory_space<vmem>>) semaphore(%arg14 : memref<!tpu.dma_semaphore, #tpu.memory_space<semaphore_mem>>)
    %dma_start3A_121 = arith.constant 0 : i32
    %dma_start3A_122 = arith.constant 0 : i32
    %dma_start3A_123 = arith.constant 128 : i32
    %dma_start3A_124 = arith.constant 0 : i32
    %dma_start3A_125 = tpu.memref_slice %arg12[%dma_start3A_123, %dma_start3A_124] : memref<4096x16xf32, #tpu.memory_space<vmem>> -> memref<128x16xf32, #tpu.memory_space<vmem>>
    %dma_start3A_126 = arith.constant 128 : i32
    %dma_start3A_127 = tpu.memref_slice %arg11[%dma_start3A_121, %dma_start3A_122, %dma_start3A_126] : memref<2x4x512xi32, #tpu.memory_space<vmem>> -> memref<1x1x128xi32, #tpu.memory_space<vmem>>
    %dma_start3A_128 = tpu.memref_squeeze %dma_start3A_127 : memref<1x1x128xi32, #tpu.memory_space<vmem>> -> memref<128xi32, #tpu.memory_space<vmem>>
    %dma_start3A_129 = arith.constant 0 : i32
    %dma_start3A_130 = arith.constant 0 : i32
    %dma_start3A_131 = tpu.memref_slice %arg2[%dma_start3A_129, %dma_start3A_130] : memref<1000x16xf32, #tpu.memory_space<hbm>> -> memref<1000x16xf32, #tpu.memory_space<hbm>>
    tpu.enqueue_indirect_dma source(%dma_start3A_131 : memref<1000x16xf32, #tpu.memory_space<hbm>>) target(%dma_start3A_125 : memref<128x16xf32, #tpu.memory_space<vmem>>) offsets(%dma_start3A_128 : memref<128xi32, #tpu.memory_space<vmem>>) semaphore(%arg14 : memref<!tpu.dma_semaphore, #tpu.memory_space<semaphore_mem>>)
    %dma_start3A_132 = arith.constant 0 : i32
    %dma_start3A_133 = arith.constant 0 : i32
    %dma_start3A_134 = arith.constant 256 : i32
    %dma_start3A_135 = arith.constant 0 : i32
    %dma_start3A_136 = tpu.memref_slice %arg12[%dma_start3A_134, %dma_start3A_135] : memref<4096x16xf32, #tpu.memory_space<vmem>> -> memref<128x16xf32, #tpu.memory_space<vmem>>
    %dma_start3A_137 = arith.constant 256 : i32
    %dma_start3A_138 = tpu.memref_slice %arg11[%dma_start3A_132, %dma_start3A_133, %dma_start3A_137] : memref<2x4x512xi32, #tpu.memory_space<vmem>> -> memref<1x1x128xi32, #tpu.memory_space<vmem>>
    %dma_start3A_139 = tpu.memref_squeeze %dma_start3A_138 : memref<1x1x128xi32, #tpu.memory_space<vmem>> -> memref<128xi32, #tpu.memory_space<vmem>>
    %dma_start3A_140 = arith.constant 0 : i32
    %dma_start3A_141 = arith.constant 0 : i32
    %dma_start3A_142 = tpu.memref_slice %arg2[%dma_start3A_140, %dma_start3A_141] : memref<1000x16xf32, #tpu.memory_space<hbm>> -> memref<1000x16xf32, #tpu.memory_space<hbm>>
    tpu.enqueue_indirect_dma source(%dma_start3A_142 : memref<1000x16xf32, #tpu.memory_space<hbm>>) target(%dma_start3A_136 : memref<128x16xf32, #tpu.memory_space<vmem>>) offsets(%dma_start3A_139 : memref<128xi32, #tpu.memory_space<vmem>>) semaphore(%arg14 : memref<!tpu.dma_semaphore, #tpu.memory_space<semaphore_mem>>)
    %dma_start3A_143 = arith.constant 0 : i32
    %dma_start3A_144 = arith.constant 0 : i32
    %dma_start3A_145 = arith.constant 384 : i32
    %dma_start3A_146 = arith.constant 0 : i32
    %dma_start3A_147 = tpu.memref_slice %arg12[%dma_start3A_145, %dma_start3A_146] : memref<4096x16xf32, #tpu.memory_space<vmem>> -> memref<128x16xf32, #tpu.memory_space<vmem>>
    %dma_start3A_148 = arith.constant 384 : i32
    %dma_start3A_149 = tpu.memref_slice %arg11[%dma_start3A_143, %dma_start3A_144, %dma_start3A_148] : memref<2x4x512xi32, #tpu.memory_space<vmem>> -> memref<1x1x128xi32, #tpu.memory_space<vmem>>
    %dma_start3A_150 = tpu.memref_squeeze %dma_start3A_149 : memref<1x1x128xi32, #tpu.memory_space<vmem>> -> memref<128xi32, #tpu.memory_space<vmem>>
    %dma_start3A_151 = arith.constant 0 : i32
    %dma_start3A_152 = arith.constant 0 : i32
    %dma_start3A_153 = tpu.memref_slice %arg2[%dma_start3A_151, %dma_start3A_152] : memref<1000x16xf32, #tpu.memory_space<hbm>> -> memref<1000x16xf32, #tpu.memory_space<hbm>>
    tpu.enqueue_indirect_dma source(%dma_start3A_153 : memref<1000x16xf32, #tpu.memory_space<hbm>>) target(%dma_start3A_147 : memref<128x16xf32, #tpu.memory_space<vmem>>) offsets(%dma_start3A_150 : memref<128xi32, #tpu.memory_space<vmem>>) semaphore(%arg14 : memref<!tpu.dma_semaphore, #tpu.memory_space<semaphore_mem>>)
    %dma_start3A_154 = arith.constant 0 : i32
    %dma_start3A_155 = arith.constant 1 : i32
    %dma_start3A_156 = arith.constant 512 : i32
    %dma_start3A_157 = arith.constant 0 : i32
    %dma_start3A_158 = tpu.memref_slice %arg12[%dma_start3A_156, %dma_start3A_157] : memref<4096x16xf32, #tpu.memory_space<vmem>> -> memref<128x16xf32, #tpu.memory_space<vmem>>
    %dma_start3A_159 = arith.constant 0 : i32
    %dma_start3A_160 = tpu.memref_slice %arg11[%dma_start3A_154, %dma_start3A_155, %dma_start3A_159] : memref<2x4x512xi32, #tpu.memory_space<vmem>> -> memref<1x1x128xi32, #tpu.memory_space<vmem>>
    %dma_start3A_161 = tpu.memref_squeeze %dma_start3A_160 : memref<1x1x128xi32, #tpu.memory_space<vmem>> -> memref<128xi32, #tpu.memory_space<vmem>>
    %dma_start3A_162 = arith.constant 0 : i32
    %dma_start3A_163 = arith.constant 0 : i32
    %dma_start3A_164 = tpu.memref_slice %arg3[%dma_start3A_162, %dma_start3A_163] : memref<1000x16xf32, #tpu.memory_space<hbm>> -> memref<1000x16xf32, #tpu.memory_space<hbm>>
    tpu.enqueue_indirect_dma source(%dma_start3A_164 : memref<1000x16xf32, #tpu.memory_space<hbm>>) target(%dma_start3A_158 : memref<128x16xf32, #tpu.memory_space<vmem>>) offsets(%dma_start3A_161 : memref<128xi32, #tpu.memory_space<vmem>>) semaphore(%arg14 : memref<!tpu.dma_semaphore, #tpu.memory_space<semaphore_mem>>)
    %dma_start3A_165 = arith.constant 0 : i32
    %dma_start3A_166 = arith.constant 1 : i32
    %dma_start3A_167 = arith.constant 640 : i32
    %dma_start3A_168 = arith.constant 0 : i32
    %dma_start3A_169 = tpu.memref_slice %arg12[%dma_start3A_167, %dma_start3A_168] : memref<4096x16xf32, #tpu.memory_space<vmem>> -> memref<128x16xf32, #tpu.memory_space<vmem>>
    %dma_start3A_170 = arith.constant 128 : i32
    %dma_start3A_171 = tpu.memref_slice %arg11[%dma_start3A_165, %dma_start3A_166, %dma_start3A_170] : memref<2x4x512xi32, #tpu.memory_space<vmem>> -> memref<1x1x128xi32, #tpu.memory_space<vmem>>
    %dma_start3A_172 = tpu.memref_squeeze %dma_start3A_171 : memref<1x1x128xi32, #tpu.memory_space<vmem>> -> memref<128xi32, #tpu.memory_space<vmem>>
    %dma_start3A_173 = arith.constant 0 : i32
    %dma_start3A_174 = arith.constant 0 : i32
    %dma_start3A_175 = tpu.memref_slice %arg3[%dma_start3A_173, %dma_start3A_174] : memref<1000x16xf32, #tpu.memory_space<hbm>> -> memref<1000x16xf32, #tpu.memory_space<hbm>>
    tpu.enqueue_indirect_dma source(%dma_start3A_175 : memref<1000x16xf32, #tpu.memory_space<hbm>>) target(%dma_start3A_169 : memref<128x16xf32, #tpu.memory_space<vmem>>) offsets(%dma_start3A_172 : memref<128xi32, #tpu.memory_space<vmem>>) semaphore(%arg14 : memref<!tpu.dma_semaphore, #tpu.memory_space<semaphore_mem>>)
    %dma_start3A_176 = arith.constant 0 : i32
    %dma_start3A_177 = arith.constant 1 : i32
    %dma_start3A_178 = arith.constant 768 : i32
    %dma_start3A_179 = arith.constant 0 : i32
    %dma_start3A_180 = tpu.memref_slice %arg12[%dma_start3A_178, %dma_start3A_179] : memref<4096x16xf32, #tpu.memory_space<vmem>> -> memref<128x16xf32, #tpu.memory_space<vmem>>
    %dma_start3A_181 = arith.constant 256 : i32
    %dma_start3A_182 = tpu.memref_slice %arg11[%dma_start3A_176, %dma_start3A_177, %dma_start3A_181] : memref<2x4x512xi32, #tpu.memory_space<vmem>> -> memref<1x1x128xi32, #tpu.memory_space<vmem>>
    %dma_start3A_183 = tpu.memref_squeeze %dma_start3A_182 : memref<1x1x128xi32, #tpu.memory_space<vmem>> -> memref<128xi32, #tpu.memory_space<vmem>>
    %dma_start3A_184 = arith.constant 0 : i32
    %dma_start3A_185 = arith.constant 0 : i32
    %dma_start3A_186 = tpu.memref_slice %arg3[%dma_start3A_184, %dma_start3A_185] : memref<1000x16xf32, #tpu.memory_space<hbm>> -> memref<1000x16xf32, #tpu.memory_space<hbm>>
    tpu.enqueue_indirect_dma source(%dma_start3A_186 : memref<1000x16xf32, #tpu.memory_space<hbm>>) target(%dma_start3A_180 : memref<128x16xf32, #tpu.memory_space<vmem>>) offsets(%dma_start3A_183 : memref<128xi32, #tpu.memory_space<vmem>>) semaphore(%arg14 : memref<!tpu.dma_semaphore, #tpu.memory_space<semaphore_mem>>)
    %dma_start3A_187 = arith.constant 0 : i32
    %dma_start3A_188 = arith.constant 1 : i32
    %dma_start3A_189 = arith.constant 896 : i32
    %dma_start3A_190 = arith.constant 0 : i32
    %dma_start3A_191 = tpu.memref_slice %arg12[%dma_start3A_189, %dma_start3A_190] : memref<4096x16xf32, #tpu.memory_space<vmem>> -> memref<128x16xf32, #tpu.memory_space<vmem>>
    %dma_start3A_192 = arith.constant 384 : i32
    %dma_start3A_193 = tpu.memref_slice %arg11[%dma_start3A_187, %dma_start3A_188, %dma_start3A_192] : memref<2x4x512xi32, #tpu.memory_space<vmem>> -> memref<1x1x128xi32, #tpu.memory_space<vmem>>
    %dma_start3A_194 = tpu.memref_squeeze %dma_start3A_193 : memref<1x1x128xi32, #tpu.memory_space<vmem>> -> memref<128xi32, #tpu.memory_space<vmem>>
    %dma_start3A_195 = arith.constant 0 : i32
    %dma_start3A_196 = arith.constant 0 : i32
    %dma_start3A_197 = tpu.memref_slice %arg3[%dma_start3A_195, %dma_start3A_196] : memref<1000x16xf32, #tpu.memory_space<hbm>> -> memref<1000x16xf32, #tpu.memory_space<hbm>>
    tpu.enqueue_indirect_dma source(%dma_start3A_197 : memref<1000x16xf32, #tpu.memory_space<hbm>>) target(%dma_start3A_191 : memref<128x16xf32, #tpu.memory_space<vmem>>) offsets(%dma_start3A_194 : memref<128xi32, #tpu.memory_space<vmem>>) semaphore(%arg14 : memref<!tpu.dma_semaphore, #tpu.memory_space<semaphore_mem>>)
    %dma_start3A_198 = arith.constant 0 : i32
    %dma_start3A_199 = arith.constant 2 : i32
    %dma_start3A_200 = arith.constant 1024 : i32
    %dma_start3A_201 = arith.constant 0 : i32
    %dma_start3A_202 = tpu.memref_slice %arg12[%dma_start3A_200, %dma_start3A_201] : memref<4096x16xf32, #tpu.memory_space<vmem>> -> memref<128x16xf32, #tpu.memory_space<vmem>>
    %dma_start3A_203 = arith.constant 0 : i32
    %dma_start3A_204 = tpu.memref_slice %arg11[%dma_start3A_198, %dma_start3A_199, %dma_start3A_203] : memref<2x4x512xi32, #tpu.memory_space<vmem>> -> memref<1x1x128xi32, #tpu.memory_space<vmem>>
    %dma_start3A_205 = tpu.memref_squeeze %dma_start3A_204 : memref<1x1x128xi32, #tpu.memory_space<vmem>> -> memref<128xi32, #tpu.memory_space<vmem>>
    %dma_start3A_206 = arith.constant 0 : i32
    %dma_start3A_207 = arith.constant 0 : i32
    %dma_start3A_208 = tpu.memref_slice %arg4[%dma_start3A_206, %dma_start3A_207] : memref<100000x16xf32, #tpu.memory_space<hbm>> -> memref<100000x16xf32, #tpu.memory_space<hbm>>
    tpu.enqueue_indirect_dma source(%dma_start3A_208 : memref<100000x16xf32, #tpu.memory_space<hbm>>) target(%dma_start3A_202 : memref<128x16xf32, #tpu.memory_space<vmem>>) offsets(%dma_start3A_205 : memref<128xi32, #tpu.memory_space<vmem>>) semaphore(%arg14 : memref<!tpu.dma_semaphore, #tpu.memory_space<semaphore_mem>>)
    %dma_start3A_209 = arith.constant 0 : i32
    %dma_start3A_210 = arith.constant 2 : i32
    %dma_start3A_211 = arith.constant 1152 : i32
    %dma_start3A_212 = arith.constant 0 : i32
    %dma_start3A_213 = tpu.memref_slice %arg12[%dma_start3A_211, %dma_start3A_212] : memref<4096x16xf32, #tpu.memory_space<vmem>> -> memref<128x16xf32, #tpu.memory_space<vmem>>
    %dma_start3A_214 = arith.constant 128 : i32
    %dma_start3A_215 = tpu.memref_slice %arg11[%dma_start3A_209, %dma_start3A_210, %dma_start3A_214] : memref<2x4x512xi32, #tpu.memory_space<vmem>> -> memref<1x1x128xi32, #tpu.memory_space<vmem>>
    %dma_start3A_216 = tpu.memref_squeeze %dma_start3A_215 : memref<1x1x128xi32, #tpu.memory_space<vmem>> -> memref<128xi32, #tpu.memory_space<vmem>>
    %dma_start3A_217 = arith.constant 0 : i32
    %dma_start3A_218 = arith.constant 0 : i32
    %dma_start3A_219 = tpu.memref_slice %arg4[%dma_start3A_217, %dma_start3A_218] : memref<100000x16xf32, #tpu.memory_space<hbm>> -> memref<100000x16xf32, #tpu.memory_space<hbm>>
    tpu.enqueue_indirect_dma source(%dma_start3A_219 : memref<100000x16xf32, #tpu.memory_space<hbm>>) target(%dma_start3A_213 : memref<128x16xf32, #tpu.memory_space<vmem>>) offsets(%dma_start3A_216 : memref<128xi32, #tpu.memory_space<vmem>>) semaphore(%arg14 : memref<!tpu.dma_semaphore, #tpu.memory_space<semaphore_mem>>)
    %dma_start3A_220 = arith.constant 0 : i32
    %dma_start3A_221 = arith.constant 2 : i32
    %dma_start3A_222 = arith.constant 1280 : i32
    %dma_start3A_223 = arith.constant 0 : i32
    %dma_start3A_224 = tpu.memref_slice %arg12[%dma_start3A_222, %dma_start3A_223] : memref<4096x16xf32, #tpu.memory_space<vmem>> -> memref<128x16xf32, #tpu.memory_space<vmem>>
    %dma_start3A_225 = arith.constant 256 : i32
    %dma_start3A_226 = tpu.memref_slice %arg11[%dma_start3A_220, %dma_start3A_221, %dma_start3A_225] : memref<2x4x512xi32, #tpu.memory_space<vmem>> -> memref<1x1x128xi32, #tpu.memory_space<vmem>>
    %dma_start3A_227 = tpu.memref_squeeze %dma_start3A_226 : memref<1x1x128xi32, #tpu.memory_space<vmem>> -> memref<128xi32, #tpu.memory_space<vmem>>
    %dma_start3A_228 = arith.constant 0 : i32
    %dma_start3A_229 = arith.constant 0 : i32
    %dma_start3A_230 = tpu.memref_slice %arg4[%dma_start3A_228, %dma_start3A_229] : memref<100000x16xf32, #tpu.memory_space<hbm>> -> memref<100000x16xf32, #tpu.memory_space<hbm>>
    tpu.enqueue_indirect_dma source(%dma_start3A_230 : memref<100000x16xf32, #tpu.memory_space<hbm>>) target(%dma_start3A_224 : memref<128x16xf32, #tpu.memory_space<vmem>>) offsets(%dma_start3A_227 : memref<128xi32, #tpu.memory_space<vmem>>) semaphore(%arg14 : memref<!tpu.dma_semaphore, #tpu.memory_space<semaphore_mem>>)
    %dma_start3A_231 = arith.constant 0 : i32
    %dma_start3A_232 = arith.constant 2 : i32
    %dma_start3A_233 = arith.constant 1408 : i32
    %dma_start3A_234 = arith.constant 0 : i32
    %dma_start3A_235 = tpu.memref_slice %arg12[%dma_start3A_233, %dma_start3A_234] : memref<4096x16xf32, #tpu.memory_space<vmem>> -> memref<128x16xf32, #tpu.memory_space<vmem>>
    %dma_start3A_236 = arith.constant 384 : i32
    %dma_start3A_237 = tpu.memref_slice %arg11[%dma_start3A_231, %dma_start3A_232, %dma_start3A_236] : memref<2x4x512xi32, #tpu.memory_space<vmem>> -> memref<1x1x128xi32, #tpu.memory_space<vmem>>
    %dma_start3A_238 = tpu.memref_squeeze %dma_start3A_237 : memref<1x1x128xi32, #tpu.memory_space<vmem>> -> memref<128xi32, #tpu.memory_space<vmem>>
    %dma_start3A_239 = arith.constant 0 : i32
    %dma_start3A_240 = arith.constant 0 : i32
    %dma_start3A_241 = tpu.memref_slice %arg4[%dma_start3A_239, %dma_start3A_240] : memref<100000x16xf32, #tpu.memory_space<hbm>> -> memref<100000x16xf32, #tpu.memory_space<hbm>>
    tpu.enqueue_indirect_dma source(%dma_start3A_241 : memref<100000x16xf32, #tpu.memory_space<hbm>>) target(%dma_start3A_235 : memref<128x16xf32, #tpu.memory_space<vmem>>) offsets(%dma_start3A_238 : memref<128xi32, #tpu.memory_space<vmem>>) semaphore(%arg14 : memref<!tpu.dma_semaphore, #tpu.memory_space<semaphore_mem>>)
    %dma_start3A_242 = arith.constant 0 : i32
    %dma_start3A_243 = arith.constant 3 : i32
    %dma_start3A_244 = arith.constant 1536 : i32
    %dma_start3A_245 = arith.constant 0 : i32
    %dma_start3A_246 = tpu.memref_slice %arg12[%dma_start3A_244, %dma_start3A_245] : memref<4096x16xf32, #tpu.memory_space<vmem>> -> memref<128x16xf32, #tpu.memory_space<vmem>>
    %dma_start3A_247 = arith.constant 0 : i32
    %dma_start3A_248 = tpu.memref_slice %arg11[%dma_start3A_242, %dma_start3A_243, %dma_start3A_247] : memref<2x4x512xi32, #tpu.memory_space<vmem>> -> memref<1x1x128xi32, #tpu.memory_space<vmem>>
    %dma_start3A_249 = tpu.memref_squeeze %dma_start3A_248 : memref<1x1x128xi32, #tpu.memory_space<vmem>> -> memref<128xi32, #tpu.memory_space<vmem>>
    %dma_start3A_250 = arith.constant 0 : i32
    %dma_start3A_251 = arith.constant 0 : i32
    %dma_start3A_252 = tpu.memref_slice %arg5[%dma_start3A_250, %dma_start3A_251] : memref<1000x16xf32, #tpu.memory_space<hbm>> -> memref<1000x16xf32, #tpu.memory_space<hbm>>
    tpu.enqueue_indirect_dma source(%dma_start3A_252 : memref<1000x16xf32, #tpu.memory_space<hbm>>) target(%dma_start3A_246 : memref<128x16xf32, #tpu.memory_space<vmem>>) offsets(%dma_start3A_249 : memref<128xi32, #tpu.memory_space<vmem>>) semaphore(%arg14 : memref<!tpu.dma_semaphore, #tpu.memory_space<semaphore_mem>>)
    %dma_start3A_253 = arith.constant 0 : i32
    %dma_start3A_254 = arith.constant 3 : i32
    %dma_start3A_255 = arith.constant 1664 : i32
    %dma_start3A_256 = arith.constant 0 : i32
    %dma_start3A_257 = tpu.memref_slice %arg12[%dma_start3A_255, %dma_start3A_256] : memref<4096x16xf32, #tpu.memory_space<vmem>> -> memref<128x16xf32, #tpu.memory_space<vmem>>
    %dma_start3A_258 = arith.constant 128 : i32
    %dma_start3A_259 = tpu.memref_slice %arg11[%dma_start3A_253, %dma_start3A_254, %dma_start3A_258] : memref<2x4x512xi32, #tpu.memory_space<vmem>> -> memref<1x1x128xi32, #tpu.memory_space<vmem>>
    %dma_start3A_260 = tpu.memref_squeeze %dma_start3A_259 : memref<1x1x128xi32, #tpu.memory_space<vmem>> -> memref<128xi32, #tpu.memory_space<vmem>>
    %dma_start3A_261 = arith.constant 0 : i32
    %dma_start3A_262 = arith.constant 0 : i32
    %dma_start3A_263 = tpu.memref_slice %arg5[%dma_start3A_261, %dma_start3A_262] : memref<1000x16xf32, #tpu.memory_space<hbm>> -> memref<1000x16xf32, #tpu.memory_space<hbm>>
    tpu.enqueue_indirect_dma source(%dma_start3A_263 : memref<1000x16xf32, #tpu.memory_space<hbm>>) target(%dma_start3A_257 : memref<128x16xf32, #tpu.memory_space<vmem>>) offsets(%dma_start3A_260 : memref<128xi32, #tpu.memory_space<vmem>>) semaphore(%arg14 : memref<!tpu.dma_semaphore, #tpu.memory_space<semaphore_mem>>)
    %dma_start3A_264 = arith.constant 0 : i32
    %dma_start3A_265 = arith.constant 3 : i32
    %dma_start3A_266 = arith.constant 1792 : i32
    %dma_start3A_267 = arith.constant 0 : i32
    %dma_start3A_268 = tpu.memref_slice %arg12[%dma_start3A_266, %dma_start3A_267] : memref<4096x16xf32, #tpu.memory_space<vmem>> -> memref<128x16xf32, #tpu.memory_space<vmem>>
    %dma_start3A_269 = arith.constant 256 : i32
    %dma_start3A_270 = tpu.memref_slice %arg11[%dma_start3A_264, %dma_start3A_265, %dma_start3A_269] : memref<2x4x512xi32, #tpu.memory_space<vmem>> -> memref<1x1x128xi32, #tpu.memory_space<vmem>>
    %dma_start3A_271 = tpu.memref_squeeze %dma_start3A_270 : memref<1x1x128xi32, #tpu.memory_space<vmem>> -> memref<128xi32, #tpu.memory_space<vmem>>
    %dma_start3A_272 = arith.constant 0 : i32
    %dma_start3A_273 = arith.constant 0 : i32
    %dma_start3A_274 = tpu.memref_slice %arg5[%dma_start3A_272, %dma_start3A_273] : memref<1000x16xf32, #tpu.memory_space<hbm>> -> memref<1000x16xf32, #tpu.memory_space<hbm>>
    tpu.enqueue_indirect_dma source(%dma_start3A_274 : memref<1000x16xf32, #tpu.memory_space<hbm>>) target(%dma_start3A_268 : memref<128x16xf32, #tpu.memory_space<vmem>>) offsets(%dma_start3A_271 : memref<128xi32, #tpu.memory_space<vmem>>) semaphore(%arg14 : memref<!tpu.dma_semaphore, #tpu.memory_space<semaphore_mem>>)
    %dma_start3A_275 = arith.constant 0 : i32
    %dma_start3A_276 = arith.constant 3 : i32
    %dma_start3A_277 = arith.constant 1920 : i32
    %dma_start3A_278 = arith.constant 0 : i32
    %dma_start3A_279 = tpu.memref_slice %arg12[%dma_start3A_277, %dma_start3A_278] : memref<4096x16xf32, #tpu.memory_space<vmem>> -> memref<128x16xf32, #tpu.memory_space<vmem>>
    %dma_start3A_280 = arith.constant 384 : i32
    %dma_start3A_281 = tpu.memref_slice %arg11[%dma_start3A_275, %dma_start3A_276, %dma_start3A_280] : memref<2x4x512xi32, #tpu.memory_space<vmem>> -> memref<1x1x128xi32, #tpu.memory_space<vmem>>
    %dma_start3A_282 = tpu.memref_squeeze %dma_start3A_281 : memref<1x1x128xi32, #tpu.memory_space<vmem>> -> memref<128xi32, #tpu.memory_space<vmem>>
    %dma_start3A_283 = arith.constant 0 : i32
    %dma_start3A_284 = arith.constant 0 : i32
    %dma_start3A_285 = tpu.memref_slice %arg5[%dma_start3A_283, %dma_start3A_284] : memref<1000x16xf32, #tpu.memory_space<hbm>> -> memref<1000x16xf32, #tpu.memory_space<hbm>>
    tpu.enqueue_indirect_dma source(%dma_start3A_285 : memref<1000x16xf32, #tpu.memory_space<hbm>>) target(%dma_start3A_279 : memref<128x16xf32, #tpu.memory_space<vmem>>) offsets(%dma_start3A_282 : memref<128xi32, #tpu.memory_space<vmem>>) semaphore(%arg14 : memref<!tpu.dma_semaphore, #tpu.memory_space<semaphore_mem>>)
    %add3A_286 = arith.constant 1 : i32
    %add3A_287 = arith.addi %mul3A_34, %add3A_286 : i32
    %dma_start3A_288 = arith.constant 1 : i32
    %dma_start3A_289 = arith.constant 0 : i32
    %dma_start3A_290 = arith.constant 0 : i32
    %dma_start3A_291 = tpu.memref_slice %arg11[%dma_start3A_288, %dma_start3A_289, %dma_start3A_290] : memref<2x4x512xi32, #tpu.memory_space<vmem>> -> memref<1x1x512xi32, #tpu.memory_space<vmem>>
    %dma_start3A_292 = tpu.memref_squeeze %dma_start3A_291 : memref<1x1x512xi32, #tpu.memory_space<vmem>> -> memref<512xi32, #tpu.memory_space<vmem>>
    %dma_start3A_293 = tpu.memref_slice %arg6[%add3A_287, %mul3A_32] : memref<200x4096xi32, #tpu.memory_space<hbm>> -> memref<1x512xi32, #tpu.memory_space<hbm>>
    %dma_start3A_294 = tpu.memref_squeeze %dma_start3A_293 : memref<1x512xi32, #tpu.memory_space<hbm>> -> memref<512xi32, #tpu.memory_space<hbm>>
    %dma_start3A_295 = arith.constant 0 : i32
    %dma_start3A_296 = tpu.memref_slice %arg11[%dma_start3A_288, %dma_start3A_289, %dma_start3A_295] : memref<2x4x512xi32, #tpu.memory_space<vmem>> -> memref<1x1x512xi32, #tpu.memory_space<vmem>>
    %dma_start3A_297 = tpu.memref_squeeze %dma_start3A_296 : memref<1x1x512xi32, #tpu.memory_space<vmem>> -> memref<512xi32, #tpu.memory_space<vmem>>
    %dma_start3A_298 = tpu.memref_slice %arg6[%add3A_287, %mul3A_32] : memref<200x4096xi32, #tpu.memory_space<hbm>> -> memref<1x512xi32, #tpu.memory_space<hbm>>
    %dma_start3A_299 = tpu.memref_squeeze %dma_start3A_298 : memref<1x512xi32, #tpu.memory_space<hbm>> -> memref<512xi32, #tpu.memory_space<hbm>>
    tpu.enqueue_dma source(%dma_start3A_299 : memref<512xi32, #tpu.memory_space<hbm>>) target(%dma_start3A_297 : memref<512xi32, #tpu.memory_space<vmem>>) target_semaphore(%arg17 : memref<!tpu.dma_semaphore, #tpu.memory_space<semaphore_mem>>)
    %dma_start3A_300 = arith.constant 1 : i32
    %dma_start3A_301 = arith.constant 1 : i32
    %dma_start3A_302 = arith.constant 0 : i32
    %dma_start3A_303 = tpu.memref_slice %arg11[%dma_start3A_300, %dma_start3A_301, %dma_start3A_302] : memref<2x4x512xi32, #tpu.memory_space<vmem>> -> memref<1x1x512xi32, #tpu.memory_space<vmem>>
    %dma_start3A_304 = tpu.memref_squeeze %dma_start3A_303 : memref<1x1x512xi32, #tpu.memory_space<vmem>> -> memref<512xi32, #tpu.memory_space<vmem>>
    %dma_start3A_305 = tpu.memref_slice %arg7[%add3A_287, %mul3A_32] : memref<200x4096xi32, #tpu.memory_space<hbm>> -> memref<1x512xi32, #tpu.memory_space<hbm>>
    %dma_start3A_306 = tpu.memref_squeeze %dma_start3A_305 : memref<1x512xi32, #tpu.memory_space<hbm>> -> memref<512xi32, #tpu.memory_space<hbm>>
    %dma_start3A_307 = arith.constant 0 : i32
    %dma_start3A_308 = tpu.memref_slice %arg11[%dma_start3A_300, %dma_start3A_301, %dma_start3A_307] : memref<2x4x512xi32, #tpu.memory_space<vmem>> -> memref<1x1x512xi32, #tpu.memory_space<vmem>>
    %dma_start3A_309 = tpu.memref_squeeze %dma_start3A_308 : memref<1x1x512xi32, #tpu.memory_space<vmem>> -> memref<512xi32, #tpu.memory_space<vmem>>
    %dma_start3A_310 = tpu.memref_slice %arg7[%add3A_287, %mul3A_32] : memref<200x4096xi32, #tpu.memory_space<hbm>> -> memref<1x512xi32, #tpu.memory_space<hbm>>
    %dma_start3A_311 = tpu.memref_squeeze %dma_start3A_310 : memref<1x512xi32, #tpu.memory_space<hbm>> -> memref<512xi32, #tpu.memory_space<hbm>>
    tpu.enqueue_dma source(%dma_start3A_311 : memref<512xi32, #tpu.memory_space<hbm>>) target(%dma_start3A_309 : memref<512xi32, #tpu.memory_space<vmem>>) target_semaphore(%arg17 : memref<!tpu.dma_semaphore, #tpu.memory_space<semaphore_mem>>)
    %dma_start3A_312 = arith.constant 1 : i32
    %dma_start3A_313 = arith.constant 2 : i32
    %dma_start3A_314 = arith.constant 0 : i32
    %dma_start3A_315 = tpu.memref_slice %arg11[%dma_start3A_312, %dma_start3A_313, %dma_start3A_314] : memref<2x4x512xi32, #tpu.memory_space<vmem>> -> memref<1x1x512xi32, #tpu.memory_space<vmem>>
    %dma_start3A_316 = tpu.memref_squeeze %dma_start3A_315 : memref<1x1x512xi32, #tpu.memory_space<vmem>> -> memref<512xi32, #tpu.memory_space<vmem>>
    %dma_start3A_317 = tpu.memref_slice %arg8[%add3A_287, %mul3A_32] : memref<200x4096xi32, #tpu.memory_space<hbm>> -> memref<1x512xi32, #tpu.memory_space<hbm>>
    %dma_start3A_318 = tpu.memref_squeeze %dma_start3A_317 : memref<1x512xi32, #tpu.memory_space<hbm>> -> memref<512xi32, #tpu.memory_space<hbm>>
    %dma_start3A_319 = arith.constant 0 : i32
    %dma_start3A_320 = tpu.memref_slice %arg11[%dma_start3A_312, %dma_start3A_313, %dma_start3A_319] : memref<2x4x512xi32, #tpu.memory_space<vmem>> -> memref<1x1x512xi32, #tpu.memory_space<vmem>>
    %dma_start3A_321 = tpu.memref_squeeze %dma_start3A_320 : memref<1x1x512xi32, #tpu.memory_space<vmem>> -> memref<512xi32, #tpu.memory_space<vmem>>
    %dma_start3A_322 = tpu.memref_slice %arg8[%add3A_287, %mul3A_32] : memref<200x4096xi32, #tpu.memory_space<hbm>> -> memref<1x512xi32, #tpu.memory_space<hbm>>
    %dma_start3A_323 = tpu.memref_squeeze %dma_start3A_322 : memref<1x512xi32, #tpu.memory_space<hbm>> -> memref<512xi32, #tpu.memory_space<hbm>>
    tpu.enqueue_dma source(%dma_start3A_323 : memref<512xi32, #tpu.memory_space<hbm>>) target(%dma_start3A_321 : memref<512xi32, #tpu.memory_space<vmem>>) target_semaphore(%arg17 : memref<!tpu.dma_semaphore, #tpu.memory_space<semaphore_mem>>)
    %dma_start3A_324 = arith.constant 1 : i32
    %dma_start3A_325 = arith.constant 3 : i32
    %dma_start3A_326 = arith.constant 0 : i32
    %dma_start3A_327 = tpu.memref_slice %arg11[%dma_start3A_324, %dma_start3A_325, %dma_start3A_326] : memref<2x4x512xi32, #tpu.memory_space<vmem>> -> memref<1x1x512xi32, #tpu.memory_space<vmem>>
    %dma_start3A_328 = tpu.memref_squeeze %dma_start3A_327 : memref<1x1x512xi32, #tpu.memory_space<vmem>> -> memref<512xi32, #tpu.memory_space<vmem>>
    %dma_start3A_329 = tpu.memref_slice %arg9[%add3A_287, %mul3A_32] : memref<200x4096xi32, #tpu.memory_space<hbm>> -> memref<1x512xi32, #tpu.memory_space<hbm>>
    %dma_start3A_330 = tpu.memref_squeeze %dma_start3A_329 : memref<1x512xi32, #tpu.memory_space<hbm>> -> memref<512xi32, #tpu.memory_space<hbm>>
    %dma_start3A_331 = arith.constant 0 : i32
    %dma_start3A_332 = tpu.memref_slice %arg11[%dma_start3A_324, %dma_start3A_325, %dma_start3A_331] : memref<2x4x512xi32, #tpu.memory_space<vmem>> -> memref<1x1x512xi32, #tpu.memory_space<vmem>>
    %dma_start3A_333 = tpu.memref_squeeze %dma_start3A_332 : memref<1x1x512xi32, #tpu.memory_space<vmem>> -> memref<512xi32, #tpu.memory_space<vmem>>
    %dma_start3A_334 = tpu.memref_slice %arg9[%add3A_287, %mul3A_32] : memref<200x4096xi32, #tpu.memory_space<hbm>> -> memref<1x512xi32, #tpu.memory_space<hbm>>
    %dma_start3A_335 = tpu.memref_squeeze %dma_start3A_334 : memref<1x512xi32, #tpu.memory_space<hbm>> -> memref<512xi32, #tpu.memory_space<hbm>>
    tpu.enqueue_dma source(%dma_start3A_335 : memref<512xi32, #tpu.memory_space<hbm>>) target(%dma_start3A_333 : memref<512xi32, #tpu.memory_space<vmem>>) target_semaphore(%arg17 : memref<!tpu.dma_semaphore, #tpu.memory_space<semaphore_mem>>)
    %dma_start3A_336 = arith.constant 0 : i32
    %dma_start3A_337 = arith.constant 0 : i32
    %dma_start3A_338 = tpu.memref_slice %arg13[%dma_start3A_336, %dma_start3A_337] : memref<64x513xf32, #tpu.memory_space<vmem>> -> memref<64x512xf32, #tpu.memory_space<vmem>>
    %dma_start3A_339 = arith.constant 0 : i32
    %dma_start3A_340 = tpu.memref_slice %arg10[%mul3A_34, %dma_start3A_339, %mul3A_32] : memref<200x64x4096xf32, #tpu.memory_space<hbm>> -> memref<1x64x512xf32, #tpu.memory_space<hbm>>
    %dma_start3A_341 = tpu.memref_squeeze %dma_start3A_340 : memref<1x64x512xf32, #tpu.memory_space<hbm>> -> memref<64x512xf32, #tpu.memory_space<hbm>>
    %dma_start3A_342 = arith.constant 0 : i32
    %dma_start3A_343 = tpu.memref_slice %arg10[%mul3A_34, %dma_start3A_342, %mul3A_32] : memref<200x64x4096xf32, #tpu.memory_space<hbm>> -> memref<1x64x512xf32, #tpu.memory_space<hbm>>
    %dma_start3A_344 = tpu.memref_squeeze %dma_start3A_343 : memref<1x64x512xf32, #tpu.memory_space<hbm>> -> memref<64x512xf32, #tpu.memory_space<hbm>>
    %dma_start3A_345 = arith.constant 0 : i32
    %dma_start3A_346 = arith.constant 0 : i32
    %dma_start3A_347 = tpu.memref_slice %arg13[%dma_start3A_345, %dma_start3A_346] : memref<64x513xf32, #tpu.memory_space<vmem>> -> memref<64x512xf32, #tpu.memory_space<vmem>>
    tpu.enqueue_dma source(%dma_start3A_347 : memref<64x512xf32, #tpu.memory_space<vmem>>) target(%dma_start3A_344 : memref<64x512xf32, #tpu.memory_space<hbm>>) target_semaphore(%arg18 : memref<!tpu.dma_semaphore, #tpu.memory_space<semaphore_mem>>)
    %scan3A = arith.constant 0 : i32
    %scan3A_348 = arith.constant 0 : i32
    %scan3A_349 = arith.constant 25 : i32
    %scan3A_350 = arith.addi %scan3A_348, %scan3A_349 : i32
    %scan3A_351 = arith.constant 1 : i32
    scf.for %scan3A_365 = %scan3A_348 to %scan3A_350 step %scan3A_351  : i32 {
      %mul3A_366 = arith.constant 2 : i32
      %mul3A_367 = arith.muli %mul3A_366, %scan3A_365 : i32
      %add3A_368 = arith.constant 1 : i32
      %add3A_369 = arith.addi %mul3A_367, %add3A_368 : i32
      %dma_wait3A_370 = arith.constant 1 : i32
      %dma_wait3A_371 = arith.constant 0 : i32
      %dma_wait3A_372 = arith.constant 0 : i32
      %dma_wait3A_373 = tpu.memref_slice %arg11[%dma_wait3A_370, %dma_wait3A_371, %dma_wait3A_372] : memref<2x4x512xi32, #tpu.memory_space<vmem>> -> memref<1x4x512xi32, #tpu.memory_space<vmem>>
      %dma_wait3A_374 = tpu.memref_squeeze %dma_wait3A_373 : memref<1x4x512xi32, #tpu.memory_space<vmem>> -> memref<4x512xi32, #tpu.memory_space<vmem>>
      %dma_wait3A_375 = arith.constant 0 : i32
      %dma_wait3A_376 = arith.constant 0 : i32
      %dma_wait3A_377 = tpu.memref_slice %arg6[%dma_wait3A_375, %dma_wait3A_376] : memref<200x4096xi32, #tpu.memory_space<hbm>> -> memref<4x512xi32, #tpu.memory_space<hbm>>
      %dma_wait3A_378 = arith.constant 0 : i32
      %dma_wait3A_379 = arith.constant 0 : i32
      %dma_wait3A_380 = tpu.memref_slice %arg11[%dma_wait3A_370, %dma_wait3A_378, %dma_wait3A_379] : memref<2x4x512xi32, #tpu.memory_space<vmem>> -> memref<1x4x512xi32, #tpu.memory_space<vmem>>
      %dma_wait3A_381 = tpu.memref_squeeze %dma_wait3A_380 : memref<1x4x512xi32, #tpu.memory_space<vmem>> -> memref<4x512xi32, #tpu.memory_space<vmem>>
      %dma_wait3A_382 = arith.constant 0 : i32
      %dma_wait3A_383 = arith.constant 0 : i32
      %dma_wait3A_384 = tpu.memref_slice %arg6[%dma_wait3A_382, %dma_wait3A_383] : memref<200x4096xi32, #tpu.memory_space<hbm>> -> memref<4x512xi32, #tpu.memory_space<hbm>>
      tpu.wait_dma2 semaphore(%arg17 : memref<!tpu.dma_semaphore, #tpu.memory_space<semaphore_mem>>) src(%dma_wait3A_384 : memref<4x512xi32, #tpu.memory_space<hbm>>) dst(%dma_wait3A_381 : memref<4x512xi32, #tpu.memory_space<vmem>>)
      %dma_start3A_385 = arith.constant 1 : i32
      %dma_start3A_386 = arith.constant 0 : i32
      %dma_start3A_387 = arith.constant 2048 : i32
      %dma_start3A_388 = arith.constant 0 : i32
      %dma_start3A_389 = tpu.memref_slice %arg12[%dma_start3A_387, %dma_start3A_388] : memref<4096x16xf32, #tpu.memory_space<vmem>> -> memref<128x16xf32, #tpu.memory_space<vmem>>
      %dma_start3A_390 = arith.constant 0 : i32
      %dma_start3A_391 = tpu.memref_slice %arg11[%dma_start3A_385, %dma_start3A_386, %dma_start3A_390] : memref<2x4x512xi32, #tpu.memory_space<vmem>> -> memref<1x1x128xi32, #tpu.memory_space<vmem>>
      %dma_start3A_392 = tpu.memref_squeeze %dma_start3A_391 : memref<1x1x128xi32, #tpu.memory_space<vmem>> -> memref<128xi32, #tpu.memory_space<vmem>>
      %dma_start3A_393 = arith.constant 0 : i32
      %dma_start3A_394 = arith.constant 0 : i32
      %dma_start3A_395 = tpu.memref_slice %arg2[%dma_start3A_393, %dma_start3A_394] : memref<1000x16xf32, #tpu.memory_space<hbm>> -> memref<1000x16xf32, #tpu.memory_space<hbm>>
      tpu.enqueue_indirect_dma source(%dma_start3A_395 : memref<1000x16xf32, #tpu.memory_space<hbm>>) target(%dma_start3A_389 : memref<128x16xf32, #tpu.memory_space<vmem>>) offsets(%dma_start3A_392 : memref<128xi32, #tpu.memory_space<vmem>>) semaphore(%arg15 : memref<!tpu.dma_semaphore, #tpu.memory_space<semaphore_mem>>)
      %dma_start3A_396 = arith.constant 1 : i32
      %dma_start3A_397 = arith.constant 0 : i32
      %dma_start3A_398 = arith.constant 2176 : i32
      %dma_start3A_399 = arith.constant 0 : i32
      %dma_start3A_400 = tpu.memref_slice %arg12[%dma_start3A_398, %dma_start3A_399] : memref<4096x16xf32, #tpu.memory_space<vmem>> -> memref<128x16xf32, #tpu.memory_space<vmem>>
      %dma_start3A_401 = arith.constant 128 : i32
      %dma_start3A_402 = tpu.memref_slice %arg11[%dma_start3A_396, %dma_start3A_397, %dma_start3A_401] : memref<2x4x512xi32, #tpu.memory_space<vmem>> -> memref<1x1x128xi32, #tpu.memory_space<vmem>>
      %dma_start3A_403 = tpu.memref_squeeze %dma_start3A_402 : memref<1x1x128xi32, #tpu.memory_space<vmem>> -> memref<128xi32, #tpu.memory_space<vmem>>
      %dma_start3A_404 = arith.constant 0 : i32
      %dma_start3A_405 = arith.constant 0 : i32
      %dma_start3A_406 = tpu.memref_slice %arg2[%dma_start3A_404, %dma_start3A_405] : memref<1000x16xf32, #tpu.memory_space<hbm>> -> memref<1000x16xf32, #tpu.memory_space<hbm>>
      tpu.enqueue_indirect_dma source(%dma_start3A_406 : memref<1000x16xf32, #tpu.memory_space<hbm>>) target(%dma_start3A_400 : memref<128x16xf32, #tpu.memory_space<vmem>>) offsets(%dma_start3A_403 : memref<128xi32, #tpu.memory_space<vmem>>) semaphore(%arg15 : memref<!tpu.dma_semaphore, #tpu.memory_space<semaphore_mem>>)
      %dma_start3A_407 = arith.constant 1 : i32
      %dma_start3A_408 = arith.constant 0 : i32
      %dma_start3A_409 = arith.constant 2304 : i32
      %dma_start3A_410 = arith.constant 0 : i32
      %dma_start3A_411 = tpu.memref_slice %arg12[%dma_start3A_409, %dma_start3A_410] : memref<4096x16xf32, #tpu.memory_space<vmem>> -> memref<128x16xf32, #tpu.memory_space<vmem>>
      %dma_start3A_412 = arith.constant 256 : i32
      %dma_start3A_413 = tpu.memref_slice %arg11[%dma_start3A_407, %dma_start3A_408, %dma_start3A_412] : memref<2x4x512xi32, #tpu.memory_space<vmem>> -> memref<1x1x128xi32, #tpu.memory_space<vmem>>
      %dma_start3A_414 = tpu.memref_squeeze %dma_start3A_413 : memref<1x1x128xi32, #tpu.memory_space<vmem>> -> memref<128xi32, #tpu.memory_space<vmem>>
      %dma_start3A_415 = arith.constant 0 : i32
      %dma_start3A_416 = arith.constant 0 : i32
      %dma_start3A_417 = tpu.memref_slice %arg2[%dma_start3A_415, %dma_start3A_416] : memref<1000x16xf32, #tpu.memory_space<hbm>> -> memref<1000x16xf32, #tpu.memory_space<hbm>>
      tpu.enqueue_indirect_dma source(%dma_start3A_417 : memref<1000x16xf32, #tpu.memory_space<hbm>>) target(%dma_start3A_411 : memref<128x16xf32, #tpu.memory_space<vmem>>) offsets(%dma_start3A_414 : memref<128xi32, #tpu.memory_space<vmem>>) semaphore(%arg15 : memref<!tpu.dma_semaphore, #tpu.memory_space<semaphore_mem>>)
      %dma_start3A_418 = arith.constant 1 : i32
      %dma_start3A_419 = arith.constant 0 : i32
      %dma_start3A_420 = arith.constant 2432 : i32
      %dma_start3A_421 = arith.constant 0 : i32
      %dma_start3A_422 = tpu.memref_slice %arg12[%dma_start3A_420, %dma_start3A_421] : memref<4096x16xf32, #tpu.memory_space<vmem>> -> memref<128x16xf32, #tpu.memory_space<vmem>>
      %dma_start3A_423 = arith.constant 384 : i32
      %dma_start3A_424 = tpu.memref_slice %arg11[%dma_start3A_418, %dma_start3A_419, %dma_start3A_423] : memref<2x4x512xi32, #tpu.memory_space<vmem>> -> memref<1x1x128xi32, #tpu.memory_space<vmem>>
      %dma_start3A_425 = tpu.memref_squeeze %dma_start3A_424 : memref<1x1x128xi32, #tpu.memory_space<vmem>> -> memref<128xi32, #tpu.memory_space<vmem>>
      %dma_start3A_426 = arith.constant 0 : i32
      %dma_start3A_427 = arith.constant 0 : i32
      %dma_start3A_428 = tpu.memref_slice %arg2[%dma_start3A_426, %dma_start3A_427] : memref<1000x16xf32, #tpu.memory_space<hbm>> -> memref<1000x16xf32, #tpu.memory_space<hbm>>
      tpu.enqueue_indirect_dma source(%dma_start3A_428 : memref<1000x16xf32, #tpu.memory_space<hbm>>) target(%dma_start3A_422 : memref<128x16xf32, #tpu.memory_space<vmem>>) offsets(%dma_start3A_425 : memref<128xi32, #tpu.memory_space<vmem>>) semaphore(%arg15 : memref<!tpu.dma_semaphore, #tpu.memory_space<semaphore_mem>>)
      %dma_start3A_429 = arith.constant 1 : i32
      %dma_start3A_430 = arith.constant 1 : i32
      %dma_start3A_431 = arith.constant 2560 : i32
      %dma_start3A_432 = arith.constant 0 : i32
      %dma_start3A_433 = tpu.memref_slice %arg12[%dma_start3A_431, %dma_start3A_432] : memref<4096x16xf32, #tpu.memory_space<vmem>> -> memref<128x16xf32, #tpu.memory_space<vmem>>
      %dma_start3A_434 = arith.constant 0 : i32
      %dma_start3A_435 = tpu.memref_slice %arg11[%dma_start3A_429, %dma_start3A_430, %dma_start3A_434] : memref<2x4x512xi32, #tpu.memory_space<vmem>> -> memref<1x1x128xi32, #tpu.memory_space<vmem>>
      %dma_start3A_436 = tpu.memref_squeeze %dma_start3A_435 : memref<1x1x128xi32, #tpu.memory_space<vmem>> -> memref<128xi32, #tpu.memory_space<vmem>>
      %dma_start3A_437 = arith.constant 0 : i32
      %dma_start3A_438 = arith.constant 0 : i32
      %dma_start3A_439 = tpu.memref_slice %arg3[%dma_start3A_437, %dma_start3A_438] : memref<1000x16xf32, #tpu.memory_space<hbm>> -> memref<1000x16xf32, #tpu.memory_space<hbm>>
      tpu.enqueue_indirect_dma source(%dma_start3A_439 : memref<1000x16xf32, #tpu.memory_space<hbm>>) target(%dma_start3A_433 : memref<128x16xf32, #tpu.memory_space<vmem>>) offsets(%dma_start3A_436 : memref<128xi32, #tpu.memory_space<vmem>>) semaphore(%arg15 : memref<!tpu.dma_semaphore, #tpu.memory_space<semaphore_mem>>)
      %dma_start3A_440 = arith.constant 1 : i32
      %dma_start3A_441 = arith.constant 1 : i32
      %dma_start3A_442 = arith.constant 2688 : i32
      %dma_start3A_443 = arith.constant 0 : i32
      %dma_start3A_444 = tpu.memref_slice %arg12[%dma_start3A_442, %dma_start3A_443] : memref<4096x16xf32, #tpu.memory_space<vmem>> -> memref<128x16xf32, #tpu.memory_space<vmem>>
      %dma_start3A_445 = arith.constant 128 : i32
      %dma_start3A_446 = tpu.memref_slice %arg11[%dma_start3A_440, %dma_start3A_441, %dma_start3A_445] : memref<2x4x512xi32, #tpu.memory_space<vmem>> -> memref<1x1x128xi32, #tpu.memory_space<vmem>>
      %dma_start3A_447 = tpu.memref_squeeze %dma_start3A_446 : memref<1x1x128xi32, #tpu.memory_space<vmem>> -> memref<128xi32, #tpu.memory_space<vmem>>
      %dma_start3A_448 = arith.constant 0 : i32
      %dma_start3A_449 = arith.constant 0 : i32
      %dma_start3A_450 = tpu.memref_slice %arg3[%dma_start3A_448, %dma_start3A_449] : memref<1000x16xf32, #tpu.memory_space<hbm>> -> memref<1000x16xf32, #tpu.memory_space<hbm>>
      tpu.enqueue_indirect_dma source(%dma_start3A_450 : memref<1000x16xf32, #tpu.memory_space<hbm>>) target(%dma_start3A_444 : memref<128x16xf32, #tpu.memory_space<vmem>>) offsets(%dma_start3A_447 : memref<128xi32, #tpu.memory_space<vmem>>) semaphore(%arg15 : memref<!tpu.dma_semaphore, #tpu.memory_space<semaphore_mem>>)
      %dma_start3A_451 = arith.constant 1 : i32
      %dma_start3A_452 = arith.constant 1 : i32
      %dma_start3A_453 = arith.constant 2816 : i32
      %dma_start3A_454 = arith.constant 0 : i32
      %dma_start3A_455 = tpu.memref_slice %arg12[%dma_start3A_453, %dma_start3A_454] : memref<4096x16xf32, #tpu.memory_space<vmem>> -> memref<128x16xf32, #tpu.memory_space<vmem>>
      %dma_start3A_456 = arith.constant 256 : i32
      %dma_start3A_457 = tpu.memref_slice %arg11[%dma_start3A_451, %dma_start3A_452, %dma_start3A_456] : memref<2x4x512xi32, #tpu.memory_space<vmem>> -> memref<1x1x128xi32, #tpu.memory_space<vmem>>
      %dma_start3A_458 = tpu.memref_squeeze %dma_start3A_457 : memref<1x1x128xi32, #tpu.memory_space<vmem>> -> memref<128xi32, #tpu.memory_space<vmem>>
      %dma_start3A_459 = arith.constant 0 : i32
      %dma_start3A_460 = arith.constant 0 : i32
      %dma_start3A_461 = tpu.memref_slice %arg3[%dma_start3A_459, %dma_start3A_460] : memref<1000x16xf32, #tpu.memory_space<hbm>> -> memref<1000x16xf32, #tpu.memory_space<hbm>>
      tpu.enqueue_indirect_dma source(%dma_start3A_461 : memref<1000x16xf32, #tpu.memory_space<hbm>>) target(%dma_start3A_455 : memref<128x16xf32, #tpu.memory_space<vmem>>) offsets(%dma_start3A_458 : memref<128xi32, #tpu.memory_space<vmem>>) semaphore(%arg15 : memref<!tpu.dma_semaphore, #tpu.memory_space<semaphore_mem>>)
      %dma_start3A_462 = arith.constant 1 : i32
      %dma_start3A_463 = arith.constant 1 : i32
      %dma_start3A_464 = arith.constant 2944 : i32
      %dma_start3A_465 = arith.constant 0 : i32
      %dma_start3A_466 = tpu.memref_slice %arg12[%dma_start3A_464, %dma_start3A_465] : memref<4096x16xf32, #tpu.memory_space<vmem>> -> memref<128x16xf32, #tpu.memory_space<vmem>>
      %dma_start3A_467 = arith.constant 384 : i32
      %dma_start3A_468 = tpu.memref_slice %arg11[%dma_start3A_462, %dma_start3A_463, %dma_start3A_467] : memref<2x4x512xi32, #tpu.memory_space<vmem>> -> memref<1x1x128xi32, #tpu.memory_space<vmem>>
      %dma_start3A_469 = tpu.memref_squeeze %dma_start3A_468 : memref<1x1x128xi32, #tpu.memory_space<vmem>> -> memref<128xi32, #tpu.memory_space<vmem>>
      %dma_start3A_470 = arith.constant 0 : i32
      %dma_start3A_471 = arith.constant 0 : i32
      %dma_start3A_472 = tpu.memref_slice %arg3[%dma_start3A_470, %dma_start3A_471] : memref<1000x16xf32, #tpu.memory_space<hbm>> -> memref<1000x16xf32, #tpu.memory_space<hbm>>
      tpu.enqueue_indirect_dma source(%dma_start3A_472 : memref<1000x16xf32, #tpu.memory_space<hbm>>) target(%dma_start3A_466 : memref<128x16xf32, #tpu.memory_space<vmem>>) offsets(%dma_start3A_469 : memref<128xi32, #tpu.memory_space<vmem>>) semaphore(%arg15 : memref<!tpu.dma_semaphore, #tpu.memory_space<semaphore_mem>>)
      %dma_start3A_473 = arith.constant 1 : i32
      %dma_start3A_474 = arith.constant 2 : i32
      %dma_start3A_475 = arith.constant 3072 : i32
      %dma_start3A_476 = arith.constant 0 : i32
      %dma_start3A_477 = tpu.memref_slice %arg12[%dma_start3A_475, %dma_start3A_476] : memref<4096x16xf32, #tpu.memory_space<vmem>> -> memref<128x16xf32, #tpu.memory_space<vmem>>
      %dma_start3A_478 = arith.constant 0 : i32
      %dma_start3A_479 = tpu.memref_slice %arg11[%dma_start3A_473, %dma_start3A_474, %dma_start3A_478] : memref<2x4x512xi32, #tpu.memory_space<vmem>> -> memref<1x1x128xi32, #tpu.memory_space<vmem>>
      %dma_start3A_480 = tpu.memref_squeeze %dma_start3A_479 : memref<1x1x128xi32, #tpu.memory_space<vmem>> -> memref<128xi32, #tpu.memory_space<vmem>>
      %dma_start3A_481 = arith.constant 0 : i32
      %dma_start3A_482 = arith.constant 0 : i32
      %dma_start3A_483 = tpu.memref_slice %arg4[%dma_start3A_481, %dma_start3A_482] : memref<100000x16xf32, #tpu.memory_space<hbm>> -> memref<100000x16xf32, #tpu.memory_space<hbm>>
      tpu.enqueue_indirect_dma source(%dma_start3A_483 : memref<100000x16xf32, #tpu.memory_space<hbm>>) target(%dma_start3A_477 : memref<128x16xf32, #tpu.memory_space<vmem>>) offsets(%dma_start3A_480 : memref<128xi32, #tpu.memory_space<vmem>>) semaphore(%arg15 : memref<!tpu.dma_semaphore, #tpu.memory_space<semaphore_mem>>)
      %dma_start3A_484 = arith.constant 1 : i32
      %dma_start3A_485 = arith.constant 2 : i32
      %dma_start3A_486 = arith.constant 3200 : i32
      %dma_start3A_487 = arith.constant 0 : i32
      %dma_start3A_488 = tpu.memref_slice %arg12[%dma_start3A_486, %dma_start3A_487] : memref<4096x16xf32, #tpu.memory_space<vmem>> -> memref<128x16xf32, #tpu.memory_space<vmem>>
      %dma_start3A_489 = arith.constant 128 : i32
      %dma_start3A_490 = tpu.memref_slice %arg11[%dma_start3A_484, %dma_start3A_485, %dma_start3A_489] : memref<2x4x512xi32, #tpu.memory_space<vmem>> -> memref<1x1x128xi32, #tpu.memory_space<vmem>>
      %dma_start3A_491 = tpu.memref_squeeze %dma_start3A_490 : memref<1x1x128xi32, #tpu.memory_space<vmem>> -> memref<128xi32, #tpu.memory_space<vmem>>
      %dma_start3A_492 = arith.constant 0 : i32
      %dma_start3A_493 = arith.constant 0 : i32
      %dma_start3A_494 = tpu.memref_slice %arg4[%dma_start3A_492, %dma_start3A_493] : memref<100000x16xf32, #tpu.memory_space<hbm>> -> memref<100000x16xf32, #tpu.memory_space<hbm>>
      tpu.enqueue_indirect_dma source(%dma_start3A_494 : memref<100000x16xf32, #tpu.memory_space<hbm>>) target(%dma_start3A_488 : memref<128x16xf32, #tpu.memory_space<vmem>>) offsets(%dma_start3A_491 : memref<128xi32, #tpu.memory_space<vmem>>) semaphore(%arg15 : memref<!tpu.dma_semaphore, #tpu.memory_space<semaphore_mem>>)
      %dma_start3A_495 = arith.constant 1 : i32
      %dma_start3A_496 = arith.constant 2 : i32
      %dma_start3A_497 = arith.constant 3328 : i32
      %dma_start3A_498 = arith.constant 0 : i32
      %dma_start3A_499 = tpu.memref_slice %arg12[%dma_start3A_497, %dma_start3A_498] : memref<4096x16xf32, #tpu.memory_space<vmem>> -> memref<128x16xf32, #tpu.memory_space<vmem>>
      %dma_start3A_500 = arith.constant 256 : i32
      %dma_start3A_501 = tpu.memref_slice %arg11[%dma_start3A_495, %dma_start3A_496, %dma_start3A_500] : memref<2x4x512xi32, #tpu.memory_space<vmem>> -> memref<1x1x128xi32, #tpu.memory_space<vmem>>
      %dma_start3A_502 = tpu.memref_squeeze %dma_start3A_501 : memref<1x1x128xi32, #tpu.memory_space<vmem>> -> memref<128xi32, #tpu.memory_space<vmem>>
      %dma_start3A_503 = arith.constant 0 : i32
      %dma_start3A_504 = arith.constant 0 : i32
      %dma_start3A_505 = tpu.memref_slice %arg4[%dma_start3A_503, %dma_start3A_504] : memref<100000x16xf32, #tpu.memory_space<hbm>> -> memref<100000x16xf32, #tpu.memory_space<hbm>>
      tpu.enqueue_indirect_dma source(%dma_start3A_505 : memref<100000x16xf32, #tpu.memory_space<hbm>>) target(%dma_start3A_499 : memref<128x16xf32, #tpu.memory_space<vmem>>) offsets(%dma_start3A_502 : memref<128xi32, #tpu.memory_space<vmem>>) semaphore(%arg15 : memref<!tpu.dma_semaphore, #tpu.memory_space<semaphore_mem>>)
      %dma_start3A_506 = arith.constant 1 : i32
      %dma_start3A_507 = arith.constant 2 : i32
      %dma_start3A_508 = arith.constant 3456 : i32
      %dma_start3A_509 = arith.constant 0 : i32
      %dma_start3A_510 = tpu.memref_slice %arg12[%dma_start3A_508, %dma_start3A_509] : memref<4096x16xf32, #tpu.memory_space<vmem>> -> memref<128x16xf32, #tpu.memory_space<vmem>>
      %dma_start3A_511 = arith.constant 384 : i32
      %dma_start3A_512 = tpu.memref_slice %arg11[%dma_start3A_506, %dma_start3A_507, %dma_start3A_511] : memref<2x4x512xi32, #tpu.memory_space<vmem>> -> memref<1x1x128xi32, #tpu.memory_space<vmem>>
      %dma_start3A_513 = tpu.memref_squeeze %dma_start3A_512 : memref<1x1x128xi32, #tpu.memory_space<vmem>> -> memref<128xi32, #tpu.memory_space<vmem>>
      %dma_start3A_514 = arith.constant 0 : i32
      %dma_start3A_515 = arith.constant 0 : i32
      %dma_start3A_516 = tpu.memref_slice %arg4[%dma_start3A_514, %dma_start3A_515] : memref<100000x16xf32, #tpu.memory_space<hbm>> -> memref<100000x16xf32, #tpu.memory_space<hbm>>
      tpu.enqueue_indirect_dma source(%dma_start3A_516 : memref<100000x16xf32, #tpu.memory_space<hbm>>) target(%dma_start3A_510 : memref<128x16xf32, #tpu.memory_space<vmem>>) offsets(%dma_start3A_513 : memref<128xi32, #tpu.memory_space<vmem>>) semaphore(%arg15 : memref<!tpu.dma_semaphore, #tpu.memory_space<semaphore_mem>>)
      %dma_start3A_517 = arith.constant 1 : i32
      %dma_start3A_518 = arith.constant 3 : i32
      %dma_start3A_519 = arith.constant 3584 : i32
      %dma_start3A_520 = arith.constant 0 : i32
      %dma_start3A_521 = tpu.memref_slice %arg12[%dma_start3A_519, %dma_start3A_520] : memref<4096x16xf32, #tpu.memory_space<vmem>> -> memref<128x16xf32, #tpu.memory_space<vmem>>
      %dma_start3A_522 = arith.constant 0 : i32
      %dma_start3A_523 = tpu.memref_slice %arg11[%dma_start3A_517, %dma_start3A_518, %dma_start3A_522] : memref<2x4x512xi32, #tpu.memory_space<vmem>> -> memref<1x1x128xi32, #tpu.memory_space<vmem>>
      %dma_start3A_524 = tpu.memref_squeeze %dma_start3A_523 : memref<1x1x128xi32, #tpu.memory_space<vmem>> -> memref<128xi32, #tpu.memory_space<vmem>>
      %dma_start3A_525 = arith.constant 0 : i32
      %dma_start3A_526 = arith.constant 0 : i32
      %dma_start3A_527 = tpu.memref_slice %arg5[%dma_start3A_525, %dma_start3A_526] : memref<1000x16xf32, #tpu.memory_space<hbm>> -> memref<1000x16xf32, #tpu.memory_space<hbm>>
      tpu.enqueue_indirect_dma source(%dma_start3A_527 : memref<1000x16xf32, #tpu.memory_space<hbm>>) target(%dma_start3A_521 : memref<128x16xf32, #tpu.memory_space<vmem>>) offsets(%dma_start3A_524 : memref<128xi32, #tpu.memory_space<vmem>>) semaphore(%arg15 : memref<!tpu.dma_semaphore, #tpu.memory_space<semaphore_mem>>)
      %dma_start3A_528 = arith.constant 1 : i32
      %dma_start3A_529 = arith.constant 3 : i32
      %dma_start3A_530 = arith.constant 3712 : i32
      %dma_start3A_531 = arith.constant 0 : i32
      %dma_start3A_532 = tpu.memref_slice %arg12[%dma_start3A_530, %dma_start3A_531] : memref<4096x16xf32, #tpu.memory_space<vmem>> -> memref<128x16xf32, #tpu.memory_space<vmem>>
      %dma_start3A_533 = arith.constant 128 : i32
      %dma_start3A_534 = tpu.memref_slice %arg11[%dma_start3A_528, %dma_start3A_529, %dma_start3A_533] : memref<2x4x512xi32, #tpu.memory_space<vmem>> -> memref<1x1x128xi32, #tpu.memory_space<vmem>>
      %dma_start3A_535 = tpu.memref_squeeze %dma_start3A_534 : memref<1x1x128xi32, #tpu.memory_space<vmem>> -> memref<128xi32, #tpu.memory_space<vmem>>
      %dma_start3A_536 = arith.constant 0 : i32
      %dma_start3A_537 = arith.constant 0 : i32
      %dma_start3A_538 = tpu.memref_slice %arg5[%dma_start3A_536, %dma_start3A_537] : memref<1000x16xf32, #tpu.memory_space<hbm>> -> memref<1000x16xf32, #tpu.memory_space<hbm>>
      tpu.enqueue_indirect_dma source(%dma_start3A_538 : memref<1000x16xf32, #tpu.memory_space<hbm>>) target(%dma_start3A_532 : memref<128x16xf32, #tpu.memory_space<vmem>>) offsets(%dma_start3A_535 : memref<128xi32, #tpu.memory_space<vmem>>) semaphore(%arg15 : memref<!tpu.dma_semaphore, #tpu.memory_space<semaphore_mem>>)
      %dma_start3A_539 = arith.constant 1 : i32
      %dma_start3A_540 = arith.constant 3 : i32
      %dma_start3A_541 = arith.constant 3840 : i32
      %dma_start3A_542 = arith.constant 0 : i32
      %dma_start3A_543 = tpu.memref_slice %arg12[%dma_start3A_541, %dma_start3A_542] : memref<4096x16xf32, #tpu.memory_space<vmem>> -> memref<128x16xf32, #tpu.memory_space<vmem>>
      %dma_start3A_544 = arith.constant 256 : i32
      %dma_start3A_545 = tpu.memref_slice %arg11[%dma_start3A_539, %dma_start3A_540, %dma_start3A_544] : memref<2x4x512xi32, #tpu.memory_space<vmem>> -> memref<1x1x128xi32, #tpu.memory_space<vmem>>
      %dma_start3A_546 = tpu.memref_squeeze %dma_start3A_545 : memref<1x1x128xi32, #tpu.memory_space<vmem>> -> memref<128xi32, #tpu.memory_space<vmem>>
      %dma_start3A_547 = arith.constant 0 : i32
      %dma_start3A_548 = arith.constant 0 : i32
      %dma_start3A_549 = tpu.memref_slice %arg5[%dma_start3A_547, %dma_start3A_548] : memref<1000x16xf32, #tpu.memory_space<hbm>> -> memref<1000x16xf32, #tpu.memory_space<hbm>>
      tpu.enqueue_indirect_dma source(%dma_start3A_549 : memref<1000x16xf32, #tpu.memory_space<hbm>>) target(%dma_start3A_543 : memref<128x16xf32, #tpu.memory_space<vmem>>) offsets(%dma_start3A_546 : memref<128xi32, #tpu.memory_space<vmem>>) semaphore(%arg15 : memref<!tpu.dma_semaphore, #tpu.memory_space<semaphore_mem>>)
      %dma_start3A_550 = arith.constant 1 : i32
      %dma_start3A_551 = arith.constant 3 : i32
      %dma_start3A_552 = arith.constant 3968 : i32
      %dma_start3A_553 = arith.constant 0 : i32
      %dma_start3A_554 = tpu.memref_slice %arg12[%dma_start3A_552, %dma_start3A_553] : memref<4096x16xf32, #tpu.memory_space<vmem>> -> memref<128x16xf32, #tpu.memory_space<vmem>>
      %dma_start3A_555 = arith.constant 384 : i32
      %dma_start3A_556 = tpu.memref_slice %arg11[%dma_start3A_550, %dma_start3A_551, %dma_start3A_555] : memref<2x4x512xi32, #tpu.memory_space<vmem>> -> memref<1x1x128xi32, #tpu.memory_space<vmem>>
      %dma_start3A_557 = tpu.memref_squeeze %dma_start3A_556 : memref<1x1x128xi32, #tpu.memory_space<vmem>> -> memref<128xi32, #tpu.memory_space<vmem>>
      %dma_start3A_558 = arith.constant 0 : i32
      %dma_start3A_559 = arith.constant 0 : i32
      %dma_start3A_560 = tpu.memref_slice %arg5[%dma_start3A_558, %dma_start3A_559] : memref<1000x16xf32, #tpu.memory_space<hbm>> -> memref<1000x16xf32, #tpu.memory_space<hbm>>
      tpu.enqueue_indirect_dma source(%dma_start3A_560 : memref<1000x16xf32, #tpu.memory_space<hbm>>) target(%dma_start3A_554 : memref<128x16xf32, #tpu.memory_space<vmem>>) offsets(%dma_start3A_557 : memref<128xi32, #tpu.memory_space<vmem>>) semaphore(%arg15 : memref<!tpu.dma_semaphore, #tpu.memory_space<semaphore_mem>>)
      %dma_wait3A_561 = arith.constant 0 : i32
      %dma_wait3A_562 = arith.constant 0 : i32
      %dma_wait3A_563 = tpu.memref_slice %arg12[%dma_wait3A_561, %dma_wait3A_562] : memref<4096x16xf32, #tpu.memory_space<vmem>> -> memref<2048x16xf32, #tpu.memory_space<vmem>>
      %dma_wait3A_564 = arith.constant 0 : i32
      %dma_wait3A_565 = arith.constant 0 : i32
      %dma_wait3A_566 = tpu.memref_slice %arg4[%dma_wait3A_564, %dma_wait3A_565] : memref<100000x16xf32, #tpu.memory_space<hbm>> -> memref<2048x16xf32, #tpu.memory_space<hbm>>
      %dma_wait3A_567 = arith.constant 0 : i32
      %dma_wait3A_568 = arith.constant 0 : i32
      %dma_wait3A_569 = tpu.memref_slice %arg12[%dma_wait3A_567, %dma_wait3A_568] : memref<4096x16xf32, #tpu.memory_space<vmem>> -> memref<2048x16xf32, #tpu.memory_space<vmem>>
      %dma_wait3A_570 = arith.constant 0 : i32
      %dma_wait3A_571 = arith.constant 0 : i32
      %dma_wait3A_572 = tpu.memref_slice %arg4[%dma_wait3A_570, %dma_wait3A_571] : memref<100000x16xf32, #tpu.memory_space<hbm>> -> memref<2048x16xf32, #tpu.memory_space<hbm>>
      tpu.wait_dma2 semaphore(%arg14 : memref<!tpu.dma_semaphore, #tpu.memory_space<semaphore_mem>>) src(%dma_wait3A_572 : memref<2048x16xf32, #tpu.memory_space<hbm>>) dst(%dma_wait3A_569 : memref<2048x16xf32, #tpu.memory_space<vmem>>)
      %add3A_573 = arith.constant 2 : i32
      %add3A_574 = arith.addi %mul3A_367, %add3A_573 : i32
      %lt3A_575 = arith.constant 50 : i32
      %lt3A_576 = arith.cmpi slt, %add3A_574, %lt3A_575 : i32
      %convert_element_type3A = arith.extui %lt3A_576 : i1 to i32
      %cond3A = arith.constant 0 : i32
      %cond3A_577 = arith.cmpi ne, %convert_element_type3A, %cond3A : i32
      scf.if %cond3A_577 {
        %add3A_661 = arith.constant 2 : i32
        %add3A_662 = arith.addi %mul3A_367, %add3A_661 : i32
        %add3A_663 = arith.addi %mul3A_34, %add3A_662 : i32
        %dma_start3A_664 = arith.constant 0 : i32
        %dma_start3A_665 = arith.constant 0 : i32
        %dma_start3A_666 = arith.constant 0 : i32
        %dma_start3A_667 = tpu.memref_slice %arg11[%dma_start3A_664, %dma_start3A_665, %dma_start3A_666] : memref<2x4x512xi32, #tpu.memory_space<vmem>> -> memref<1x1x512xi32, #tpu.memory_space<vmem>>
        %dma_start3A_668 = tpu.memref_squeeze %dma_start3A_667 : memref<1x1x512xi32, #tpu.memory_space<vmem>> -> memref<512xi32, #tpu.memory_space<vmem>>
        %dma_start3A_669 = tpu.memref_slice %arg6[%add3A_663, %mul3A_32] : memref<200x4096xi32, #tpu.memory_space<hbm>> -> memref<1x512xi32, #tpu.memory_space<hbm>>
        %dma_start3A_670 = tpu.memref_squeeze %dma_start3A_669 : memref<1x512xi32, #tpu.memory_space<hbm>> -> memref<512xi32, #tpu.memory_space<hbm>>
        %dma_start3A_671 = arith.constant 0 : i32
        %dma_start3A_672 = tpu.memref_slice %arg11[%dma_start3A_664, %dma_start3A_665, %dma_start3A_671] : memref<2x4x512xi32, #tpu.memory_space<vmem>> -> memref<1x1x512xi32, #tpu.memory_space<vmem>>
        %dma_start3A_673 = tpu.memref_squeeze %dma_start3A_672 : memref<1x1x512xi32, #tpu.memory_space<vmem>> -> memref<512xi32, #tpu.memory_space<vmem>>
        %dma_start3A_674 = tpu.memref_slice %arg6[%add3A_663, %mul3A_32] : memref<200x4096xi32, #tpu.memory_space<hbm>> -> memref<1x512xi32, #tpu.memory_space<hbm>>
        %dma_start3A_675 = tpu.memref_squeeze %dma_start3A_674 : memref<1x512xi32, #tpu.memory_space<hbm>> -> memref<512xi32, #tpu.memory_space<hbm>>
        tpu.enqueue_dma source(%dma_start3A_675 : memref<512xi32, #tpu.memory_space<hbm>>) target(%dma_start3A_673 : memref<512xi32, #tpu.memory_space<vmem>>) target_semaphore(%arg16 : memref<!tpu.dma_semaphore, #tpu.memory_space<semaphore_mem>>)
        %dma_start3A_676 = arith.constant 0 : i32
        %dma_start3A_677 = arith.constant 1 : i32
        %dma_start3A_678 = arith.constant 0 : i32
        %dma_start3A_679 = tpu.memref_slice %arg11[%dma_start3A_676, %dma_start3A_677, %dma_start3A_678] : memref<2x4x512xi32, #tpu.memory_space<vmem>> -> memref<1x1x512xi32, #tpu.memory_space<vmem>>
        %dma_start3A_680 = tpu.memref_squeeze %dma_start3A_679 : memref<1x1x512xi32, #tpu.memory_space<vmem>> -> memref<512xi32, #tpu.memory_space<vmem>>
        %dma_start3A_681 = tpu.memref_slice %arg7[%add3A_663, %mul3A_32] : memref<200x4096xi32, #tpu.memory_space<hbm>> -> memref<1x512xi32, #tpu.memory_space<hbm>>
        %dma_start3A_682 = tpu.memref_squeeze %dma_start3A_681 : memref<1x512xi32, #tpu.memory_space<hbm>> -> memref<512xi32, #tpu.memory_space<hbm>>
        %dma_start3A_683 = arith.constant 0 : i32
        %dma_start3A_684 = tpu.memref_slice %arg11[%dma_start3A_676, %dma_start3A_677, %dma_start3A_683] : memref<2x4x512xi32, #tpu.memory_space<vmem>> -> memref<1x1x512xi32, #tpu.memory_space<vmem>>
        %dma_start3A_685 = tpu.memref_squeeze %dma_start3A_684 : memref<1x1x512xi32, #tpu.memory_space<vmem>> -> memref<512xi32, #tpu.memory_space<vmem>>
        %dma_start3A_686 = tpu.memref_slice %arg7[%add3A_663, %mul3A_32] : memref<200x4096xi32, #tpu.memory_space<hbm>> -> memref<1x512xi32, #tpu.memory_space<hbm>>
        %dma_start3A_687 = tpu.memref_squeeze %dma_start3A_686 : memref<1x512xi32, #tpu.memory_space<hbm>> -> memref<512xi32, #tpu.memory_space<hbm>>
        tpu.enqueue_dma source(%dma_start3A_687 : memref<512xi32, #tpu.memory_space<hbm>>) target(%dma_start3A_685 : memref<512xi32, #tpu.memory_space<vmem>>) target_semaphore(%arg16 : memref<!tpu.dma_semaphore, #tpu.memory_space<semaphore_mem>>)
        %dma_start3A_688 = arith.constant 0 : i32
        %dma_start3A_689 = arith.constant 2 : i32
        %dma_start3A_690 = arith.constant 0 : i32
        %dma_start3A_691 = tpu.memref_slice %arg11[%dma_start3A_688, %dma_start3A_689, %dma_start3A_690] : memref<2x4x512xi32, #tpu.memory_space<vmem>> -> memref<1x1x512xi32, #tpu.memory_space<vmem>>
        %dma_start3A_692 = tpu.memref_squeeze %dma_start3A_691 : memref<1x1x512xi32, #tpu.memory_space<vmem>> -> memref<512xi32, #tpu.memory_space<vmem>>
        %dma_start3A_693 = tpu.memref_slice %arg8[%add3A_663, %mul3A_32] : memref<200x4096xi32, #tpu.memory_space<hbm>> -> memref<1x512xi32, #tpu.memory_space<hbm>>
        %dma_start3A_694 = tpu.memref_squeeze %dma_start3A_693 : memref<1x512xi32, #tpu.memory_space<hbm>> -> memref<512xi32, #tpu.memory_space<hbm>>
        %dma_start3A_695 = arith.constant 0 : i32
        %dma_start3A_696 = tpu.memref_slice %arg11[%dma_start3A_688, %dma_start3A_689, %dma_start3A_695] : memref<2x4x512xi32, #tpu.memory_space<vmem>> -> memref<1x1x512xi32, #tpu.memory_space<vmem>>
        %dma_start3A_697 = tpu.memref_squeeze %dma_start3A_696 : memref<1x1x512xi32, #tpu.memory_space<vmem>> -> memref<512xi32, #tpu.memory_space<vmem>>
        %dma_start3A_698 = tpu.memref_slice %arg8[%add3A_663, %mul3A_32] : memref<200x4096xi32, #tpu.memory_space<hbm>> -> memref<1x512xi32, #tpu.memory_space<hbm>>
        %dma_start3A_699 = tpu.memref_squeeze %dma_start3A_698 : memref<1x512xi32, #tpu.memory_space<hbm>> -> memref<512xi32, #tpu.memory_space<hbm>>
        tpu.enqueue_dma source(%dma_start3A_699 : memref<512xi32, #tpu.memory_space<hbm>>) target(%dma_start3A_697 : memref<512xi32, #tpu.memory_space<vmem>>) target_semaphore(%arg16 : memref<!tpu.dma_semaphore, #tpu.memory_space<semaphore_mem>>)
        %dma_start3A_700 = arith.constant 0 : i32
        %dma_start3A_701 = arith.constant 3 : i32
        %dma_start3A_702 = arith.constant 0 : i32
        %dma_start3A_703 = tpu.memref_slice %arg11[%dma_start3A_700, %dma_start3A_701, %dma_start3A_702] : memref<2x4x512xi32, #tpu.memory_space<vmem>> -> memref<1x1x512xi32, #tpu.memory_space<vmem>>
        %dma_start3A_704 = tpu.memref_squeeze %dma_start3A_703 : memref<1x1x512xi32, #tpu.memory_space<vmem>> -> memref<512xi32, #tpu.memory_space<vmem>>
        %dma_start3A_705 = tpu.memref_slice %arg9[%add3A_663, %mul3A_32] : memref<200x4096xi32, #tpu.memory_space<hbm>> -> memref<1x512xi32, #tpu.memory_space<hbm>>
        %dma_start3A_706 = tpu.memref_squeeze %dma_start3A_705 : memref<1x512xi32, #tpu.memory_space<hbm>> -> memref<512xi32, #tpu.memory_space<hbm>>
        %dma_start3A_707 = arith.constant 0 : i32
        %dma_start3A_708 = tpu.memref_slice %arg11[%dma_start3A_700, %dma_start3A_701, %dma_start3A_707] : memref<2x4x512xi32, #tpu.memory_space<vmem>> -> memref<1x1x512xi32, #tpu.memory_space<vmem>>
        %dma_start3A_709 = tpu.memref_squeeze %dma_start3A_708 : memref<1x1x512xi32, #tpu.memory_space<vmem>> -> memref<512xi32, #tpu.memory_space<vmem>>
        %dma_start3A_710 = tpu.memref_slice %arg9[%add3A_663, %mul3A_32] : memref<200x4096xi32, #tpu.memory_space<hbm>> -> memref<1x512xi32, #tpu.memory_space<hbm>>
        %dma_start3A_711 = tpu.memref_squeeze %dma_start3A_710 : memref<1x512xi32, #tpu.memory_space<hbm>> -> memref<512xi32, #tpu.memory_space<hbm>>
        tpu.enqueue_dma source(%dma_start3A_711 : memref<512xi32, #tpu.memory_space<hbm>>) target(%dma_start3A_709 : memref<512xi32, #tpu.memory_space<vmem>>) target_semaphore(%arg16 : memref<!tpu.dma_semaphore, #tpu.memory_space<semaphore_mem>>)
      } else {
      }
      %dma_wait3A_578 = arith.constant 0 : i32
      %dma_wait3A_579 = arith.constant 0 : i32
      %dma_wait3A_580 = tpu.memref_slice %arg13[%dma_wait3A_578, %dma_wait3A_579] : memref<64x513xf32, #tpu.memory_space<vmem>> -> memref<64x512xf32, #tpu.memory_space<vmem>>
      %dma_wait3A_581 = arith.constant 0 : i32
      %dma_wait3A_582 = tpu.memref_slice %arg10[%mul3A_34, %dma_wait3A_581, %mul3A_32] : memref<200x64x4096xf32, #tpu.memory_space<hbm>> -> memref<1x64x512xf32, #tpu.memory_space<hbm>>
      %dma_wait3A_583 = tpu.memref_squeeze %dma_wait3A_582 : memref<1x64x512xf32, #tpu.memory_space<hbm>> -> memref<64x512xf32, #tpu.memory_space<hbm>>
      %dma_wait3A_584 = arith.constant 0 : i32
      %dma_wait3A_585 = tpu.memref_slice %arg10[%mul3A_34, %dma_wait3A_584, %mul3A_32] : memref<200x64x4096xf32, #tpu.memory_space<hbm>> -> memref<1x64x512xf32, #tpu.memory_space<hbm>>
      %dma_wait3A_586 = tpu.memref_squeeze %dma_wait3A_585 : memref<1x64x512xf32, #tpu.memory_space<hbm>> -> memref<64x512xf32, #tpu.memory_space<hbm>>
      %dma_wait3A_587 = arith.constant 0 : i32
      %dma_wait3A_588 = arith.constant 0 : i32
      %dma_wait3A_589 = tpu.memref_slice %arg13[%dma_wait3A_587, %dma_wait3A_588] : memref<64x513xf32, #tpu.memory_space<vmem>> -> memref<64x512xf32, #tpu.memory_space<vmem>>
      tpu.wait_dma2 semaphore(%arg18 : memref<!tpu.dma_semaphore, #tpu.memory_space<semaphore_mem>>) src(%dma_wait3A_589 : memref<64x512xf32, #tpu.memory_space<vmem>>) dst(%dma_wait3A_586 : memref<64x512xf32, #tpu.memory_space<hbm>>)
      %parallel_loop3A = arith.constant 0 : i32
      %parallel_loop3A_590 = arith.constant 512 : i32
      %parallel_loop3A_591 = arith.constant 1 : i32
      scf.for %parallel_loop3A_661 = %parallel_loop3A to %parallel_loop3A_590 step %parallel_loop3A_591  : i32 {
        %parallel_loop3A_662 = arith.constant 0 : i32
        %parallel_loop3A_663 = vector.broadcast %parallel_loop3A_662 : i32 to vector<16xi32>
        %parallel_loop3A_664 = vector.broadcast %parallel_loop3A_661 : i32 to vector<16xi32>
        %parallel_loop3A_665 = arith.addi %parallel_loop3A_663, %parallel_loop3A_664 : vector<16xi32>
        %parallel_loop3A_666 = arith.constant 0 : i32
        %parallel_loop3A_667 = arith.addi %parallel_loop3A_666, %parallel_loop3A_661 : i32
        %parallel_loop3A_668 = arith.index_cast %parallel_loop3A_667 : i32 to index
        %parallel_loop3A_669 = arith.constant 0 : index
        %parallel_loop3A_670 = tpu.vector_load %arg12[%parallel_loop3A_668, %parallel_loop3A_669] {strides = array<i32>} : memref<4096x16xf32, #tpu.memory_space<vmem>>, vector<16xf32>,
        tpu.vector_store_idx %arg13[%add3A_37, %parallel_loop3A_665], %parallel_loop3A_670 : memref<64x513xf32, #tpu.memory_space<vmem>>[vector<16xi32>, vector<16xi32>], vector<16xf32>,
        %parallel_loop3A_671 = arith.constant 512 : i32
        %parallel_loop3A_672 = arith.addi %parallel_loop3A_671, %parallel_loop3A_661 : i32
        %parallel_loop3A_673 = arith.index_cast %parallel_loop3A_672 : i32 to index
        %parallel_loop3A_674 = arith.constant 0 : index
        %parallel_loop3A_675 = tpu.vector_load %arg12[%parallel_loop3A_673, %parallel_loop3A_674] {strides = array<i32>} : memref<4096x16xf32, #tpu.memory_space<vmem>>, vector<16xf32>,
        tpu.vector_store_idx %arg13[%add3A_40, %parallel_loop3A_665], %parallel_loop3A_675 : memref<64x513xf32, #tpu.memory_space<vmem>>[vector<16xi32>, vector<16xi32>], vector<16xf32>,
        %parallel_loop3A_676 = arith.constant 1024 : i32
        %parallel_loop3A_677 = arith.addi %parallel_loop3A_676, %parallel_loop3A_661 : i32
        %parallel_loop3A_678 = arith.index_cast %parallel_loop3A_677 : i32 to index
        %parallel_loop3A_679 = arith.constant 0 : index
        %parallel_loop3A_680 = tpu.vector_load %arg12[%parallel_loop3A_678, %parallel_loop3A_679] {strides = array<i32>} : memref<4096x16xf32, #tpu.memory_space<vmem>>, vector<16xf32>,
        tpu.vector_store_idx %arg13[%add3A_43, %parallel_loop3A_665], %parallel_loop3A_680 : memref<64x513xf32, #tpu.memory_space<vmem>>[vector<16xi32>, vector<16xi32>], vector<16xf32>,
        %parallel_loop3A_681 = arith.constant 1536 : i32
        %parallel_loop3A_682 = arith.addi %parallel_loop3A_681, %parallel_loop3A_661 : i32
        %parallel_loop3A_683 = arith.index_cast %parallel_loop3A_682 : i32 to index
        %parallel_loop3A_684 = arith.constant 0 : index
        %parallel_loop3A_685 = tpu.vector_load %arg12[%parallel_loop3A_683, %parallel_loop3A_684] {strides = array<i32>} : memref<4096x16xf32, #tpu.memory_space<vmem>>, vector<16xf32>,
        tpu.vector_store_idx %arg13[%add3A_46, %parallel_loop3A_665], %parallel_loop3A_685 : memref<64x513xf32, #tpu.memory_space<vmem>>[vector<16xi32>, vector<16xi32>], vector<16xf32>,
      } {sc.loop_unroll_factor = 16 : i64, sc.parallel_access}
      %add3A_592 = arith.addi %mul3A_34, %mul3A_367 : i32
      %dma_start3A_593 = arith.constant 0 : i32
      %dma_start3A_594 = arith.constant 0 : i32
      %dma_start3A_595 = tpu.memref_slice %arg13[%dma_start3A_593, %dma_start3A_594] : memref<64x513xf32, #tpu.memory_space<vmem>> -> memref<64x512xf32, #tpu.memory_space<vmem>>
      %dma_start3A_596 = arith.constant 0 : i32
      %dma_start3A_597 = tpu.memref_slice %arg10[%add3A_592, %dma_start3A_596, %mul3A_32] : memref<200x64x4096xf32, #tpu.memory_space<hbm>> -> memref<1x64x512xf32, #tpu.memory_space<hbm>>
      %dma_start3A_598 = tpu.memref_squeeze %dma_start3A_597 : memref<1x64x512xf32, #tpu.memory_space<hbm>> -> memref<64x512xf32, #tpu.memory_space<hbm>>
      %dma_start3A_599 = arith.constant 0 : i32
      %dma_start3A_600 = tpu.memref_slice %arg10[%add3A_592, %dma_start3A_599, %mul3A_32] : memref<200x64x4096xf32, #tpu.memory_space<hbm>> -> memref<1x64x512xf32, #tpu.memory_space<hbm>>
      %dma_start3A_601 = tpu.memref_squeeze %dma_start3A_600 : memref<1x64x512xf32, #tpu.memory_space<hbm>> -> memref<64x512xf32, #tpu.memory_space<hbm>>
      %dma_start3A_602 = arith.constant 0 : i32
      %dma_start3A_603 = arith.constant 0 : i32
      %dma_start3A_604 = tpu.memref_slice %arg13[%dma_start3A_602, %dma_start3A_603] : memref<64x513xf32, #tpu.memory_space<vmem>> -> memref<64x512xf32, #tpu.memory_space<vmem>>
      tpu.enqueue_dma source(%dma_start3A_604 : memref<64x512xf32, #tpu.memory_space<vmem>>) target(%dma_start3A_601 : memref<64x512xf32, #tpu.memory_space<hbm>>) target_semaphore(%arg18 : memref<!tpu.dma_semaphore, #tpu.memory_space<semaphore_mem>>)
      %add3A_605 = arith.constant 2 : i32
      %add3A_606 = arith.addi %mul3A_367, %add3A_605 : i32
      %lt3A_607 = arith.constant 50 : i32
      %lt3A_608 = arith.cmpi slt, %add3A_606, %lt3A_607 : i32
      %convert_element_type3A_609 = arith.extui %lt3A_608 : i1 to i32
      %cond3A_610 = arith.constant 0 : i32
      %cond3A_611 = arith.cmpi ne, %convert_element_type3A_609, %cond3A_610 : i32
      scf.if %cond3A_611 {
        %add3A_661 = arith.constant 2 : i32
        %add3A_662 = arith.addi %mul3A_367, %add3A_661 : i32
        %dma_wait3A_663 = arith.constant 0 : i32
        %dma_wait3A_664 = arith.constant 0 : i32
        %dma_wait3A_665 = arith.constant 0 : i32
        %dma_wait3A_666 = tpu.memref_slice %arg11[%dma_wait3A_663, %dma_wait3A_664, %dma_wait3A_665] : memref<2x4x512xi32, #tpu.memory_space<vmem>> -> memref<1x4x512xi32, #tpu.memory_space<vmem>>
        %dma_wait3A_667 = tpu.memref_squeeze %dma_wait3A_666 : memref<1x4x512xi32, #tpu.memory_space<vmem>> -> memref<4x512xi32, #tpu.memory_space<vmem>>
        %dma_wait3A_668 = arith.constant 0 : i32
        %dma_wait3A_669 = arith.constant 0 : i32
        %dma_wait3A_670 = tpu.memref_slice %arg6[%dma_wait3A_668, %dma_wait3A_669] : memref<200x4096xi32, #tpu.memory_space<hbm>> -> memref<4x512xi32, #tpu.memory_space<hbm>>
        %dma_wait3A_671 = arith.constant 0 : i32
        %dma_wait3A_672 = arith.constant 0 : i32
        %dma_wait3A_673 = tpu.memref_slice %arg11[%dma_wait3A_663, %dma_wait3A_671, %dma_wait3A_672] : memref<2x4x512xi32, #tpu.memory_space<vmem>> -> memref<1x4x512xi32, #tpu.memory_space<vmem>>
        %dma_wait3A_674 = tpu.memref_squeeze %dma_wait3A_673 : memref<1x4x512xi32, #tpu.memory_space<vmem>> -> memref<4x512xi32, #tpu.memory_space<vmem>>
        %dma_wait3A_675 = arith.constant 0 : i32
        %dma_wait3A_676 = arith.constant 0 : i32
        %dma_wait3A_677 = tpu.memref_slice %arg6[%dma_wait3A_675, %dma_wait3A_676] : memref<200x4096xi32, #tpu.memory_space<hbm>> -> memref<4x512xi32, #tpu.memory_space<hbm>>
        tpu.wait_dma2 semaphore(%arg16 : memref<!tpu.dma_semaphore, #tpu.memory_space<semaphore_mem>>) src(%dma_wait3A_677 : memref<4x512xi32, #tpu.memory_space<hbm>>) dst(%dma_wait3A_674 : memref<4x512xi32, #tpu.memory_space<vmem>>)
        %dma_start3A_678 = arith.constant 0 : i32
        %dma_start3A_679 = arith.constant 0 : i32
        %dma_start3A_680 = arith.constant 0 : i32
        %dma_start3A_681 = arith.constant 0 : i32
        %dma_start3A_682 = tpu.memref_slice %arg12[%dma_start3A_680, %dma_start3A_681] : memref<4096x16xf32, #tpu.memory_space<vmem>> -> memref<128x16xf32, #tpu.memory_space<vmem>>
        %dma_start3A_683 = arith.constant 0 : i32
        %dma_start3A_684 = tpu.memref_slice %arg11[%dma_start3A_678, %dma_start3A_679, %dma_start3A_683] : memref<2x4x512xi32, #tpu.memory_space<vmem>> -> memref<1x1x128xi32, #tpu.memory_space<vmem>>
        %dma_start3A_685 = tpu.memref_squeeze %dma_start3A_684 : memref<1x1x128xi32, #tpu.memory_space<vmem>> -> memref<128xi32, #tpu.memory_space<vmem>>
        %dma_start3A_686 = arith.constant 0 : i32
        %dma_start3A_687 = arith.constant 0 : i32
        %dma_start3A_688 = tpu.memref_slice %arg2[%dma_start3A_686, %dma_start3A_687] : memref<1000x16xf32, #tpu.memory_space<hbm>> -> memref<1000x16xf32, #tpu.memory_space<hbm>>
        tpu.enqueue_indirect_dma source(%dma_start3A_688 : memref<1000x16xf32, #tpu.memory_space<hbm>>) target(%dma_start3A_682 : memref<128x16xf32, #tpu.memory_space<vmem>>) offsets(%dma_start3A_685 : memref<128xi32, #tpu.memory_space<vmem>>) semaphore(%arg14 : memref<!tpu.dma_semaphore, #tpu.memory_space<semaphore_mem>>)
        %dma_start3A_689 = arith.constant 0 : i32
        %dma_start3A_690 = arith.constant 0 : i32
        %dma_start3A_691 = arith.constant 128 : i32
        %dma_start3A_692 = arith.constant 0 : i32
        %dma_start3A_693 = tpu.memref_slice %arg12[%dma_start3A_691, %dma_start3A_692] : memref<4096x16xf32, #tpu.memory_space<vmem>> -> memref<128x16xf32, #tpu.memory_space<vmem>>
        %dma_start3A_694 = arith.constant 128 : i32
        %dma_start3A_695 = tpu.memref_slice %arg11[%dma_start3A_689, %dma_start3A_690, %dma_start3A_694] : memref<2x4x512xi32, #tpu.memory_space<vmem>> -> memref<1x1x128xi32, #tpu.memory_space<vmem>>
        %dma_start3A_696 = tpu.memref_squeeze %dma_start3A_695 : memref<1x1x128xi32, #tpu.memory_space<vmem>> -> memref<128xi32, #tpu.memory_space<vmem>>
        %dma_start3A_697 = arith.constant 0 : i32
        %dma_start3A_698 = arith.constant 0 : i32
        %dma_start3A_699 = tpu.memref_slice %arg2[%dma_start3A_697, %dma_start3A_698] : memref<1000x16xf32, #tpu.memory_space<hbm>> -> memref<1000x16xf32, #tpu.memory_space<hbm>>
        tpu.enqueue_indirect_dma source(%dma_start3A_699 : memref<1000x16xf32, #tpu.memory_space<hbm>>) target(%dma_start3A_693 : memref<128x16xf32, #tpu.memory_space<vmem>>) offsets(%dma_start3A_696 : memref<128xi32, #tpu.memory_space<vmem>>) semaphore(%arg14 : memref<!tpu.dma_semaphore, #tpu.memory_space<semaphore_mem>>)
        %dma_start3A_700 = arith.constant 0 : i32
        %dma_start3A_701 = arith.constant 0 : i32
        %dma_start3A_702 = arith.constant 256 : i32
        %dma_start3A_703 = arith.constant 0 : i32
        %dma_start3A_704 = tpu.memref_slice %arg12[%dma_start3A_702, %dma_start3A_703] : memref<4096x16xf32, #tpu.memory_space<vmem>> -> memref<128x16xf32, #tpu.memory_space<vmem>>
        %dma_start3A_705 = arith.constant 256 : i32
        %dma_start3A_706 = tpu.memref_slice %arg11[%dma_start3A_700, %dma_start3A_701, %dma_start3A_705] : memref<2x4x512xi32, #tpu.memory_space<vmem>> -> memref<1x1x128xi32, #tpu.memory_space<vmem>>
        %dma_start3A_707 = tpu.memref_squeeze %dma_start3A_706 : memref<1x1x128xi32, #tpu.memory_space<vmem>> -> memref<128xi32, #tpu.memory_space<vmem>>
        %dma_start3A_708 = arith.constant 0 : i32
        %dma_start3A_709 = arith.constant 0 : i32
        %dma_start3A_710 = tpu.memref_slice %arg2[%dma_start3A_708, %dma_start3A_709] : memref<1000x16xf32, #tpu.memory_space<hbm>> -> memref<1000x16xf32, #tpu.memory_space<hbm>>
        tpu.enqueue_indirect_dma source(%dma_start3A_710 : memref<1000x16xf32, #tpu.memory_space<hbm>>) target(%dma_start3A_704 : memref<128x16xf32, #tpu.memory_space<vmem>>) offsets(%dma_start3A_707 : memref<128xi32, #tpu.memory_space<vmem>>) semaphore(%arg14 : memref<!tpu.dma_semaphore, #tpu.memory_space<semaphore_mem>>)
        %dma_start3A_711 = arith.constant 0 : i32
        %dma_start3A_712 = arith.constant 0 : i32
        %dma_start3A_713 = arith.constant 384 : i32
        %dma_start3A_714 = arith.constant 0 : i32
        %dma_start3A_715 = tpu.memref_slice %arg12[%dma_start3A_713, %dma_start3A_714] : memref<4096x16xf32, #tpu.memory_space<vmem>> -> memref<128x16xf32, #tpu.memory_space<vmem>>
        %dma_start3A_716 = arith.constant 384 : i32
        %dma_start3A_717 = tpu.memref_slice %arg11[%dma_start3A_711, %dma_start3A_712, %dma_start3A_716] : memref<2x4x512xi32, #tpu.memory_space<vmem>> -> memref<1x1x128xi32, #tpu.memory_space<vmem>>
        %dma_start3A_718 = tpu.memref_squeeze %dma_start3A_717 : memref<1x1x128xi32, #tpu.memory_space<vmem>> -> memref<128xi32, #tpu.memory_space<vmem>>
        %dma_start3A_719 = arith.constant 0 : i32
        %dma_start3A_720 = arith.constant 0 : i32
        %dma_start3A_721 = tpu.memref_slice %arg2[%dma_start3A_719, %dma_start3A_720] : memref<1000x16xf32, #tpu.memory_space<hbm>> -> memref<1000x16xf32, #tpu.memory_space<hbm>>
        tpu.enqueue_indirect_dma source(%dma_start3A_721 : memref<1000x16xf32, #tpu.memory_space<hbm>>) target(%dma_start3A_715 : memref<128x16xf32, #tpu.memory_space<vmem>>) offsets(%dma_start3A_718 : memref<128xi32, #tpu.memory_space<vmem>>) semaphore(%arg14 : memref<!tpu.dma_semaphore, #tpu.memory_space<semaphore_mem>>)
        %dma_start3A_722 = arith.constant 0 : i32
        %dma_start3A_723 = arith.constant 1 : i32
        %dma_start3A_724 = arith.constant 512 : i32
        %dma_start3A_725 = arith.constant 0 : i32
        %dma_start3A_726 = tpu.memref_slice %arg12[%dma_start3A_724, %dma_start3A_725] : memref<4096x16xf32, #tpu.memory_space<vmem>> -> memref<128x16xf32, #tpu.memory_space<vmem>>
        %dma_start3A_727 = arith.constant 0 : i32
        %dma_start3A_728 = tpu.memref_slice %arg11[%dma_start3A_722, %dma_start3A_723, %dma_start3A_727] : memref<2x4x512xi32, #tpu.memory_space<vmem>> -> memref<1x1x128xi32, #tpu.memory_space<vmem>>
        %dma_start3A_729 = tpu.memref_squeeze %dma_start3A_728 : memref<1x1x128xi32, #tpu.memory_space<vmem>> -> memref<128xi32, #tpu.memory_space<vmem>>
        %dma_start3A_730 = arith.constant 0 : i32
        %dma_start3A_731 = arith.constant 0 : i32
        %dma_start3A_732 = tpu.memref_slice %arg3[%dma_start3A_730, %dma_start3A_731] : memref<1000x16xf32, #tpu.memory_space<hbm>> -> memref<1000x16xf32, #tpu.memory_space<hbm>>
        tpu.enqueue_indirect_dma source(%dma_start3A_732 : memref<1000x16xf32, #tpu.memory_space<hbm>>) target(%dma_start3A_726 : memref<128x16xf32, #tpu.memory_space<vmem>>) offsets(%dma_start3A_729 : memref<128xi32, #tpu.memory_space<vmem>>) semaphore(%arg14 : memref<!tpu.dma_semaphore, #tpu.memory_space<semaphore_mem>>)
        %dma_start3A_733 = arith.constant 0 : i32
        %dma_start3A_734 = arith.constant 1 : i32
        %dma_start3A_735 = arith.constant 640 : i32
        %dma_start3A_736 = arith.constant 0 : i32
        %dma_start3A_737 = tpu.memref_slice %arg12[%dma_start3A_735, %dma_start3A_736] : memref<4096x16xf32, #tpu.memory_space<vmem>> -> memref<128x16xf32, #tpu.memory_space<vmem>>
        %dma_start3A_738 = arith.constant 128 : i32
        %dma_start3A_739 = tpu.memref_slice %arg11[%dma_start3A_733, %dma_start3A_734, %dma_start3A_738] : memref<2x4x512xi32, #tpu.memory_space<vmem>> -> memref<1x1x128xi32, #tpu.memory_space<vmem>>
        %dma_start3A_740 = tpu.memref_squeeze %dma_start3A_739 : memref<1x1x128xi32, #tpu.memory_space<vmem>> -> memref<128xi32, #tpu.memory_space<vmem>>
        %dma_start3A_741 = arith.constant 0 : i32
        %dma_start3A_742 = arith.constant 0 : i32
        %dma_start3A_743 = tpu.memref_slice %arg3[%dma_start3A_741, %dma_start3A_742] : memref<1000x16xf32, #tpu.memory_space<hbm>> -> memref<1000x16xf32, #tpu.memory_space<hbm>>
        tpu.enqueue_indirect_dma source(%dma_start3A_743 : memref<1000x16xf32, #tpu.memory_space<hbm>>) target(%dma_start3A_737 : memref<128x16xf32, #tpu.memory_space<vmem>>) offsets(%dma_start3A_740 : memref<128xi32, #tpu.memory_space<vmem>>) semaphore(%arg14 : memref<!tpu.dma_semaphore, #tpu.memory_space<semaphore_mem>>)
        %dma_start3A_744 = arith.constant 0 : i32
        %dma_start3A_745 = arith.constant 1 : i32
        %dma_start3A_746 = arith.constant 768 : i32
        %dma_start3A_747 = arith.constant 0 : i32
        %dma_start3A_748 = tpu.memref_slice %arg12[%dma_start3A_746, %dma_start3A_747] : memref<4096x16xf32, #tpu.memory_space<vmem>> -> memref<128x16xf32, #tpu.memory_space<vmem>>
        %dma_start3A_749 = arith.constant 256 : i32
        %dma_start3A_750 = tpu.memref_slice %arg11[%dma_start3A_744, %dma_start3A_745, %dma_start3A_749] : memref<2x4x512xi32, #tpu.memory_space<vmem>> -> memref<1x1x128xi32, #tpu.memory_space<vmem>>
        %dma_start3A_751 = tpu.memref_squeeze %dma_start3A_750 : memref<1x1x128xi32, #tpu.memory_space<vmem>> -> memref<128xi32, #tpu.memory_space<vmem>>
        %dma_start3A_752 = arith.constant 0 : i32
        %dma_start3A_753 = arith.constant 0 : i32
        %dma_start3A_754 = tpu.memref_slice %arg3[%dma_start3A_752, %dma_start3A_753] : memref<1000x16xf32, #tpu.memory_space<hbm>> -> memref<1000x16xf32, #tpu.memory_space<hbm>>
        tpu.enqueue_indirect_dma source(%dma_start3A_754 : memref<1000x16xf32, #tpu.memory_space<hbm>>) target(%dma_start3A_748 : memref<128x16xf32, #tpu.memory_space<vmem>>) offsets(%dma_start3A_751 : memref<128xi32, #tpu.memory_space<vmem>>) semaphore(%arg14 : memref<!tpu.dma_semaphore, #tpu.memory_space<semaphore_mem>>)
        %dma_start3A_755 = arith.constant 0 : i32
        %dma_start3A_756 = arith.constant 1 : i32
        %dma_start3A_757 = arith.constant 896 : i32
        %dma_start3A_758 = arith.constant 0 : i32
        %dma_start3A_759 = tpu.memref_slice %arg12[%dma_start3A_757, %dma_start3A_758] : memref<4096x16xf32, #tpu.memory_space<vmem>> -> memref<128x16xf32, #tpu.memory_space<vmem>>
        %dma_start3A_760 = arith.constant 384 : i32
        %dma_start3A_761 = tpu.memref_slice %arg11[%dma_start3A_755, %dma_start3A_756, %dma_start3A_760] : memref<2x4x512xi32, #tpu.memory_space<vmem>> -> memref<1x1x128xi32, #tpu.memory_space<vmem>>
        %dma_start3A_762 = tpu.memref_squeeze %dma_start3A_761 : memref<1x1x128xi32, #tpu.memory_space<vmem>> -> memref<128xi32, #tpu.memory_space<vmem>>
        %dma_start3A_763 = arith.constant 0 : i32
        %dma_start3A_764 = arith.constant 0 : i32
        %dma_start3A_765 = tpu.memref_slice %arg3[%dma_start3A_763, %dma_start3A_764] : memref<1000x16xf32, #tpu.memory_space<hbm>> -> memref<1000x16xf32, #tpu.memory_space<hbm>>
        tpu.enqueue_indirect_dma source(%dma_start3A_765 : memref<1000x16xf32, #tpu.memory_space<hbm>>) target(%dma_start3A_759 : memref<128x16xf32, #tpu.memory_space<vmem>>) offsets(%dma_start3A_762 : memref<128xi32, #tpu.memory_space<vmem>>) semaphore(%arg14 : memref<!tpu.dma_semaphore, #tpu.memory_space<semaphore_mem>>)
        %dma_start3A_766 = arith.constant 0 : i32
        %dma_start3A_767 = arith.constant 2 : i32
        %dma_start3A_768 = arith.constant 1024 : i32
        %dma_start3A_769 = arith.constant 0 : i32
        %dma_start3A_770 = tpu.memref_slice %arg12[%dma_start3A_768, %dma_start3A_769] : memref<4096x16xf32, #tpu.memory_space<vmem>> -> memref<128x16xf32, #tpu.memory_space<vmem>>
        %dma_start3A_771 = arith.constant 0 : i32
        %dma_start3A_772 = tpu.memref_slice %arg11[%dma_start3A_766, %dma_start3A_767, %dma_start3A_771] : memref<2x4x512xi32, #tpu.memory_space<vmem>> -> memref<1x1x128xi32, #tpu.memory_space<vmem>>
        %dma_start3A_773 = tpu.memref_squeeze %dma_start3A_772 : memref<1x1x128xi32, #tpu.memory_space<vmem>> -> memref<128xi32, #tpu.memory_space<vmem>>
        %dma_start3A_774 = arith.constant 0 : i32
        %dma_start3A_775 = arith.constant 0 : i32
        %dma_start3A_776 = tpu.memref_slice %arg4[%dma_start3A_774, %dma_start3A_775] : memref<100000x16xf32, #tpu.memory_space<hbm>> -> memref<100000x16xf32, #tpu.memory_space<hbm>>
        tpu.enqueue_indirect_dma source(%dma_start3A_776 : memref<100000x16xf32, #tpu.memory_space<hbm>>) target(%dma_start3A_770 : memref<128x16xf32, #tpu.memory_space<vmem>>) offsets(%dma_start3A_773 : memref<128xi32, #tpu.memory_space<vmem>>) semaphore(%arg14 : memref<!tpu.dma_semaphore, #tpu.memory_space<semaphore_mem>>)
        %dma_start3A_777 = arith.constant 0 : i32
        %dma_start3A_778 = arith.constant 2 : i32
        %dma_start3A_779 = arith.constant 1152 : i32
        %dma_start3A_780 = arith.constant 0 : i32
        %dma_start3A_781 = tpu.memref_slice %arg12[%dma_start3A_779, %dma_start3A_780] : memref<4096x16xf32, #tpu.memory_space<vmem>> -> memref<128x16xf32, #tpu.memory_space<vmem>>
        %dma_start3A_782 = arith.constant 128 : i32
        %dma_start3A_783 = tpu.memref_slice %arg11[%dma_start3A_777, %dma_start3A_778, %dma_start3A_782] : memref<2x4x512xi32, #tpu.memory_space<vmem>> -> memref<1x1x128xi32, #tpu.memory_space<vmem>>
        %dma_start3A_784 = tpu.memref_squeeze %dma_start3A_783 : memref<1x1x128xi32, #tpu.memory_space<vmem>> -> memref<128xi32, #tpu.memory_space<vmem>>
        %dma_start3A_785 = arith.constant 0 : i32
        %dma_start3A_786 = arith.constant 0 : i32
        %dma_start3A_787 = tpu.memref_slice %arg4[%dma_start3A_785, %dma_start3A_786] : memref<100000x16xf32, #tpu.memory_space<hbm>> -> memref<100000x16xf32, #tpu.memory_space<hbm>>
        tpu.enqueue_indirect_dma source(%dma_start3A_787 : memref<100000x16xf32, #tpu.memory_space<hbm>>) target(%dma_start3A_781 : memref<128x16xf32, #tpu.memory_space<vmem>>) offsets(%dma_start3A_784 : memref<128xi32, #tpu.memory_space<vmem>>) semaphore(%arg14 : memref<!tpu.dma_semaphore, #tpu.memory_space<semaphore_mem>>)
        %dma_start3A_788 = arith.constant 0 : i32
        %dma_start3A_789 = arith.constant 2 : i32
        %dma_start3A_790 = arith.constant 1280 : i32
        %dma_start3A_791 = arith.constant 0 : i32
        %dma_start3A_792 = tpu.memref_slice %arg12[%dma_start3A_790, %dma_start3A_791] : memref<4096x16xf32, #tpu.memory_space<vmem>> -> memref<128x16xf32, #tpu.memory_space<vmem>>
        %dma_start3A_793 = arith.constant 256 : i32
        %dma_start3A_794 = tpu.memref_slice %arg11[%dma_start3A_788, %dma_start3A_789, %dma_start3A_793] : memref<2x4x512xi32, #tpu.memory_space<vmem>> -> memref<1x1x128xi32, #tpu.memory_space<vmem>>
        %dma_start3A_795 = tpu.memref_squeeze %dma_start3A_794 : memref<1x1x128xi32, #tpu.memory_space<vmem>> -> memref<128xi32, #tpu.memory_space<vmem>>
        %dma_start3A_796 = arith.constant 0 : i32
        %dma_start3A_797 = arith.constant 0 : i32
        %dma_start3A_798 = tpu.memref_slice %arg4[%dma_start3A_796, %dma_start3A_797] : memref<100000x16xf32, #tpu.memory_space<hbm>> -> memref<100000x16xf32, #tpu.memory_space<hbm>>
        tpu.enqueue_indirect_dma source(%dma_start3A_798 : memref<100000x16xf32, #tpu.memory_space<hbm>>) target(%dma_start3A_792 : memref<128x16xf32, #tpu.memory_space<vmem>>) offsets(%dma_start3A_795 : memref<128xi32, #tpu.memory_space<vmem>>) semaphore(%arg14 : memref<!tpu.dma_semaphore, #tpu.memory_space<semaphore_mem>>)
        %dma_start3A_799 = arith.constant 0 : i32
        %dma_start3A_800 = arith.constant 2 : i32
        %dma_start3A_801 = arith.constant 1408 : i32
        %dma_start3A_802 = arith.constant 0 : i32
        %dma_start3A_803 = tpu.memref_slice %arg12[%dma_start3A_801, %dma_start3A_802] : memref<4096x16xf32, #tpu.memory_space<vmem>> -> memref<128x16xf32, #tpu.memory_space<vmem>>
        %dma_start3A_804 = arith.constant 384 : i32
        %dma_start3A_805 = tpu.memref_slice %arg11[%dma_start3A_799, %dma_start3A_800, %dma_start3A_804] : memref<2x4x512xi32, #tpu.memory_space<vmem>> -> memref<1x1x128xi32, #tpu.memory_space<vmem>>
        %dma_start3A_806 = tpu.memref_squeeze %dma_start3A_805 : memref<1x1x128xi32, #tpu.memory_space<vmem>> -> memref<128xi32, #tpu.memory_space<vmem>>
        %dma_start3A_807 = arith.constant 0 : i32
        %dma_start3A_808 = arith.constant 0 : i32
        %dma_start3A_809 = tpu.memref_slice %arg4[%dma_start3A_807, %dma_start3A_808] : memref<100000x16xf32, #tpu.memory_space<hbm>> -> memref<100000x16xf32, #tpu.memory_space<hbm>>
        tpu.enqueue_indirect_dma source(%dma_start3A_809 : memref<100000x16xf32, #tpu.memory_space<hbm>>) target(%dma_start3A_803 : memref<128x16xf32, #tpu.memory_space<vmem>>) offsets(%dma_start3A_806 : memref<128xi32, #tpu.memory_space<vmem>>) semaphore(%arg14 : memref<!tpu.dma_semaphore, #tpu.memory_space<semaphore_mem>>)
        %dma_start3A_810 = arith.constant 0 : i32
        %dma_start3A_811 = arith.constant 3 : i32
        %dma_start3A_812 = arith.constant 1536 : i32
        %dma_start3A_813 = arith.constant 0 : i32
        %dma_start3A_814 = tpu.memref_slice %arg12[%dma_start3A_812, %dma_start3A_813] : memref<4096x16xf32, #tpu.memory_space<vmem>> -> memref<128x16xf32, #tpu.memory_space<vmem>>
        %dma_start3A_815 = arith.constant 0 : i32
        %dma_start3A_816 = tpu.memref_slice %arg11[%dma_start3A_810, %dma_start3A_811, %dma_start3A_815] : memref<2x4x512xi32, #tpu.memory_space<vmem>> -> memref<1x1x128xi32, #tpu.memory_space<vmem>>
        %dma_start3A_817 = tpu.memref_squeeze %dma_start3A_816 : memref<1x1x128xi32, #tpu.memory_space<vmem>> -> memref<128xi32, #tpu.memory_space<vmem>>
        %dma_start3A_818 = arith.constant 0 : i32
        %dma_start3A_819 = arith.constant 0 : i32
        %dma_start3A_820 = tpu.memref_slice %arg5[%dma_start3A_818, %dma_start3A_819] : memref<1000x16xf32, #tpu.memory_space<hbm>> -> memref<1000x16xf32, #tpu.memory_space<hbm>>
        tpu.enqueue_indirect_dma source(%dma_start3A_820 : memref<1000x16xf32, #tpu.memory_space<hbm>>) target(%dma_start3A_814 : memref<128x16xf32, #tpu.memory_space<vmem>>) offsets(%dma_start3A_817 : memref<128xi32, #tpu.memory_space<vmem>>) semaphore(%arg14 : memref<!tpu.dma_semaphore, #tpu.memory_space<semaphore_mem>>)
        %dma_start3A_821 = arith.constant 0 : i32
        %dma_start3A_822 = arith.constant 3 : i32
        %dma_start3A_823 = arith.constant 1664 : i32
        %dma_start3A_824 = arith.constant 0 : i32
        %dma_start3A_825 = tpu.memref_slice %arg12[%dma_start3A_823, %dma_start3A_824] : memref<4096x16xf32, #tpu.memory_space<vmem>> -> memref<128x16xf32, #tpu.memory_space<vmem>>
        %dma_start3A_826 = arith.constant 128 : i32
        %dma_start3A_827 = tpu.memref_slice %arg11[%dma_start3A_821, %dma_start3A_822, %dma_start3A_826] : memref<2x4x512xi32, #tpu.memory_space<vmem>> -> memref<1x1x128xi32, #tpu.memory_space<vmem>>
        %dma_start3A_828 = tpu.memref_squeeze %dma_start3A_827 : memref<1x1x128xi32, #tpu.memory_space<vmem>> -> memref<128xi32, #tpu.memory_space<vmem>>
        %dma_start3A_829 = arith.constant 0 : i32
        %dma_start3A_830 = arith.constant 0 : i32
        %dma_start3A_831 = tpu.memref_slice %arg5[%dma_start3A_829, %dma_start3A_830] : memref<1000x16xf32, #tpu.memory_space<hbm>> -> memref<1000x16xf32, #tpu.memory_space<hbm>>
        tpu.enqueue_indirect_dma source(%dma_start3A_831 : memref<1000x16xf32, #tpu.memory_space<hbm>>) target(%dma_start3A_825 : memref<128x16xf32, #tpu.memory_space<vmem>>) offsets(%dma_start3A_828 : memref<128xi32, #tpu.memory_space<vmem>>) semaphore(%arg14 : memref<!tpu.dma_semaphore, #tpu.memory_space<semaphore_mem>>)
        %dma_start3A_832 = arith.constant 0 : i32
        %dma_start3A_833 = arith.constant 3 : i32
        %dma_start3A_834 = arith.constant 1792 : i32
        %dma_start3A_835 = arith.constant 0 : i32
        %dma_start3A_836 = tpu.memref_slice %arg12[%dma_start3A_834, %dma_start3A_835] : memref<4096x16xf32, #tpu.memory_space<vmem>> -> memref<128x16xf32, #tpu.memory_space<vmem>>
        %dma_start3A_837 = arith.constant 256 : i32
        %dma_start3A_838 = tpu.memref_slice %arg11[%dma_start3A_832, %dma_start3A_833, %dma_start3A_837] : memref<2x4x512xi32, #tpu.memory_space<vmem>> -> memref<1x1x128xi32, #tpu.memory_space<vmem>>
        %dma_start3A_839 = tpu.memref_squeeze %dma_start3A_838 : memref<1x1x128xi32, #tpu.memory_space<vmem>> -> memref<128xi32, #tpu.memory_space<vmem>>
        %dma_start3A_840 = arith.constant 0 : i32
        %dma_start3A_841 = arith.constant 0 : i32
        %dma_start3A_842 = tpu.memref_slice %arg5[%dma_start3A_840, %dma_start3A_841] : memref<1000x16xf32, #tpu.memory_space<hbm>> -> memref<1000x16xf32, #tpu.memory_space<hbm>>
        tpu.enqueue_indirect_dma source(%dma_start3A_842 : memref<1000x16xf32, #tpu.memory_space<hbm>>) target(%dma_start3A_836 : memref<128x16xf32, #tpu.memory_space<vmem>>) offsets(%dma_start3A_839 : memref<128xi32, #tpu.memory_space<vmem>>) semaphore(%arg14 : memref<!tpu.dma_semaphore, #tpu.memory_space<semaphore_mem>>)
        %dma_start3A_843 = arith.constant 0 : i32
        %dma_start3A_844 = arith.constant 3 : i32
        %dma_start3A_845 = arith.constant 1920 : i32
        %dma_start3A_846 = arith.constant 0 : i32
        %dma_start3A_847 = tpu.memref_slice %arg12[%dma_start3A_845, %dma_start3A_846] : memref<4096x16xf32, #tpu.memory_space<vmem>> -> memref<128x16xf32, #tpu.memory_space<vmem>>
        %dma_start3A_848 = arith.constant 384 : i32
        %dma_start3A_849 = tpu.memref_slice %arg11[%dma_start3A_843, %dma_start3A_844, %dma_start3A_848] : memref<2x4x512xi32, #tpu.memory_space<vmem>> -> memref<1x1x128xi32, #tpu.memory_space<vmem>>
        %dma_start3A_850 = tpu.memref_squeeze %dma_start3A_849 : memref<1x1x128xi32, #tpu.memory_space<vmem>> -> memref<128xi32, #tpu.memory_space<vmem>>
        %dma_start3A_851 = arith.constant 0 : i32
        %dma_start3A_852 = arith.constant 0 : i32
        %dma_start3A_853 = tpu.memref_slice %arg5[%dma_start3A_851, %dma_start3A_852] : memref<1000x16xf32, #tpu.memory_space<hbm>> -> memref<1000x16xf32, #tpu.memory_space<hbm>>
        tpu.enqueue_indirect_dma source(%dma_start3A_853 : memref<1000x16xf32, #tpu.memory_space<hbm>>) target(%dma_start3A_847 : memref<128x16xf32, #tpu.memory_space<vmem>>) offsets(%dma_start3A_850 : memref<128xi32, #tpu.memory_space<vmem>>) semaphore(%arg14 : memref<!tpu.dma_semaphore, #tpu.memory_space<semaphore_mem>>)
      } else {
      }
      %dma_wait3A_612 = arith.constant 2048 : i32
      %dma_wait3A_613 = arith.constant 0 : i32
      %dma_wait3A_614 = tpu.memref_slice %arg12[%dma_wait3A_612, %dma_wait3A_613] : memref<4096x16xf32, #tpu.memory_space<vmem>> -> memref<2048x16xf32, #tpu.memory_space<vmem>>
      %dma_wait3A_615 = arith.constant 0 : i32
      %dma_wait3A_616 = arith.constant 0 : i32
      %dma_wait3A_617 = tpu.memref_slice %arg4[%dma_wait3A_615, %dma_wait3A_616] : memref<100000x16xf32, #tpu.memory_space<hbm>> -> memref<2048x16xf32, #tpu.memory_space<hbm>>
      %dma_wait3A_618 = arith.constant 2048 : i32
      %dma_wait3A_619 = arith.constant 0 : i32
      %dma_wait3A_620 = tpu.memref_slice %arg12[%dma_wait3A_618, %dma_wait3A_619] : memref<4096x16xf32, #tpu.memory_space<vmem>> -> memref<2048x16xf32, #tpu.memory_space<vmem>>
      %dma_wait3A_621 = arith.constant 0 : i32
      %dma_wait3A_622 = arith.constant 0 : i32
      %dma_wait3A_623 = tpu.memref_slice %arg4[%dma_wait3A_621, %dma_wait3A_622] : memref<100000x16xf32, #tpu.memory_space<hbm>> -> memref<2048x16xf32, #tpu.memory_space<hbm>>
      tpu.wait_dma2 semaphore(%arg15 : memref<!tpu.dma_semaphore, #tpu.memory_space<semaphore_mem>>) src(%dma_wait3A_623 : memref<2048x16xf32, #tpu.memory_space<hbm>>) dst(%dma_wait3A_620 : memref<2048x16xf32, #tpu.memory_space<vmem>>)
      %add3A_624 = arith.constant 3 : i32
      %add3A_625 = arith.addi %mul3A_367, %add3A_624 : i32
      %lt3A_626 = arith.constant 50 : i32
      %lt3A_627 = arith.cmpi slt, %add3A_625, %lt3A_626 : i32
      %convert_element_type3A_628 = arith.extui %lt3A_627 : i1 to i32
      %cond3A_629 = arith.constant 0 : i32
      %cond3A_630 = arith.cmpi ne, %convert_element_type3A_628, %cond3A_629 : i32
      scf.if %cond3A_630 {
        %add3A_661 = arith.constant 3 : i32
        %add3A_662 = arith.addi %mul3A_367, %add3A_661 : i32
        %add3A_663 = arith.addi %mul3A_34, %add3A_662 : i32
        %dma_start3A_664 = arith.constant 1 : i32
        %dma_start3A_665 = arith.constant 0 : i32
        %dma_start3A_666 = arith.constant 0 : i32
        %dma_start3A_667 = tpu.memref_slice %arg11[%dma_start3A_664, %dma_start3A_665, %dma_start3A_666] : memref<2x4x512xi32, #tpu.memory_space<vmem>> -> memref<1x1x512xi32, #tpu.memory_space<vmem>>
        %dma_start3A_668 = tpu.memref_squeeze %dma_start3A_667 : memref<1x1x512xi32, #tpu.memory_space<vmem>> -> memref<512xi32, #tpu.memory_space<vmem>>
        %dma_start3A_669 = tpu.memref_slice %arg6[%add3A_663, %mul3A_32] : memref<200x4096xi32, #tpu.memory_space<hbm>> -> memref<1x512xi32, #tpu.memory_space<hbm>>
        %dma_start3A_670 = tpu.memref_squeeze %dma_start3A_669 : memref<1x512xi32, #tpu.memory_space<hbm>> -> memref<512xi32, #tpu.memory_space<hbm>>
        %dma_start3A_671 = arith.constant 0 : i32
        %dma_start3A_672 = tpu.memref_slice %arg11[%dma_start3A_664, %dma_start3A_665, %dma_start3A_671] : memref<2x4x512xi32, #tpu.memory_space<vmem>> -> memref<1x1x512xi32, #tpu.memory_space<vmem>>
        %dma_start3A_673 = tpu.memref_squeeze %dma_start3A_672 : memref<1x1x512xi32, #tpu.memory_space<vmem>> -> memref<512xi32, #tpu.memory_space<vmem>>
        %dma_start3A_674 = tpu.memref_slice %arg6[%add3A_663, %mul3A_32] : memref<200x4096xi32, #tpu.memory_space<hbm>> -> memref<1x512xi32, #tpu.memory_space<hbm>>
        %dma_start3A_675 = tpu.memref_squeeze %dma_start3A_674 : memref<1x512xi32, #tpu.memory_space<hbm>> -> memref<512xi32, #tpu.memory_space<hbm>>
        tpu.enqueue_dma source(%dma_start3A_675 : memref<512xi32, #tpu.memory_space<hbm>>) target(%dma_start3A_673 : memref<512xi32, #tpu.memory_space<vmem>>) target_semaphore(%arg17 : memref<!tpu.dma_semaphore, #tpu.memory_space<semaphore_mem>>)
        %dma_start3A_676 = arith.constant 1 : i32
        %dma_start3A_677 = arith.constant 1 : i32
        %dma_start3A_678 = arith.constant 0 : i32
        %dma_start3A_679 = tpu.memref_slice %arg11[%dma_start3A_676, %dma_start3A_677, %dma_start3A_678] : memref<2x4x512xi32, #tpu.memory_space<vmem>> -> memref<1x1x512xi32, #tpu.memory_space<vmem>>
        %dma_start3A_680 = tpu.memref_squeeze %dma_start3A_679 : memref<1x1x512xi32, #tpu.memory_space<vmem>> -> memref<512xi32, #tpu.memory_space<vmem>>
        %dma_start3A_681 = tpu.memref_slice %arg7[%add3A_663, %mul3A_32] : memref<200x4096xi32, #tpu.memory_space<hbm>> -> memref<1x512xi32, #tpu.memory_space<hbm>>
        %dma_start3A_682 = tpu.memref_squeeze %dma_start3A_681 : memref<1x512xi32, #tpu.memory_space<hbm>> -> memref<512xi32, #tpu.memory_space<hbm>>
        %dma_start3A_683 = arith.constant 0 : i32
        %dma_start3A_684 = tpu.memref_slice %arg11[%dma_start3A_676, %dma_start3A_677, %dma_start3A_683] : memref<2x4x512xi32, #tpu.memory_space<vmem>> -> memref<1x1x512xi32, #tpu.memory_space<vmem>>
        %dma_start3A_685 = tpu.memref_squeeze %dma_start3A_684 : memref<1x1x512xi32, #tpu.memory_space<vmem>> -> memref<512xi32, #tpu.memory_space<vmem>>
        %dma_start3A_686 = tpu.memref_slice %arg7[%add3A_663, %mul3A_32] : memref<200x4096xi32, #tpu.memory_space<hbm>> -> memref<1x512xi32, #tpu.memory_space<hbm>>
        %dma_start3A_687 = tpu.memref_squeeze %dma_start3A_686 : memref<1x512xi32, #tpu.memory_space<hbm>> -> memref<512xi32, #tpu.memory_space<hbm>>
        tpu.enqueue_dma source(%dma_start3A_687 : memref<512xi32, #tpu.memory_space<hbm>>) target(%dma_start3A_685 : memref<512xi32, #tpu.memory_space<vmem>>) target_semaphore(%arg17 : memref<!tpu.dma_semaphore, #tpu.memory_space<semaphore_mem>>)
        %dma_start3A_688 = arith.constant 1 : i32
        %dma_start3A_689 = arith.constant 2 : i32
        %dma_start3A_690 = arith.constant 0 : i32
        %dma_start3A_691 = tpu.memref_slice %arg11[%dma_start3A_688, %dma_start3A_689, %dma_start3A_690] : memref<2x4x512xi32, #tpu.memory_space<vmem>> -> memref<1x1x512xi32, #tpu.memory_space<vmem>>
        %dma_start3A_692 = tpu.memref_squeeze %dma_start3A_691 : memref<1x1x512xi32, #tpu.memory_space<vmem>> -> memref<512xi32, #tpu.memory_space<vmem>>
        %dma_start3A_693 = tpu.memref_slice %arg8[%add3A_663, %mul3A_32] : memref<200x4096xi32, #tpu.memory_space<hbm>> -> memref<1x512xi32, #tpu.memory_space<hbm>>
        %dma_start3A_694 = tpu.memref_squeeze %dma_start3A_693 : memref<1x512xi32, #tpu.memory_space<hbm>> -> memref<512xi32, #tpu.memory_space<hbm>>
        %dma_start3A_695 = arith.constant 0 : i32
        %dma_start3A_696 = tpu.memref_slice %arg11[%dma_start3A_688, %dma_start3A_689, %dma_start3A_695] : memref<2x4x512xi32, #tpu.memory_space<vmem>> -> memref<1x1x512xi32, #tpu.memory_space<vmem>>
        %dma_start3A_697 = tpu.memref_squeeze %dma_start3A_696 : memref<1x1x512xi32, #tpu.memory_space<vmem>> -> memref<512xi32, #tpu.memory_space<vmem>>
        %dma_start3A_698 = tpu.memref_slice %arg8[%add3A_663, %mul3A_32] : memref<200x4096xi32, #tpu.memory_space<hbm>> -> memref<1x512xi32, #tpu.memory_space<hbm>>
        %dma_start3A_699 = tpu.memref_squeeze %dma_start3A_698 : memref<1x512xi32, #tpu.memory_space<hbm>> -> memref<512xi32, #tpu.memory_space<hbm>>
        tpu.enqueue_dma source(%dma_start3A_699 : memref<512xi32, #tpu.memory_space<hbm>>) target(%dma_start3A_697 : memref<512xi32, #tpu.memory_space<vmem>>) target_semaphore(%arg17 : memref<!tpu.dma_semaphore, #tpu.memory_space<semaphore_mem>>)
        %dma_start3A_700 = arith.constant 1 : i32
        %dma_start3A_701 = arith.constant 3 : i32
        %dma_start3A_702 = arith.constant 0 : i32
        %dma_start3A_703 = tpu.memref_slice %arg11[%dma_start3A_700, %dma_start3A_701, %dma_start3A_702] : memref<2x4x512xi32, #tpu.memory_space<vmem>> -> memref<1x1x512xi32, #tpu.memory_space<vmem>>
        %dma_start3A_704 = tpu.memref_squeeze %dma_start3A_703 : memref<1x1x512xi32, #tpu.memory_space<vmem>> -> memref<512xi32, #tpu.memory_space<vmem>>
        %dma_start3A_705 = tpu.memref_slice %arg9[%add3A_663, %mul3A_32] : memref<200x4096xi32, #tpu.memory_space<hbm>> -> memref<1x512xi32, #tpu.memory_space<hbm>>
        %dma_start3A_706 = tpu.memref_squeeze %dma_start3A_705 : memref<1x512xi32, #tpu.memory_space<hbm>> -> memref<512xi32, #tpu.memory_space<hbm>>
        %dma_start3A_707 = arith.constant 0 : i32
        %dma_start3A_708 = tpu.memref_slice %arg11[%dma_start3A_700, %dma_start3A_701, %dma_start3A_707] : memref<2x4x512xi32, #tpu.memory_space<vmem>> -> memref<1x1x512xi32, #tpu.memory_space<vmem>>
        %dma_start3A_709 = tpu.memref_squeeze %dma_start3A_708 : memref<1x1x512xi32, #tpu.memory_space<vmem>> -> memref<512xi32, #tpu.memory_space<vmem>>
        %dma_start3A_710 = tpu.memref_slice %arg9[%add3A_663, %mul3A_32] : memref<200x4096xi32, #tpu.memory_space<hbm>> -> memref<1x512xi32, #tpu.memory_space<hbm>>
        %dma_start3A_711 = tpu.memref_squeeze %dma_start3A_710 : memref<1x512xi32, #tpu.memory_space<hbm>> -> memref<512xi32, #tpu.memory_space<hbm>>
        tpu.enqueue_dma source(%dma_start3A_711 : memref<512xi32, #tpu.memory_space<hbm>>) target(%dma_start3A_709 : memref<512xi32, #tpu.memory_space<vmem>>) target_semaphore(%arg17 : memref<!tpu.dma_semaphore, #tpu.memory_space<semaphore_mem>>)
      } else {
      }
      %add3A_631 = arith.constant 1 : i32
      %add3A_632 = arith.addi %mul3A_367, %add3A_631 : i32
      %dma_wait3A_633 = arith.constant 0 : i32
      %dma_wait3A_634 = arith.constant 0 : i32
      %dma_wait3A_635 = tpu.memref_slice %arg13[%dma_wait3A_633, %dma_wait3A_634] : memref<64x513xf32, #tpu.memory_space<vmem>> -> memref<64x512xf32, #tpu.memory_space<vmem>>
      %dma_wait3A_636 = arith.constant 0 : i32
      %dma_wait3A_637 = tpu.memref_slice %arg10[%mul3A_34, %dma_wait3A_636, %mul3A_32] : memref<200x64x4096xf32, #tpu.memory_space<hbm>> -> memref<1x64x512xf32, #tpu.memory_space<hbm>>
      %dma_wait3A_638 = tpu.memref_squeeze %dma_wait3A_637 : memref<1x64x512xf32, #tpu.memory_space<hbm>> -> memref<64x512xf32, #tpu.memory_space<hbm>>
      %dma_wait3A_639 = arith.constant 0 : i32
      %dma_wait3A_640 = tpu.memref_slice %arg10[%mul3A_34, %dma_wait3A_639, %mul3A_32] : memref<200x64x4096xf32, #tpu.memory_space<hbm>> -> memref<1x64x512xf32, #tpu.memory_space<hbm>>
      %dma_wait3A_641 = tpu.memref_squeeze %dma_wait3A_640 : memref<1x64x512xf32, #tpu.memory_space<hbm>> -> memref<64x512xf32, #tpu.memory_space<hbm>>
      %dma_wait3A_642 = arith.constant 0 : i32
      %dma_wait3A_643 = arith.constant 0 : i32
      %dma_wait3A_644 = tpu.memref_slice %arg13[%dma_wait3A_642, %dma_wait3A_643] : memref<64x513xf32, #tpu.memory_space<vmem>> -> memref<64x512xf32, #tpu.memory_space<vmem>>
      tpu.wait_dma2 semaphore(%arg18 : memref<!tpu.dma_semaphore, #tpu.memory_space<semaphore_mem>>) src(%dma_wait3A_644 : memref<64x512xf32, #tpu.memory_space<vmem>>) dst(%dma_wait3A_641 : memref<64x512xf32, #tpu.memory_space<hbm>>)
      %parallel_loop3A_645 = arith.constant 0 : i32
      %parallel_loop3A_646 = arith.constant 512 : i32
      %parallel_loop3A_647 = arith.constant 1 : i32
      scf.for %parallel_loop3A_661 = %parallel_loop3A_645 to %parallel_loop3A_646 step %parallel_loop3A_647  : i32 {
        %parallel_loop3A_662 = arith.constant 0 : i32
        %parallel_loop3A_663 = vector.broadcast %parallel_loop3A_662 : i32 to vector<16xi32>
        %parallel_loop3A_664 = vector.broadcast %parallel_loop3A_661 : i32 to vector<16xi32>
        %parallel_loop3A_665 = arith.addi %parallel_loop3A_663, %parallel_loop3A_664 : vector<16xi32>
        %parallel_loop3A_666 = arith.constant 2048 : i32
        %parallel_loop3A_667 = arith.addi %parallel_loop3A_666, %parallel_loop3A_661 : i32
        %parallel_loop3A_668 = arith.index_cast %parallel_loop3A_667 : i32 to index
        %parallel_loop3A_669 = arith.constant 0 : index
        %parallel_loop3A_670 = tpu.vector_load %arg12[%parallel_loop3A_668, %parallel_loop3A_669] {strides = array<i32>} : memref<4096x16xf32, #tpu.memory_space<vmem>>, vector<16xf32>,
        tpu.vector_store_idx %arg13[%add3A_37, %parallel_loop3A_665], %parallel_loop3A_670 : memref<64x513xf32, #tpu.memory_space<vmem>>[vector<16xi32>, vector<16xi32>], vector<16xf32>,
        %parallel_loop3A_671 = arith.constant 2560 : i32
        %parallel_loop3A_672 = arith.addi %parallel_loop3A_671, %parallel_loop3A_661 : i32
        %parallel_loop3A_673 = arith.index_cast %parallel_loop3A_672 : i32 to index
        %parallel_loop3A_674 = arith.constant 0 : index
        %parallel_loop3A_675 = tpu.vector_load %arg12[%parallel_loop3A_673, %parallel_loop3A_674] {strides = array<i32>} : memref<4096x16xf32, #tpu.memory_space<vmem>>, vector<16xf32>,
        tpu.vector_store_idx %arg13[%add3A_40, %parallel_loop3A_665], %parallel_loop3A_675 : memref<64x513xf32, #tpu.memory_space<vmem>>[vector<16xi32>, vector<16xi32>], vector<16xf32>,
        %parallel_loop3A_676 = arith.constant 3072 : i32
        %parallel_loop3A_677 = arith.addi %parallel_loop3A_676, %parallel_loop3A_661 : i32
        %parallel_loop3A_678 = arith.index_cast %parallel_loop3A_677 : i32 to index
        %parallel_loop3A_679 = arith.constant 0 : index
        %parallel_loop3A_680 = tpu.vector_load %arg12[%parallel_loop3A_678, %parallel_loop3A_679] {strides = array<i32>} : memref<4096x16xf32, #tpu.memory_space<vmem>>, vector<16xf32>,
        tpu.vector_store_idx %arg13[%add3A_43, %parallel_loop3A_665], %parallel_loop3A_680 : memref<64x513xf32, #tpu.memory_space<vmem>>[vector<16xi32>, vector<16xi32>], vector<16xf32>,
        %parallel_loop3A_681 = arith.constant 3584 : i32
        %parallel_loop3A_682 = arith.addi %parallel_loop3A_681, %parallel_loop3A_661 : i32
        %parallel_loop3A_683 = arith.index_cast %parallel_loop3A_682 : i32 to index
        %parallel_loop3A_684 = arith.constant 0 : index
        %parallel_loop3A_685 = tpu.vector_load %arg12[%parallel_loop3A_683, %parallel_loop3A_684] {strides = array<i32>} : memref<4096x16xf32, #tpu.memory_space<vmem>>, vector<16xf32>,
        tpu.vector_store_idx %arg13[%add3A_46, %parallel_loop3A_665], %parallel_loop3A_685 : memref<64x513xf32, #tpu.memory_space<vmem>>[vector<16xi32>, vector<16xi32>], vector<16xf32>,
      } {sc.loop_unroll_factor = 16 : i64, sc.parallel_access}
      %add3A_648 = arith.addi %mul3A_34, %add3A_632 : i32
      %dma_start3A_649 = arith.constant 0 : i32
      %dma_start3A_650 = arith.constant 0 : i32
      %dma_start3A_651 = tpu.memref_slice %arg13[%dma_start3A_649, %dma_start3A_650] : memref<64x513xf32, #tpu.memory_space<vmem>> -> memref<64x512xf32, #tpu.memory_space<vmem>>
      %dma_start3A_652 = arith.constant 0 : i32
      %dma_start3A_653 = tpu.memref_slice %arg10[%add3A_648, %dma_start3A_652, %mul3A_32] : memref<200x64x4096xf32, #tpu.memory_space<hbm>> -> memref<1x64x512xf32, #tpu.memory_space<hbm>>
      %dma_start3A_654 = tpu.memref_squeeze %dma_start3A_653 : memref<1x64x512xf32, #tpu.memory_space<hbm>> -> memref<64x512xf32, #tpu.memory_space<hbm>>
      %dma_start3A_655 = arith.constant 0 : i32
      %dma_start3A_656 = tpu.memref_slice %arg10[%add3A_648, %dma_start3A_655, %mul3A_32] : memref<200x64x4096xf32, #tpu.memory_space<hbm>> -> memref<1x64x512xf32, #tpu.memory_space<hbm>>
      %dma_start3A_657 = tpu.memref_squeeze %dma_start3A_656 : memref<1x64x512xf32, #tpu.memory_space<hbm>> -> memref<64x512xf32, #tpu.memory_space<hbm>>
      %dma_start3A_658 = arith.constant 0 : i32
      %dma_start3A_659 = arith.constant 0 : i32
      %dma_start3A_660 = tpu.memref_slice %arg13[%dma_start3A_658, %dma_start3A_659] : memref<64x513xf32, #tpu.memory_space<vmem>> -> memref<64x512xf32, #tpu.memory_space<vmem>>
      tpu.enqueue_dma source(%dma_start3A_660 : memref<64x512xf32, #tpu.memory_space<vmem>>) target(%dma_start3A_657 : memref<64x512xf32, #tpu.memory_space<hbm>>) target_semaphore(%arg18 : memref<!tpu.dma_semaphore, #tpu.memory_space<semaphore_mem>>)
    }
    %scan3A_352 = arith.constant 25 : i32
    %dma_wait3A_353 = arith.constant 0 : i32
    %dma_wait3A_354 = arith.constant 0 : i32
    %dma_wait3A_355 = tpu.memref_slice %arg13[%dma_wait3A_353, %dma_wait3A_354] : memref<64x513xf32, #tpu.memory_space<vmem>> -> memref<64x512xf32, #tpu.memory_space<vmem>>
    %dma_wait3A_356 = arith.constant 0 : i32
    %dma_wait3A_357 = tpu.memref_slice %arg10[%mul3A_34, %dma_wait3A_356, %mul3A_32] : memref<200x64x4096xf32, #tpu.memory_space<hbm>> -> memref<1x64x512xf32, #tpu.memory_space<hbm>>
    %dma_wait3A_358 = tpu.memref_squeeze %dma_wait3A_357 : memref<1x64x512xf32, #tpu.memory_space<hbm>> -> memref<64x512xf32, #tpu.memory_space<hbm>>
    %dma_wait3A_359 = arith.constant 0 : i32
    %dma_wait3A_360 = tpu.memref_slice %arg10[%mul3A_34, %dma_wait3A_359, %mul3A_32] : memref<200x64x4096xf32, #tpu.memory_space<hbm>> -> memref<1x64x512xf32, #tpu.memory_space<hbm>>
    %dma_wait3A_361 = tpu.memref_squeeze %dma_wait3A_360 : memref<1x64x512xf32, #tpu.memory_space<hbm>> -> memref<64x512xf32, #tpu.memory_space<hbm>>
    %dma_wait3A_362 = arith.constant 0 : i32
    %dma_wait3A_363 = arith.constant 0 : i32
    %dma_wait3A_364 = tpu.memref_slice %arg13[%dma_wait3A_362, %dma_wait3A_363] : memref<64x513xf32, #tpu.memory_space<vmem>> -> memref<64x512xf32, #tpu.memory_space<vmem>>
    tpu.wait_dma2 semaphore(%arg18 : memref<!tpu.dma_semaphore, #tpu.memory_space<semaphore_mem>>) src(%dma_wait3A_364 : memref<64x512xf32, #tpu.memory_space<vmem>>) dst(%dma_wait3A_361 : memref<64x512xf32, #tpu.memory_space<hbm>>)
    return
  }
}

</mosaic_0001>

<sc_bundles>
// kernel: kernel.3.cloned.1.call-start
scs
__scs_entry_jumppad:
0x0: {  	(pc) =	sbr.rel $0x88, $3  }
0x1: {  	(tag) =	ssettag $0x0;
	lr =	simm.s32 $0x1  }
0x2: {  	[smem:$0x3F99] =	sst lr;
	_ =	strace $0xD0000000  }
0x3: {  	_ = 	snop  }
0x4: {  	_ = 	snop  }
0x5: {  	_ = 	snop  }
0x6: {  	_ = 	snop  }
0x7: {  	_ = 	snop  }
__scs_overlays_trampoline_lowered:
0x8: {  	[smem:$0x3FA8] =	sst s0  }
0x9: {  	[smem:$0x3FA9] =	sst s1  }
0xa: {  	[smem:$0x3FAA] =	sst s2  }
0xb: {  	[smem:$0x3FAB] =	sst s3  }
0xc: {  	[smem:$0x3FAC] =	sst s4  }
0xd: {  	[smem:$0x3FAD] =	sst s5  }
0xe: {  	[smem:$0x3FAE] =	sst s6  }
0xf: {  	[smem:$0x3FAF] =	sst s7  }
0x10: {  	[smem:$0x3FB0] =	sst s8  }
0x11: {  	[smem:$0x3FB1] =	sst s9;
	s0 =	simm.s32 @!p0 $0x0  }
0x12: {  	s1 =	sld [smem:$0x3F97];
	s0 =	simm.s32 @p0 $0x1  }
0x13: {  	[smem:$0x3FB2] =	sst s0;
	s0 =	simm.s32 @!p1 $0x0  }
0x14: {  	s2 =	sld [smem:$0x3F96];
	s0 =	simm.s32 @p1 $0x1  }
0x15: {  	[smem:$0x3FB3] =	sst s0;
	s0 =	simm.s32 @!p2 $0x0  }
0x16: {  	s3 =	sld [smem:$0x3FDB];
	s0 =	simm.s32 @p2 $0x1  }
0x17: {  	s4 =	simm.s32 $0x1BF5;
	[smem:$0x3FB5] =	sst s0  }
0x18: {  	s0 =	sld [smem:$0x3F98];
	_ =	swait.ge [sflag:s4], $0x0  }
0x19: {  	s7 =	sld [smem:$0x3F99]  }
0x1a: {  	s8 =	sadd.s32 $0xFFFFE003, lr  }
0x1b: {  	s9 =	sadd.s32 $0xFFFFFEF7, lr;
	s5 =	simm.s32 $0xFFFFFFFF;
	p2 =	slt.u32 s8, $0xFFFFF086  }
0x1c: {  	p1 =	slt.u32 s9, $0xF7A;
	s5 =	simm.s32 @!p2 $0x0  }
0x1d: {  	s5 =	simm.s32 @p1 $0x1;
	p0 =	seq.s32 s7, s2  }
0x1e: {  	s7 =	smul.u32 @!p0 $0xF7A, s2;
	p2 =	seq.s32 @!p0 s5, $0x0  }
0x1f: {  	s9 =	smul.u32 $0xF7A, s1;
	s8 =	simm.s32 @!p0 $0x1BF5;
	p2 =	por !p2, p0  }
0x20: {  	[sflag:s8] =	ssyncset.s32 @!p0 $0xFFFFF086;
	s6 =	sadd.s32 @!p0 s3, s7;
	s7 =	simm.s32 @!p0 $0x108  }
0x21: {  	s3 =	sadd.s32 s3, s9;
	s6 =	sadd.s32 @!p0 $0x88, s6;
	s7 =	simm.s32 @p2 $0x1082  }
0x22: {  	[simem:s7], [sflag:s8] =	dma.local @!p0 [hbm:s6], $0xF7A  }
0x23: {  	s9 =	sor.u32 $0xD0000000, s2;
	s6 =	simm.s32 $0x108;
	_ =	swait.ge @!p0 [sflag:s8], $0x0  }
0x24: {  	s3 =	sadd.s32 $0x88, s3;
	s6 =	simm.s32 @!p1 $0x1082;
	[sflag:s4] =	ssyncset.s32 $0xFFFFF086  }
0x25: {  	[simem:s6], [sflag:s4] =	dma.local [hbm:s3], $0xF7A  }
0x26: {  	[smem:$0x3F99] =	sst s1;
	(tag) =	ssettag s2;
	_ =	strace s9  }
0x27: {  	s1 =	sld [smem:$0x3FA9]  }
0x28: {  	s2 =	sld [smem:$0x3FAA]  }
0x29: {  	s4 =	sld [smem:$0x3FAC]  }
0x2a: {  	p0 =	seq.s32 s5, $0x0;
	s5 =	sld [smem:$0x3FAD]  }
0x2b: {  	s6 =	sld [smem:$0x3FAE]  }
0x2c: {  	s7 =	sld [smem:$0x3FAF]  }
0x2d: {  	s3 =	simm.s32 $0x108;
	s8 =	sld [smem:$0x3FB0]  }
0x2e: {  	s3 =	simm.s32 @!p0 $0x1082;
	s9 =	sld [smem:$0x3FB1]  }
0x2f: {  	lr =	sadd.s32 s0, s3;
	s0 =	sld [smem:$0x3FA8]  }
0x30: {  	s3 =	sld [smem:$0x3FAB]  }
0x31: {  	[smem:$0x3FB4] =	sst s10  }
0x32: {  	s10 =	sld [smem:$0x3FB2];
	_ =	sdelay $0x3  }
0x33: {  	p0 =	seq.s32 s10, $0x1;
	s10 =	sld [smem:$0x3FB4];
	_ =	sdelay $0x3  }
0x34: {  	[smem:$0x3FB4] =	sst s10  }
0x35: {  	s10 =	sld [smem:$0x3FB3];
	_ =	sdelay $0x3  }
0x36: {  	p1 =	seq.s32 s10, $0x1;
	s10 =	sld [smem:$0x3FB4];
	_ =	sdelay $0x3  }
0x37: {  	[smem:$0x3FB4] =	sst s10  }
0x38: {  	s10 =	sld [smem:$0x3FB5]  }
0x39: {  	_ = 	snop;
	(pc) =	sbr.ind lr, $3  }
0x3a: {  	_ = 	snop  }
0x3b: {  	_ = 	snop  }
0x3c: {  	p2 =	seq.s32 s10, $0x1;
	s10 =	sld [smem:$0x3FB4]  }
0x3d: {  	_ =	shalt  }
0x3e: {  	_ =	shalt  }
0x3f: {  	_ =	shalt  }
0x40: {  	_ =	shalt  }
0x41: {  	_ =	shalt  }
0x42: {  	_ =	shalt  }
0x43: {  	_ =	shalt  }
0x44: {  	_ =	shalt  }
0x45: {  	_ =	shalt  }
0x46: {  	_ =	shalt  }
0x47: {  	_ =	shalt  }
0x48: {  	_ =	shalt  }
0x49: {  	_ =	shalt  }
0x4a: {  	_ =	shalt  }
0x4b: {  	_ =	shalt  }
0x4c: {  	_ =	shalt  }
0x4d: {  	_ =	shalt  }
0x4e: {  	_ =	shalt  }
0x4f: {  	_ =	shalt  }
0x50: {  	_ =	shalt  }
0x51: {  	_ =	shalt  }
0x52: {  	_ =	shalt  }
0x53: {  	_ =	shalt  }
0x54: {  	_ =	shalt  }
0x55: {  	_ =	shalt  }
0x56: {  	_ =	shalt  }
0x57: {  	_ =	shalt  }
0x58: {  	_ =	shalt  }
0x59: {  	_ =	shalt  }
0x5a: {  	_ =	shalt  }
0x5b: {  	_ =	shalt  }
0x5c: {  	_ =	shalt  }
0x5d: {  	_ =	shalt  }
0x5e: {  	_ =	shalt  }
0x5f: {  	_ =	shalt  }
0x60: {  	_ =	shalt  }
0x61: {  	_ =	shalt  }
0x62: {  	_ =	shalt  }
0x63: {  	_ =	shalt  }
0x64: {  	_ =	shalt  }
0x65: {  	_ =	shalt  }
0x66: {  	_ =	shalt  }
0x67: {  	_ =	shalt  }
0x68: {  	_ =	shalt  }
0x69: {  	_ =	shalt  }
0x6a: {  	_ =	shalt  }
0x6b: {  	_ =	shalt  }
0x6c: {  	_ =	shalt  }
0x6d: {  	_ =	shalt  }
0x6e: {  	_ =	shalt  }
0x6f: {  	_ =	shalt  }
0x70: {  	_ =	shalt  }
0x71: {  	_ =	shalt  }
0x72: {  	_ =	shalt  }
0x73: {  	_ =	shalt  }
0x74: {  	_ =	shalt  }
0x75: {  	_ =	shalt  }
0x76: {  	_ =	shalt  }
0x77: {  	_ =	shalt  }
0x78: {  	_ =	shalt  }
0x79: {  	_ =	shalt  }
0x7a: {  	_ =	shalt  }
0x7b: {  	_ =	shalt  }
0x7c: {  	_ =	shalt  }
0x7d: {  	_ =	shalt  }
0x7e: {  	_ =	shalt  }
0x7f: {  	_ =	shalt  }
0x80: {  	_ =	shalt  }
0x81: {  	_ =	shalt  }
0x82: {  	_ =	shalt  }
0x83: {  	_ =	shalt  }
0x84: {  	_ =	shalt  }
0x85: {  	_ =	shalt  }
0x86: {  	_ =	shalt  }
0x87: {  	_ =	shalt  }
.Lfunc_end0:
.L_simem_size_0:
called_computation_lowered:
.L_overlay_start_0:
0x88: {  	s2 =	sld [smem:$0x3FD9]  }
0x89: {  	s3 =	sld [smem:$0x3FFE];
	_ =	sdelay $0x1  }
0x8a: {  	s1 =	srdreg.scid  }
0x8b: {  	s0 =	sand.u32 $0x1, s1  }
0x8c: {  	s16 =	sshll.u32 s0, $0xA;
	s2 =	sadd.s32 s3, s2  }
0x8d: {  	s2 =	sadd.s32 s2, s16  }
0x8e: {  	[smem:$0x3FC0] =	sst s2  }
0x8f: {  	_ = 	snop  }
0x90: {  	(tm) =	ssettm $0x1  }
0x91: {  	s17 =	sld [smem:$0x3FFB];
	_ =	sdelay $0x3  }
0x92: {  	_ =	strace s17  }
0x93: {  	s2 =	sld [smem:$0x3FFC];
	_ =	sdelay $0x3  }
0x94: {  	_ =	strace s2  }
0x95: {  	s2 =	sld [smem:$0x3FFD];
	_ =	sdelay $0x3  }
0x96: {  	_ =	strace s2  }
0x97: {  	_ =	strace $0x8FFFFFFF  }
0x98: {  	s18 =	sld [smem:$0x3FDB];
	_ =	sdelay $0x1  }
0x99: {  	s19 =	simm.s32 $_scs_section_size  }
0x9a: {  	s4 =	simm.s32 $_size__tile_overlayer_lowered;
	s5 =	simm.s32 $_tile_overlayer_lowered  }
0x9b: {  	s22 =	simm.s32 $0x1BFF;
	s21 =	sshll.u32 s5, $0x1;
	s2 =	sadd.s32 s19, s18  }
0x9c: {  	s6 =	simm.s32 $0x0;
	s20 =	sshll.u32 s4, $0x1;
	s4 =	sadd.s32 s21, s2  }
0x9d: {  	[timem:s6], [sflag:s22] =	dma.local [hbm:s4], s20  }
0x9e: {  	_ =	swait.ge [sflag:s22], s20  }
0x9f: {  	s3 =	ssub.s32 $0x0, s20;
	[sflag:s22] =	ssyncset.done $0x0  }
0xa0: {  	[sflag:s22] =	ssyncadd.s32 s3;
	_ =	sdelay $0x1  }
0xa1: {  	s23 =	simm.s32 $0x1B8B  }
0xa2: {  	_ =	swait.ge [sflag:s23], $0x1  }
0xa3: {  	[sflag:s23] =	ssyncset.done $0x0  }
0xa4: {  	s25 =	simm.s32 $0x1B8E;
	s24 =	sld [smem:$0x3FFE];
	[sflag:s23] =	ssyncadd.s32 $0xFFFFFFFF  }
0xa5: {  	s26 =	simm.s32 $execute0_lowered;
	[smem:$0x3FD2] =	sst s25  }
0xa6: {  	s4 =	sshll.u32 s26, $0x1;
	_ =	strace $0x80000046;
	[dreg:$0x1] =	wrdreg $0xFFFFFFFF  }
0xa7: {  	s28 =	simm.s32 $_size_execute0_lowered;
	s2 =	sadd.s32 s2, s4;
	[dreg:$0x0] =	wrdreg $0x0  }
0xa8: {  	s4 =	sshll.u32 s28, $0x1;
	[dreg:$0x2] =	wrdreg s2  }
0xa9: {  	[dreg:$0x3] =	wrdreg s4  }
0xaa: {  	[dreg:$0x4] =	wrdreg $0xC0  }
0xab: {  	_ =	task [dreg:s6], $0x5FFFF  }
0xac: {  	[dreg:$0x1] =	wrdreg $0xFFFFFFFF  }
0xad: {  	[dreg:$0x0] =	wrdreg $0x60  }
0xae: {  	[dreg:$0x2] =	wrdreg s24  }
0xaf: {  	[dreg:$0x3] =	wrdreg $0x9  }
0xb0: {  	_ =	task.clear_ibuf [dreg:s6], $0x4FFFF;
	_ =	strace $0x90000046  }
0xb1: {  	s29 =	simm.s32 $0x9;
	_ =	strace $0x80000048  }
0xb2: {  	_ =	swait.ge [sflag:s29], $0x1  }
0xb3: {  	[sflag:s29] =	ssyncadd.s32 $0xFFFFFFFF  }
0xb4: {  	_ =	strace $0x90000048  }
0xb5: {  	_ =	sfence  }
0xb6: {  	s30 =	sld [smem:$0x0];
	_ =	sdelay $0x2  }
0xb7: {  	s31 =	sshll.u32 s1, $0xD;
	s1 =	sshrl.u32 s1, $0x2  }
0xb8: {  	s3 =	sand.u32 $0x4000, s31;
	s1 =	sadd.s32 s1, s30  }
0xb9: {  	s0 =	sor.u32 s3, s0;
	s1 =	sshll.u32 s1, $0x11  }
0xba: {  	s0 =	sor.u32 s1, s0  }
0xbb: {  	s0 =	sadd.s32 $0x8F2B, s0  }
0xbc: {  	[sflag:s0] =	ssyncadd.remote.s32 $0x1  }
0xbd: {  	_ =	sfence.sel $0xFFFF  }
0xbe: {  	[dreg:$0x0] =	wrdreg $0xFFFFFFFF;
	(pc) =	sbr.abs _section_cstart, $3  }
0xbf: {  	[dreg:$0x1] =	wrdreg $0xFFFFFFFF  }
0xc0: {  	_ =	task.clear_ibuf [dreg:s6], $0x2FFFF;
	_ =	strace $0x9FFFFFFF  }
0xc1: {  	(tm) =	ssettm $0x7FFFFFFF  }
tec
execute0_lowered:
.L_overlay_start_1:
0x0: {  	(tag) =	ssettag $0x1  }
0x1: {  	v0 =	vlaneseq.u32  }
0x2: {  	v62 =	vmul.u32 $0x208, v0  }
0x3: {  	s1 =	simm.s32 $0x0  }
0x4: {  	[smem:$0x7FF] =	sst s1;
	v0 =	vadd.s32 $0x6180, v62  }
0x5: {  	s0 =	rddreg [dreg:$0x0];
	_ =	strace $0x80000047;
	v29 =	vor.u32 $0x7, v62;
	[tilespmem:$0x1FE40] =	vst v0  }
0x6: {  	v14 =	vor.u32 $0x1, v62;
	[tilespmem:$0x1FFA0] =	vst v29  }
0x7: {  	v18 =	vor.u32 $0x2, v62;
	[tilespmem:$0x1FFB0] =	vst v14  }
0x8: {  	v59 =	vor.u32 $0x3, v62;
	[tilespmem:$0x1FFC0] =	vst v18  }
0x9: {  	v61 =	vor.u32 $0x4, v62;
	[tilespmem:$0x1FFD0] =	vst v59  }
0xa: {  	v15 =	vadd.s32 $0x2081, v62;
	[tilespmem:$0x1FFE0] =	vst v61  }
0xb: {  	v0 =	vadd.s32 $0x6181, v62;
	[tilespmem:$0x1FFF0] =	vst v15  }
0xc: {  	[tilespmem:$0x1FE50] =	vst v0;
	v0 =	vadd.s32 $0x2082, v62  }
0xd: {  	s10 =	stileid.u32;
	s3 =	srdreg.scid;
	s31 =	simm.s32 $0x3;
	[tilespmem:$0x1FE60] =	vst v0;
	v0 =	vadd.s32 $0x4102, v62  }
0xe: {  	s16 =	simm.s32 $0x1;
	s17 =	simm.s32 $0x5;
	s28 =	simm.s32 $0x0;
	[tilespmem:$0x1FE70] =	vst v0;
	v0 =	vadd.s32 $0x6182, v62  }
0xf: {  	s2 =	sadd.s32 $0x1400, s0;
	s4 =	sadd.s32 $0x1C00, s0;
	s5 =	sadd.s32 $0x66C00, s0;
	[tilespmem:$0x1FE80] =	vst v0;
	v0 =	vadd.s32 $0x2083, v62  }
0x10: {  	s6 =	sadd.s32 $0x2400, s0;
	s7 =	sadd.s32 $0x2C00, s0;
	s8 =	sadd.s32 $0x1BC00, s0;
	[tilespmem:$0x1FE90] =	vst v0;
	v0 =	vadd.s32 $0x4103, v62  }
0x11: {  	s9 =	sshll.u32 s10, $0x1;
	s3 =	sand.u32 $0x1, s3;
	s14 =	sshrl.u32 s10, $0x2;
	[tilespmem:$0x1FEA0] =	vst v0;
	v0 =	vadd.s32 $0x6183, v62  }
0x12: {  	s10 =	sadd.s32 $0x4DC00, s0;
	s12 =	sadd.s32 $0x97A00, s0;
	s18 =	sand.u32 $0x6, s9;
	[tilespmem:$0x1FEB0] =	vst v0;
	v0 =	vadd.s32 $0x2084, v62  }
0x13: {  	s13 =	smul.u32 $0x32000, s14;
	s11 =	sor.u32 s3, s18;
	s3 =	ssub.s32 $0x2, s3;
	[tilespmem:$0x1FEC0] =	vst v0;
	v0 =	vadd.s32 $0x4104, v62  }
0x14: {  	s9 =	sadd.s32 $0x34C00, s0;
	s11 =	sshll.u32 s11, $0x9;
	s19 =	sshrl.u32 s3, $0x1;
	[tilespmem:$0x1FED0] =	vst v0;
	v0 =	vadd.s32 $0x6184, v62  }
0x15: {  	s18 =	simm.s32 $0x11000;
	s15 =	sor.u32 s13, s11;
	s0 =	ssub.s32 s3, s19;
	[tilespmem:$0x1FEE0] =	vst v0;
	v0 =	vor.u32 $0x5, v62  }
0x16: {  	s13 =	smul.u32 $0x32, s14;
	s20 =	sshrl.u32 s15, $0x3;
	s0 =	smax.u32 s0, $0x1;
	[tilespmem:$0x1FEF0] =	vst v0;
	v0 =	vadd.s32 $0x2085, v62  }
0x17: {  	s14 =	smul.u32 $0xC80000, s14;
	s15 =	sadd.s32 s7, s20;
	[dreg:$0xb] =	wrdreg s0;
	[tilespmem:$0x1FF00] =	vst v0;
	v0 =	vadd.s32 $0x4105, v62  }
0x18: {  	s19 =	simm.s32 $0x2;
	s21 =	sadd.s32 s8, s20;
	[dreg:$0x2] =	wrdreg s15;
	[tilespmem:$0x1FF10] =	vst v0;
	v0 =	vadd.s32 $0x6185, v62  }
0x19: {  	s22 =	sadd.s32 s9, s20;
	s23 =	sadd.s32 s10, s20;
	[dreg:$0x3] =	wrdreg s21;
	[tilespmem:$0x1FF20] =	vst v0;
	v0 =	vor.u32 $0x6, v62  }
0x1a: {  	s3 =	sor.u32 $0x200, s20;
	s14 =	sor.u32 s14, s11;
	[dreg:$0x4] =	wrdreg s22;
	[tilespmem:$0x1FF30] =	vst v0;
	v0 =	vadd.s32 $0x2086, v62  }
0x1b: {  	s30 =	sadd.s32 $0x3, s13;
	s0 =	simm.s32 $0x80;
	[dreg:$0x5] =	wrdreg s23;
	[tilespmem:$0x1FF40] =	vst v0;
	v0 =	vadd.s32 $0x4106, v62  }
0x1c: {  	s24 =	sadd.s32 s7, s3;
	s25 =	sadd.s32 s8, s3;
	[dreg:$0xa] =	wrdreg s30;
	[tilespmem:$0x1FF50] =	vst v0;
	v0 =	vadd.s32 $0x6186, v62  }
0x1d: {  	s26 =	sadd.s32 s9, s3;
	s3 =	sadd.s32 s10, s3;
	[dreg:$0x6] =	wrdreg s24;
	[tilespmem:$0x1FF60] =	vst v0;
	v0 =	vadd.s32 $0x2087, v62  }
0x1e: {  	v1 =	vimm.s32 $0x0;
	vm0 =	vcmask $0x300;
	s29 =	sshrl.u32 s14, $0x3;
	s23 =	sadd.s32 $0x2, s13;
	[dreg:$0x7] =	wrdreg s25;
	[tilespmem:$0x1FF70] =	vst v0;
	v0 =	vadd.s32 $0x4107, v62  }
0x1f: {  	v1 =	vsel vm0, $0x3, v1;
	s14 =	simm.s32 $0x4;
	s15 =	simm.s32 $0x0;
	[dreg:$0x8] =	wrdreg s26;
	[tilespmem:$0x1FF80] =	vst v0;
	v0 =	vadd.s32 $0x6187, v62  }
0x20: {  	v63 =	vadd.s32 $0x2080, v62;
	v13 =	vadd.s32 $0x4100, v62;
	v17 =	vadd.s32 $0x4101, v62;
	[dreg:$0x9] =	wrdreg s3;
	s22 =	sadd.s32 s12, s29;
	s26 =	sor.u32 $0x1, s13;
	[tilespmem:$0x1FF90] =	vst v0  }
.LBB2_1:
0x21: {  	[dreg:$0xc] =	wrdreg s15  }
0x22: {  	s3 =	rddreg [dreg:$0x2]  }
0x23: {  	[tilespmem:s1], [sflag:$0x3] =	stream.linear.gather [hbm4b:s3+s1], $0x200, $0x38;
	[tilespmem:$0x19200] =	vst v63  }
0x24: {  	s24 =	rddreg [dreg:$0x3];
	s15 =	simm.s32 $0x200  }
0x25: {  	[tilespmem:s15], [sflag:$0x3] =	stream.linear.gather [hbm4b:s24+s1], $0x200, $0x38;
	[tilespmem:$0x19200] =	vst v63  }
0x26: {  	s25 =	rddreg [dreg:$0x4];
	s20 =	simm.s32 $0x400  }
0x27: {  	[tilespmem:s20], [sflag:$0x3] =	stream.linear.gather [hbm4b:s25+s1], $0x200, $0x38;
	[tilespmem:$0x19200] =	vst v63  }
0x28: {  	s29 =	rddreg [dreg:$0x5];
	s21 =	simm.s32 $0x600  }
0x29: {  	[tilespmem:s21], [sflag:$0x3] =	stream.linear.gather [hbm4b:s29+s1], $0x200, $0x38;
	[tilespmem:$0x19200] =	vst v63  }
0x2a: {  	_ =	swait.ge [sflag:s31], $0x800  }
0x2b: {  	[sflag:s31] =	ssyncset.done $0x0  }
0x2c: {  	s30 =	simm.s32 $0x1000;
	[sflag:s31] =	ssyncadd.s32 $0xFFFFF800  }
0x2d: {  	[tilespmem:s30], [sflag:$0x1] =	stream.indirect.gather [hbm4b:s2+s0], $0x10, s1, s0, $0xb8;
	[tilespmem:$0x19200] =	vst v63  }
0x2e: {  	s24 =	simm.s32 $0x1800  }
0x2f: {  	[tilespmem:s24], [sflag:$0x1] =	stream.indirect.gather [hbm4b:s2+s0], $0x10, s0, s0, $0xb8;
	[tilespmem:$0x19200] =	vst v63  }
0x30: {  	s25 =	simm.s32 $0x100;
	s24 =	simm.s32 $0x2000  }
0x31: {  	[tilespmem:s24], [sflag:$0x1] =	stream.indirect.gather [hbm4b:s2+s0], $0x10, s25, s0, $0xb8;
	[tilespmem:$0x19200] =	vst v63  }
0x32: {  	s29 =	simm.s32 $0x180;
	s30 =	simm.s32 $0x2800  }
0x33: {  	[tilespmem:s30], [sflag:$0x1] =	stream.indirect.gather [hbm4b:s2+s0], $0x10, s29, s0, $0xb8;
	[tilespmem:$0x19200] =	vst v63  }
0x34: {  	s25 =	simm.s32 $0x3000  }
0x35: {  	[tilespmem:s25], [sflag:$0x1] =	stream.indirect.gather [hbm4b:s4+s0], $0x10, s15, s0, $0xb8;
	[tilespmem:$0x19200] =	vst v63  }
0x36: {  	s29 =	simm.s32 $0x280;
	s30 =	simm.s32 $0x3800  }
0x37: {  	[tilespmem:s30], [sflag:$0x1] =	stream.indirect.gather [hbm4b:s4+s0], $0x10, s29, s0, $0xb8;
	[tilespmem:$0x19200] =	vst v63  }
0x38: {  	s24 =	simm.s32 $0x300;
	s25 =	simm.s32 $0x4000  }
0x39: {  	[tilespmem:s25], [sflag:$0x1] =	stream.indirect.gather [hbm4b:s4+s0], $0x10, s24, s0, $0xb8;
	[tilespmem:$0x19200] =	vst v63  }
0x3a: {  	s29 =	simm.s32 $0x380;
	s30 =	simm.s32 $0x4800  }
0x3b: {  	[tilespmem:s30], [sflag:$0x1] =	stream.indirect.gather [hbm4b:s4+s0], $0x10, s29, s0, $0xb8;
	[tilespmem:$0x19200] =	vst v63  }
0x3c: {  	s15 =	simm.s32 $0x5000  }
0x3d: {  	[tilespmem:s15], [sflag:$0x1] =	stream.indirect.gather [hbm4b:s5+s0], $0x10, s20, s0, $0xb8;
	[tilespmem:$0x19200] =	vst v63  }
0x3e: {  	s24 =	simm.s32 $0x480;
	s25 =	simm.s32 $0x5800  }
0x3f: {  	[tilespmem:s25], [sflag:$0x1] =	stream.indirect.gather [hbm4b:s5+s0], $0x10, s24, s0, $0xb8;
	[tilespmem:$0x19200] =	vst v63  }
0x40: {  	s29 =	simm.s32 $0x500;
	s30 =	simm.s32 $0x6000  }
0x41: {  	[tilespmem:s30], [sflag:$0x1] =	stream.indirect.gather [hbm4b:s5+s0], $0x10, s29, s0, $0xb8;
	[tilespmem:$0x19200] =	vst v63  }
0x42: {  	s20 =	simm.s32 $0x580;
	s24 =	simm.s32 $0x6800  }
0x43: {  	[tilespmem:s24], [sflag:$0x1] =	stream.indirect.gather [hbm4b:s5+s0], $0x10, s20, s0, $0xb8;
	[tilespmem:$0x19200] =	vst v63  }
0x44: {  	s25 =	simm.s32 $0x7000  }
0x45: {  	[tilespmem:s25], [sflag:$0x1] =	stream.indirect.gather [hbm4b:s6+s0], $0x10, s21, s0, $0xb8;
	[tilespmem:$0x19200] =	vst v63  }
0x46: {  	s29 =	simm.s32 $0x680;
	s30 =	simm.s32 $0x7800  }
0x47: {  	[tilespmem:s30], [sflag:$0x1] =	stream.indirect.gather [hbm4b:s6+s0], $0x10, s29, s0, $0xb8;
	[tilespmem:$0x19200] =	vst v63  }
0x48: {  	s20 =	simm.s32 $0x700;
	s21 =	simm.s32 $0x8000  }
0x49: {  	[tilespmem:s21], [sflag:$0x1] =	stream.indirect.gather [hbm4b:s6+s0], $0x10, s20, s0, $0xb8;
	[tilespmem:$0x19200] =	vst v63  }
0x4a: {  	s24 =	simm.s32 $0x780;
	s25 =	simm.s32 $0x8800  }
0x4b: {  	[tilespmem:s25], [sflag:$0x1] =	stream.indirect.gather [hbm4b:s6+s0], $0x10, s24, s0, $0xb8;
	[tilespmem:$0x19200] =	vst v63  }
0x4c: {  	s29 =	rddreg [dreg:$0x6];
	s30 =	simm.s32 $0x800  }
0x4d: {  	[tilespmem:s30], [sflag:$0x4] =	stream.linear.gather [hbm4b:s29+s1], $0x200, $0x38;
	[tilespmem:$0x19200] =	vst v63  }
0x4e: {  	s15 =	rddreg [dreg:$0x7];
	s20 =	simm.s32 $0xA00  }
0x4f: {  	[tilespmem:s20], [sflag:$0x4] =	stream.linear.gather [hbm4b:s15+s1], $0x200, $0x38;
	[tilespmem:$0x19200] =	vst v63  }
0x50: {  	s21 =	rddreg [dreg:$0x8];
	s24 =	simm.s32 $0xC00  }
0x51: {  	[tilespmem:s24], [sflag:$0x4] =	stream.linear.gather [hbm4b:s21+s1], $0x200, $0x38;
	[tilespmem:$0x19200] =	vst v63  }
0x52: {  	s25 =	rddreg [dreg:$0x9];
	s29 =	simm.s32 $0xE00  }
0x53: {  	[tilespmem:s29], [sflag:$0x4] =	stream.linear.gather [hbm4b:s25+s1], $0x200, $0x38;
	[tilespmem:$0x19200] =	vst v63  }
0x54: {  	s30 =	sadd.s32 $0x0, s22;
	s15 =	simm.s32 $0x200;
	s20 =	simm.s32 $0x11000  }
0x55: {  	[hbm4b:s30+s1] =	stream.linear.scatter [tilespmem:s18], [sflag:$0x5], $0x200, $0x38;
	[tilespmem:$0x19200] =	vst v63  }
.LBB2_2:
0x56: {  	p0 =	sne.s32 s15, $0x7E00  }
.Ltmp0:
0x57: {  	_ = 	snop;
	(pc) =	sbr.rel @p0 .LBB2_2-.Ltmp0, $4  }
0x58: {  	_ = 	snop  }
0x59: {  	s21 =	sadd.s32 s15, s22;
	s20 =	sadd.s32 $0x208, s20  }
0x5a: {  	s15 =	sadd.s32 $0x200, s15  }
0x5b: {  	[hbm4b:s21+s28] =	stream.linear.scatter [tilespmem:s20], [sflag:$0x5], $0x200, $0x38;
	[tilespmem:$0x19200] =	vst v63  }
0x5c: {  	s29 =	simm.s32 $0x0  }
.LBB2_4:
0x5d: {  	_ =	swait.ge [sflag:s14], $0x800  }
0x5e: {  	[sflag:s14] =	ssyncset.done $0x0  }
0x5f: {  	s3 =	simm.s32 $0x800;
	s15 =	simm.s32 $0x9000;
	[sflag:s14] =	ssyncadd.s32 $0xFFFFF800  }
0x60: {  	[tilespmem:s15], [sflag:$0x2] =	stream.indirect.gather [hbm4b:s2+s0], $0x10, s3, s0, $0xb8;
	[tilespmem:$0x19200] =	vst v63  }
0x61: {  	s20 =	simm.s32 $0x880;
	s21 =	simm.s32 $0x9800  }
0x62: {  	[tilespmem:s21], [sflag:$0x2] =	stream.indirect.gather [hbm4b:s2+s0], $0x10, s20, s0, $0xb8;
	[tilespmem:$0x19200] =	vst v63  }
0x63: {  	s24 =	simm.s32 $0x900;
	s25 =	simm.s32 $0xA000  }
0x64: {  	[tilespmem:s25], [sflag:$0x2] =	stream.indirect.gather [hbm4b:s2+s0], $0x10, s24, s0, $0xb8;
	[tilespmem:$0x19200] =	vst v63  }
0x65: {  	s20 =	simm.s32 $0x980;
	s21 =	simm.s32 $0xA800  }
0x66: {  	[tilespmem:s21], [sflag:$0x2] =	stream.indirect.gather [hbm4b:s2+s0], $0x10, s20, s0, $0xb8;
	[tilespmem:$0x19200] =	vst v63  }
0x67: {  	s24 =	simm.s32 $0xA00;
	s25 =	simm.s32 $0xB000  }
0x68: {  	[tilespmem:s25], [sflag:$0x2] =	stream.indirect.gather [hbm4b:s4+s0], $0x10, s24, s0, $0xb8;
	[tilespmem:$0x19200] =	vst v63  }
0x69: {  	s20 =	simm.s32 $0xA80;
	s21 =	simm.s32 $0xB800  }
0x6a: {  	[tilespmem:s21], [sflag:$0x2] =	stream.indirect.gather [hbm4b:s4+s0], $0x10, s20, s0, $0xb8;
	[tilespmem:$0x19200] =	vst v63  }
0x6b: {  	s24 =	simm.s32 $0xB00;
	s25 =	simm.s32 $0xC000  }
0x6c: {  	[tilespmem:s25], [sflag:$0x2] =	stream.indirect.gather [hbm4b:s4+s0], $0x10, s24, s0, $0xb8;
	[tilespmem:$0x19200] =	vst v63  }
0x6d: {  	s20 =	simm.s32 $0xB80;
	s21 =	simm.s32 $0xC800  }
0x6e: {  	[tilespmem:s21], [sflag:$0x2] =	stream.indirect.gather [hbm4b:s4+s0], $0x10, s20, s0, $0xb8;
	[tilespmem:$0x19200] =	vst v63  }
0x6f: {  	s24 =	simm.s32 $0xC00;
	s25 =	simm.s32 $0xD000  }
0x70: {  	[tilespmem:s25], [sflag:$0x2] =	stream.indirect.gather [hbm4b:s5+s0], $0x10, s24, s0, $0xb8;
	[tilespmem:$0x19200] =	vst v63  }
0x71: {  	s20 =	simm.s32 $0xC80;
	s21 =	simm.s32 $0xD800  }
0x72: {  	[tilespmem:s21], [sflag:$0x2] =	stream.indirect.gather [hbm4b:s5+s0], $0x10, s20, s0, $0xb8;
	[tilespmem:$0x19200] =	vst v63  }
0x73: {  	s24 =	simm.s32 $0xD00;
	s25 =	simm.s32 $0xE000  }
0x74: {  	[tilespmem:s25], [sflag:$0x2] =	stream.indirect.gather [hbm4b:s5+s0], $0x10, s24, s0, $0xb8;
	[tilespmem:$0x19200] =	vst v63  }
0x75: {  	s20 =	simm.s32 $0xD80;
	s21 =	simm.s32 $0xE800  }
0x76: {  	[tilespmem:s21], [sflag:$0x2] =	stream.indirect.gather [hbm4b:s5+s0], $0x10, s20, s0, $0xb8;
	[tilespmem:$0x19200] =	vst v63  }
0x77: {  	s30 =	sshll.u32 s29, $0x1;
	s24 =	simm.s32 $0xE00;
	s25 =	simm.s32 $0xF000  }
0x78: {  	[tilespmem:s25], [sflag:$0x2] =	stream.indirect.gather [hbm4b:s6+s0], $0x10, s24, s0, $0xb8;
	[tilespmem:$0x19200] =	vst v63  }
0x79: {  	p0 =	seq.s32 s29, $0x18;
	s20 =	simm.s32 $0xE80;
	s21 =	simm.s32 $0xF800  }
0x7a: {  	[tilespmem:s21], [sflag:$0x2] =	stream.indirect.gather [hbm4b:s6+s0], $0x10, s20, s0, $0xb8;
	[tilespmem:$0x19200] =	vst v63  }
0x7b: {  	s15 =	sadd.s32 @!p0 s30, s23;
	s24 =	simm.s32 $0xF00;
	s25 =	simm.s32 $0x10000  }
0x7c: {  	[tilespmem:s25], [sflag:$0x2] =	stream.indirect.gather [hbm4b:s6+s0], $0x10, s24, s0, $0xb8;
	[tilespmem:$0x19200] =	vst v63  }
0x7d: {  	s15 =	sshll.u32 @!p0 s15, $0xC;
	s20 =	simm.s32 $0xF80;
	s21 =	simm.s32 $0x10800  }
0x7e: {  	[tilespmem:s21], [sflag:$0x2] =	stream.indirect.gather [hbm4b:s6+s0], $0x10, s20, s0, $0xb8;
	[tilespmem:$0x19200] =	vst v63  }
0x7f: {  	s15 =	sor.u32 @!p0 s11, s15;
	_ =	swait.ge [sflag:s16], $0x8000  }
0x80: {  	s15 =	sshrl.u32 @!p0 s15, $0x3;
	s25 =	simm.s32 $0x2;
	[sflag:s16] =	ssyncset.done $0x0  }
0x81: {  	s20 =	sadd.s32 @!p0 s7, s15;
	s21 =	simm.s32 @!p0 $0x0;
	[sflag:s16] =	ssyncadd.s32 $0xFFFF8000  }
0x82: {  	[tilespmem:s21], [sflag:$0x3] =	stream.linear.gather @!p0 [hbm4b:s20+s21], $0x200, $0x38;
	[tilespmem:$0x19200] =	vst v63  }
0x83: {  	s24 =	simm.s32 @!p0 $0x200;
	v35 =	vmov s25;
	s25 =	simm.s32 $0x5;
	s20 =	sadd.s32 @!p0 s8, s15  }
0x84: {  	[tilespmem:s24], [sflag:$0x3] =	stream.linear.gather @!p0 [hbm4b:s20+s21], $0x200, $0x38;
	[tilespmem:$0x19200] =	vst v63  }
0x85: {  	s3 =	simm.s32 $0x4;
	v38 =	vmov s25;
	s25 =	simm.s32 $0x7;
	s24 =	simm.s32 $0x1  }
0x86: {  	v37 =	vmov s3;
	s3 =	simm.s32 $0x8;
	v40 =	vmov s25;
	s25 =	simm.s32 $0xB;
	v34 =	vmov s24;
	s24 =	simm.s32 $0x6  }
0x87: {  	v41 =	vmov s3;
	s3 =	sadd.s32 @!p0 s9, s15;
	v44 =	vmov s25;
	s25 =	simm.s32 @!p0 $0x400;
	v39 =	vmov s24;
	s24 =	simm.s32 $0xA  }
0x88: {  	v33 =	vmov s28;
	[tilespmem:s25], [sflag:$0x3] =	stream.linear.gather @!p0 [hbm4b:s3+s21], $0x200, $0x38;
	[tilespmem:$0x19200] =	vst v63  }
0x89: {  	v33 =	vshrl.u32 v33, $0x3;
	v43 =	vmov s24;
	s24 =	simm.s32 $0xD  }
0x8a: {  	v33 =	vshll.u32 v33, v1;
	s3 =	sadd.s32 @!p0 s10, s15;
	s15 =	simm.s32 @!p0 $0x600;
	v49 =	vmov s24;
	s24 =	simm.s32 $0xF  }
0x8b: {  	v33 =	vbroadcast v33, $0x0;
	[tilespmem:s15], [sflag:$0x3] =	stream.linear.gather @!p0 [hbm4b:s3+s21], $0x200, $0x38;
	v45 =	vmov s24;
	[tilespmem:$0x19200] =	vst v63  }
0x8c: {  	_ =	swait.ge [sflag:s17], $0x8000;
	v45 =	vshrl.u32 v45, $0x3  }
0x8d: {  	v5 =	vadd.s32 v62, v33;
	v34 =	vshrl.u32 v34, $0x3;
	[sflag:s17] =	ssyncset.done $0x0;
	v58 =	vshll.u32 v45, v1  }
0x8e: {  	v53 =	vshrl.u32 v41, $0x3;
	s20 =	simm.s32 $0x3;
	v34 =	vshll.u32 v34, v1;
	s24 =	simm.s32 $0x70F0;
	[sflag:s17] =	ssyncadd.s32 $0xFFFF8000;
	v55 =	vbroadcast v58, $0x0  }
0x8f: {  	v35 =	vshrl.u32 v35, $0x3;
	v36 =	vmov s20;
	v47 =	vbroadcast v34, $0x0;
	v4 =	vld [tilespmem:s24+$0xFFFF9F10]  }
0x90: {  	v60 =	vshll.u32 v35, v1;
	v36 =	vshrl.u32 v36, $0x3;
	v35 =	vld [tilespmem:s24+$0xFFFFA000];
	v41 =	vadd.s32 v29, v55  }
0x91: {  	v10 =	vshll.u32 v36, v1;
	v57 =	vadd.s32 v14, v47;
	v36 =	vld [tilespmem:s24+$0xFFFF9F20];
	_ =	sdelay $0x2  }
0x92: {  	v46 =	vbroadcast v60, $0x0;
	[tilespmem:v5+s18+$0x0] =	vst.idx.msk $0xffff, v4  }
0x93: {  	v52 =	vshrl.u32 v40, $0x3;
	v40 =	vld [tilespmem:s24+$0xFFFF9F30];
	[tilespmem:v41+s18+$0x0] =	vst.idx.msk $0xffff, v35  }
0x94: {  	v37 =	vshrl.u32 v37, $0x3;
	v58 =	vadd.s32 v18, v46;
	v3 =	vld [tilespmem:$0x1FF70];
	[tilespmem:v57+s18+$0x0] =	vst.idx.msk $0xffff, v36  }
0x95: {  	v11 =	vshll.u32 v37, v1;
	v45 =	vbroadcast v10, $0x0;
	v4 =	vld [tilespmem:$0x1FEF0]  }
0x96: {  	v8 =	vbroadcast v11, $0x0;
	v38 =	vshrl.u32 v38, $0x3;
	v34 =	vshrl.u32 v44, $0x3;
	v44 =	vld [tilespmem:s24+$0xFFFF9F40]  }
0x97: {  	v0 =	vmovc v59;
	v38 =	vshll.u32 v38, v1;
	v51 =	vshrl.u32 v39, $0x3;
	v60 =	vld [tilespmem:s24+$0xFFFF9F50];
	v59 =	vadd.s32 v59, v45  }
0x98: {  	v2 =	vmovc v61;
	v61 =	vadd.s32 v61, v8;
	v9 =	vbroadcast v38, $0x0;
	v7 =	vshll.u32 v51, v1;
	v51 =	vld [tilespmem:s24+$0xFFFFC000]  }
0x99: {  	v10 =	vshll.u32 v52, v1;
	v36 =	vld [tilespmem:s24+$0xFFFF9F60];
	[tilespmem:v58+s18+$0x0] =	vst.idx.msk $0xffff, v40;
	v52 =	vadd.s32 v3, v55  }
0x9a: {  	v5 =	vld [tilespmem:$0x1FF30];
	v57 =	vadd.s32 v4, v9;
	_ =	sdelay $0x1  }
0x9b: {  	[tilespmem:v59+s18+$0x0] =	vst.idx.msk $0xffff, v44  }
0x9c: {  	s20 =	simm.s32 $0x9;
	v7 =	vbroadcast v7, $0x0;
	[tilespmem:v61+s18+$0x0] =	vst.idx.msk $0xffff, v60  }
0x9d: {  	v11 =	vshll.u32 v53, v1;
	v42 =	vmov s20;
	[tilespmem:v52+s18+$0x0] =	vst.idx.msk $0xffff, v51  }
0x9e: {  	v54 =	vshrl.u32 v42, $0x3;
	v10 =	vbroadcast v10, $0x0;
	v37 =	vld [tilespmem:s24+$0xFFFF9F70];
	v53 =	vadd.s32 v5, v7;
	[tilespmem:v57+s18+$0x0] =	vst.idx.msk $0xffff, v36  }
0x9f: {  	v11 =	vbroadcast v11, $0x0;
	v56 =	vshrl.u32 v43, $0x3;
	v40 =	vshll.u32 v54, v1;
	v6 =	vld [tilespmem:$0x1FF80]  }
0xa0: {  	v38 =	vshll.u32 v56, v1;
	v42 =	vadd.s32 v29, v10;
	v41 =	vld [tilespmem:s24+$0xFFFF9F80];
	v21 =	vbroadcast v40, $0x0  }
0xa1: {  	s20 =	simm.s32 $0xC;
	v12 =	vbroadcast v38, $0x0;
	v43 =	vld [tilespmem:s24+$0xFFFF9F90];
	v44 =	vadd.s32 v62, v11  }
0xa2: {  	v48 =	vmov s20;
	v56 =	vld [tilespmem:s24+$0xFFFF9FA0];
	v61 =	vadd.s32 v14, v21  }
0xa3: {  	v48 =	vshrl.u32 v48, $0x3;
	v52 =	vld [tilespmem:s24+$0xFFFF9FB0];
	[tilespmem:v53+s18+$0x0] =	vst.idx.msk $0xffff, v37;
	v53 =	vadd.s32 v18, v12  }
0xa4: {  	v39 =	vshll.u32 v48, v1;
	v48 =	vld [tilespmem:s24+$0xFFFFE000];
	v51 =	vadd.s32 v6, v55  }
0xa5: {  	[tilespmem:v42+s18+$0x0] =	vst.idx.msk $0xffff, v41  }
0xa6: {  	[tilespmem:v44+s18+$0x0] =	vst.idx.msk $0xffff, v43  }
0xa7: {  	s20 =	simm.s32 $0xE;
	v34 =	vshll.u32 v34, v1;
	[tilespmem:v61+s18+$0x0] =	vst.idx.msk $0xffff, v56  }
0xa8: {  	v50 =	vmov s20;
	v49 =	vshrl.u32 v49, $0x3;
	v34 =	vbroadcast v34, $0x0;
	[tilespmem:v53+s18+$0x0] =	vst.idx.msk $0xffff, v52  }
0xa9: {  	v50 =	vshrl.u32 v50, $0x3;
	v35 =	vbroadcast v39, $0x0;
	v40 =	vshll.u32 v49, v1;
	v49 =	vld [tilespmem:s24+$0xFFFF9FC0];
	[tilespmem:v51+s18+$0x0] =	vst.idx.msk $0xffff, v48  }
0xaa: {  	v36 =	vbroadcast v40, $0x0;
	v41 =	vadd.s32 v0, v34;
	v42 =	vshll.u32 v50, v1;
	v0 =	vld [tilespmem:$0x1FF90]  }
0xab: {  	v43 =	vld [tilespmem:s24+$0xFFFF9FD0];
	v44 =	vadd.s32 v2, v35;
	v37 =	vbroadcast v42, $0x0  }
0xac: {  	v56 =	vld [tilespmem:s24+$0xFFFF9FE0];
	v32 =	vadd.s32 v4, v36  }
0xad: {  	v38 =	vld [tilespmem:s24+$0xFFFF9FF0];
	v4 =	vadd.s32 v5, v37  }
0xae: {  	v39 =	vld [tilespmem:s24+$0xFFFFBF20];
	v40 =	vadd.s32 v15, v47  }
0xaf: {  	v48 =	vld [tilespmem:s24+$0x0];
	[tilespmem:v41+s18+$0x0] =	vst.idx.msk $0xffff, v49;
	v5 =	vadd.s32 v0, v55  }
0xb0: {  	v2 =	vld [tilespmem:$0x1FE60];
	[tilespmem:v44+s18+$0x0] =	vst.idx.msk $0xffff, v43  }
0xb1: {  	v25 =	vld [tilespmem:$0x1FE90];
	[tilespmem:v32+s18+$0x0] =	vst.idx.msk $0xffff, v56  }
0xb2: {  	v32 =	vld [tilespmem:$0x1FEC0];
	[tilespmem:v4+s18+$0x0] =	vst.idx.msk $0xffff, v38  }
0xb3: {  	v30 =	vld [tilespmem:$0x1FF00];
	[tilespmem:v40+s18+$0x0] =	vst.idx.msk $0xffff, v39  }
0xb4: {  	[tilespmem:v5+s18+$0x0] =	vst.idx.msk $0xffff, v48  }
0xb5: {  	v4 =	vld [tilespmem:$0x1FF40]  }
0xb6: {  	v41 =	vld [tilespmem:s24+$0xFFFFBF30];
	v42 =	vadd.s32 v2, v46  }
0xb7: {  	v43 =	vld [tilespmem:s24+$0xFFFFBF40];
	v44 =	vadd.s32 v25, v45  }
0xb8: {  	v56 =	vld [tilespmem:s24+$0xFFFFBF50];
	v61 =	vadd.s32 v32, v8  }
0xb9: {  	v58 =	vld [tilespmem:s24+$0xFFFFBF60];
	v38 =	vadd.s32 v30, v9  }
0xba: {  	v39 =	vld [tilespmem:s24+$0xFFFFBF70];
	v40 =	vadd.s32 v4, v7  }
0xbb: {  	[tilespmem:v42+s18+$0x0] =	vst.idx.msk $0xffff, v41;
	v41 =	vld [tilespmem:s24+$0xFFFFBF80];
	v42 =	vadd.s32 v3, v10  }
0xbc: {  	[tilespmem:v44+s18+$0x0] =	vst.idx.msk $0xffff, v43;
	v43 =	vld [tilespmem:s24+$0xFFFFBF90];
	v44 =	vadd.s32 v63, v11  }
0xbd: {  	v60 =	vld [tilespmem:s24+$0xFFFFBFA0];
	[tilespmem:v61+s18+$0x0] =	vst.idx.msk $0xffff, v56;
	v61 =	vadd.s32 v15, v21  }
0xbe: {  	v5 =	vadd.s32 v2, v12;
	v56 =	vld [tilespmem:s24+$0xFFFFBFB0];
	[tilespmem:v38+s18+$0x0] =	vst.idx.msk $0xffff, v58  }
0xbf: {  	v38 =	vld [tilespmem:s24+$0xFFFFBFC0];
	[tilespmem:v40+s18+$0x0] =	vst.idx.msk $0xffff, v39;
	v39 =	vadd.s32 v25, v34  }
0xc0: {  	[tilespmem:v42+s18+$0x0] =	vst.idx.msk $0xffff, v41;
	v41 =	vadd.s32 v32, v35;
	v40 =	vld [tilespmem:s24+$0xFFFFBFD0]  }
0xc1: {  	v42 =	vld [tilespmem:s24+$0xFFFFBFE0];
	[tilespmem:v44+s18+$0x0] =	vst.idx.msk $0xffff, v43;
	v43 =	vadd.s32 v30, v36  }
0xc2: {  	v54 =	vld [tilespmem:s24+$0xFFFFBFF0];
	v44 =	vadd.s32 v4, v37;
	[tilespmem:v61+s18+$0x0] =	vst.idx.msk $0xffff, v60  }
0xc3: {  	v60 =	vld [tilespmem:s24+$0xFFFFBF10];
	v61 =	vadd.s32 v63, v33;
	[tilespmem:v5+s18+$0x0] =	vst.idx.msk $0xffff, v56  }
0xc4: {  	v4 =	vld [tilespmem:s24+$0xFFFFDF20];
	v5 =	vadd.s32 v17, v47;
	[tilespmem:v39+s18+$0x0] =	vst.idx.msk $0xffff, v38  }
0xc5: {  	v19 =	vld [tilespmem:$0x1FE70];
	[tilespmem:v41+s18+$0x0] =	vst.idx.msk $0xffff, v40  }
0xc6: {  	v22 =	vld [tilespmem:$0x1FEA0];
	[tilespmem:v43+s18+$0x0] =	vst.idx.msk $0xffff, v42  }
0xc7: {  	v24 =	vld [tilespmem:$0x1FED0];
	[tilespmem:v44+s18+$0x0] =	vst.idx.msk $0xffff, v54  }
0xc8: {  	[tilespmem:v61+s18+$0x0] =	vst.idx.msk $0xffff, v60  }
0xc9: {  	v27 =	vld [tilespmem:$0x1FF10];
	[tilespmem:v5+s18+$0x0] =	vst.idx.msk $0xffff, v4  }
0xca: {  	v29 =	vld [tilespmem:$0x1FF50]  }
0xcb: {  	v38 =	vld [tilespmem:s24+$0xFFFFDF30];
	v39 =	vadd.s32 v19, v46  }
0xcc: {  	v40 =	vld [tilespmem:s24+$0xFFFFDF40];
	v41 =	vadd.s32 v22, v45  }
0xcd: {  	v42 =	vld [tilespmem:s24+$0xFFFFDF50];
	v43 =	vadd.s32 v24, v8  }
0xce: {  	v44 =	vld [tilespmem:s24+$0xFFFFDF60];
	v60 =	vadd.s32 v27, v9  }
0xcf: {  	v61 =	vld [tilespmem:s24+$0xFFFFDF70];
	v4 =	vadd.s32 v29, v7  }
0xd0: {  	[tilespmem:v39+s18+$0x0] =	vst.idx.msk $0xffff, v38;
	v38 =	vld [tilespmem:s24+$0xFFFFDF80];
	v39 =	vadd.s32 v6, v10  }
0xd1: {  	[tilespmem:v41+s18+$0x0] =	vst.idx.msk $0xffff, v40;
	v40 =	vld [tilespmem:s24+$0xFFFFDF90];
	v41 =	vadd.s32 v13, v11  }
0xd2: {  	[tilespmem:v43+s18+$0x0] =	vst.idx.msk $0xffff, v42;
	v42 =	vld [tilespmem:s24+$0xFFFFDFA0];
	v43 =	vadd.s32 v17, v21  }
0xd3: {  	v5 =	vadd.s32 v19, v12;
	[tilespmem:v60+s18+$0x0] =	vst.idx.msk $0xffff, v44;
	v44 =	vld [tilespmem:s24+$0xFFFFDFB0]  }
0xd4: {  	v56 =	vld [tilespmem:s24+$0xFFFFDFC0];
	v6 =	vadd.s32 v22, v34;
	[tilespmem:v4+s18+$0x0] =	vst.idx.msk $0xffff, v61  }
0xd5: {  	v48 =	vld [tilespmem:s24+$0xFFFFDFD0];
	v51 =	vadd.s32 v24, v35;
	[tilespmem:v39+s18+$0x0] =	vst.idx.msk $0xffff, v38  }
0xd6: {  	v49 =	vld [tilespmem:s24+$0xFFFFDFE0];
	[tilespmem:v41+s18+$0x0] =	vst.idx.msk $0xffff, v40  }
0xd7: {  	v50 =	vld [tilespmem:s24+$0xFFFFDFF0];
	[tilespmem:v43+s18+$0x0] =	vst.idx.msk $0xffff, v42  }
0xd8: {  	v60 =	vld [tilespmem:s24+$0xFFFFDF10];
	[tilespmem:v5+s18+$0x0] =	vst.idx.msk $0xffff, v44  }
0xd9: {  	v58 =	vadd.s32 v27, v36;
	v16 =	vld [tilespmem:$0x1FE50];
	[tilespmem:v6+s18+$0x0] =	vst.idx.msk $0xffff, v56  }
0xda: {  	v41 =	vadd.s32 v29, v37;
	v20 =	vld [tilespmem:$0x1FE80];
	[tilespmem:v51+s18+$0x0] =	vst.idx.msk $0xffff, v48  }
0xdb: {  	v39 =	vadd.s32 v13, v33;
	v23 =	vld [tilespmem:$0x1FEB0];
	_ =	sdelay $0x1  }
0xdc: {  	v54 =	vld [tilespmem:s24+$0xFFFFFF20]  }
0xdd: {  	v56 =	vld [tilespmem:s24+$0xFFFFFF30];
	[tilespmem:v58+s18+$0x0] =	vst.idx.msk $0xffff, v49;
	v47 =	vadd.s32 v16, v47  }
0xde: {  	v26 =	vld [tilespmem:$0x1FEE0];
	[tilespmem:v41+s18+$0x0] =	vst.idx.msk $0xffff, v50;
	v42 =	vadd.s32 v20, v46  }
0xdf: {  	v59 =	vld [tilespmem:s24+$0xFFFFFF40];
	[tilespmem:v39+s18+$0x0] =	vst.idx.msk $0xffff, v60;
	v40 =	vadd.s32 v23, v45  }
0xe0: {  	s25 =	simm.s32 $0x13;
	s20 =	simm.s32 $0x11;
	s21 =	simm.s32 $0x12;
	v28 =	vld [tilespmem:$0x1FF20]  }
0xe1: {  	s15 =	simm.s32 $0x10;
	v18 =	vmovc v62;
	v62 =	vmov s20;
	v55 =	vmov s21;
	v3 =	vmov s25;
	s25 =	simm.s32 $0x17  }
0xe2: {  	s20 =	simm.s32 $0x15;
	v55 =	vshrl.u32 v55, $0x3;
	v52 =	vmov s25;
	v4 =	vmov s15;
	s15 =	simm.s32 $0x14;
	v5 =	vld [tilespmem:s24+$0xFFFFFF50];
	[tilespmem:v47+s18+$0x0] =	vst.idx.msk $0xffff, v54  }
0xe3: {  	s21 =	simm.s32 $0x16;
	v61 =	vshrl.u32 v4, $0x3;
	v4 =	vmov s20;
	v44 =	vmov s15;
	s15 =	simm.s32 $0x18;
	v31 =	vld [tilespmem:$0x1FF60];
	[tilespmem:v42+s18+$0x0] =	vst.idx.msk $0xffff, v56  }
0xe4: {  	s25 =	simm.s32 $0x1B;
	v43 =	vmov s21;
	v53 =	vmov s15;
	v6 =	vadd.s32 v26, v8;
	v8 =	vld [tilespmem:s24+$0xFFFFFF60];
	[tilespmem:v40+s18+$0x0] =	vst.idx.msk $0xffff, v59  }
0xe5: {  	v2 =	vmovc v12;
	v38 =	vshrl.u32 v44, $0x3;
	v50 =	vmov s25;
	s25 =	simm.s32 $0x1E;
	v9 =	vadd.s32 v28, v9;
	v12 =	vld [tilespmem:$0x1FE40]  }
0xe6: {  	s20 =	simm.s32 $0x19;
	v57 =	vld [tilespmem:s24+$0xFFFFFF70];
	s21 =	simm.s32 $0x1A;
	v41 =	vshrl.u32 v4, $0x3;
	v39 =	vshrl.u32 v43, $0x3;
	v49 =	vmov s25  }
0xe7: {  	v14 =	vmovc v63;
	v58 =	vld [tilespmem:s24+$0xFFFFFF80];
	v63 =	vadd.s32 v16, v21;
	v46 =	vmov s21;
	s21 =	simm.s32 $0x1D;
	v45 =	vmov s20;
	s20 =	simm.s32 $0x1C  }
0xe8: {  	v43 =	vld [tilespmem:s24+$0xFFFFFFB0];
	v44 =	vadd.s32 v20, v2;
	v48 =	vmov s21;
	v51 =	vmov s20  }
0xe9: {  	v54 =	vshll.u32 v61, v1;
	v61 =	vadd.s32 v0, v10;
	v56 =	vshrl.u32 v62, $0x3;
	v42 =	vld [tilespmem:s24+$0xFFFFFFA0];
	[tilespmem:v6+s18+$0x0] =	vst.idx.msk $0xffff, v5  }
0xea: {  	s15 =	simm.s32 $0x20;
	s20 =	simm.s32 $0x1F;
	v59 =	vld [tilespmem:s24+$0xFFFFFF90];
	v40 =	vshrl.u32 v3, $0x3;
	[tilespmem:v9+s18+$0x0] =	vst.idx.msk $0xffff, v8;
	v60 =	vadd.s32 v31, v7;
	v62 =	vadd.s32 v12, v11  }
.LBB2_5:
0xeb: {  	v10 =	vld [tilespmem:s24+$0xFFFFFFC0]  }
0xec: {  	v11 =	vld [tilespmem:s24+$0xFFFFFFD0]  }
0xed: {  	v5 =	vld [tilespmem:s24+$0xFFFFFFE0]  }
0xee: {  	v6 =	vshll.u32 v56, v1;
	v56 =	vld [tilespmem:s24+$0xFFFFFF10]  }
0xef: {  	v0 =	vld [tilespmem:$0x1FFA0]  }
0xf0: {  	v2 =	vld [tilespmem:$0x1FFB0]  }
0xf1: {  	v9 =	vmov s20;
	v3 =	vld [tilespmem:$0x1FFC0]  }
0xf2: {  	v47 =	vshrl.u32 v52, $0x3;
	v21 =	vld [tilespmem:$0x1FF90];
	v52 =	vshrl.u32 v9, $0x3  }
0xf3: {  	v34 =	vadd.s32 v23, v34;
	v4 =	vshll.u32 v52, v1;
	[tilespmem:v63+s18+$0x0] =	vst.idx.msk $0xffff, v42;
	v42 =	vld [tilespmem:s24+$0xFFFFFFF0]  }
0xf4: {  	[tilespmem:v61+s18+$0x0] =	vst.idx.msk $0xffff, v58;
	v61 =	vbroadcast v4, $0x0;
	v4 =	vld [tilespmem:$0x1FFD0]  }
0xf5: {  	v7 =	vshll.u32 v55, v1;
	[tilespmem:v60+s18+$0x0] =	vst.idx.msk $0xffff, v57;
	v60 =	vshrl.u32 v45, $0x3;
	v45 =	vbroadcast v6, $0x0;
	v6 =	vld [tilespmem:$0x1FF70]  }
0xf6: {  	v36 =	vadd.s32 v28, v36;
	[tilespmem:v62+s18+$0x0] =	vst.idx.msk $0xffff, v59;
	v59 =	vshrl.u32 v46, $0x3;
	s24 =	sadd.s32 $0x100, s24;
	v46 =	vbroadcast v7, $0x0;
	v7 =	vld [tilespmem:$0x1FEF0]  }
0xf7: {  	v35 =	vadd.s32 v26, v35;
	[tilespmem:v44+s18+$0x0] =	vst.idx.msk $0xffff, v43;
	v44 =	vld [tilespmem:s24+$0xFFFFA000]  }
0xf8: {  	v37 =	vadd.s32 v31, v37;
	[tilespmem:v34+s18+$0x0] =	vst.idx.msk $0xffff, v10;
	v34 =	vld [tilespmem:s24+$0xFFFF9F10]  }
0xf9: {  	v62 =	vadd.s32 v12, v33;
	v33 =	vbroadcast v54, $0x0;
	v63 =	vld [tilespmem:s24+$0xFFFF9F20]  }
0xfa: {  	v10 =	vld [tilespmem:s24+$0xFFFF9F30];
	v54 =	vadd.s32 v0, v61  }
0xfb: {  	[tilespmem:v36+s18+$0x0] =	vst.idx.msk $0xffff, v5;
	v5 =	vld [tilespmem:$0x1FFE0];
	v8 =	vadd.s32 v18, v33  }
0xfc: {  	v40 =	vshll.u32 v40, v1;
	[tilespmem:v35+s18+$0x0] =	vst.idx.msk $0xffff, v11;
	v35 =	vld [tilespmem:s24+$0xFFFF9F60];
	v11 =	vadd.s32 v3, v46  }
0xfd: {  	v41 =	vshll.u32 v41, v1;
	v40 =	vbroadcast v40, $0x0;
	v36 =	vld [tilespmem:s24+$0xFFFF9F70];
	[tilespmem:v37+s18+$0x0] =	vst.idx.msk $0xffff, v42  }
0xfe: {  	v38 =	vshll.u32 v38, v1;
	v41 =	vbroadcast v41, $0x0;
	v9 =	vadd.s32 v2, v45;
	v37 =	vld [tilespmem:s24+$0xFFFF9F40];
	[tilespmem:v62+s18+$0x0] =	vst.idx.msk $0xffff, v56  }
0xff: {  	v53 =	vshrl.u32 v53, $0x3;
	v38 =	vbroadcast v38, $0x0;
	v57 =	vadd.s32 v4, v40;
	v56 =	vld [tilespmem:s24+$0xFFFF9F50];
	[tilespmem:v54+s18+$0x0] =	vst.idx.msk $0xffff, v44  }
0x100: {  	v50 =	vshrl.u32 v50, $0x3;
	v62 =	vadd.s32 v7, v41;
	[tilespmem:v8+s18+$0x0] =	vst.idx.msk $0xffff, v34;
	v44 =	vshll.u32 v47, v1;
	v8 =	vld [tilespmem:$0x1FF30]  }
0x101: {  	v51 =	vshrl.u32 v51, $0x3;
	v58 =	vadd.s32 v5, v38;
	[tilespmem:v11+s18+$0x0] =	vst.idx.msk $0xffff, v10;
	v10 =	vld [tilespmem:s24+$0xFFFF9FA0];
	v42 =	vbroadcast v44, $0x0  }
0x102: {  	v39 =	vshll.u32 v39, v1;
	v60 =	vshll.u32 v60, v1;
	v55 =	vadd.s32 v6, v61;
	v54 =	vld [tilespmem:s24+$0xFFFFC000]  }
0x103: {  	v48 =	vshrl.u32 v48, $0x3;
	[tilespmem:v9+s18+$0x0] =	vst.idx.msk $0xffff, v63;
	v44 =	vbroadcast v60, $0x0;
	v63 =	vadd.s32 v0, v42;
	v0 =	vld [tilespmem:$0x1FF80]  }
0x104: {  	v39 =	vbroadcast v39, $0x0;
	v47 =	vshll.u32 v53, v1;
	v60 =	vshll.u32 v51, v1;
	[tilespmem:v57+s18+$0x0] =	vst.idx.msk $0xffff, v37;
	v37 =	vld [tilespmem:s24+$0xFFFF9F80]  }
0x105: {  	v43 =	vbroadcast v47, $0x0;
	v11 =	vadd.s32 v2, v44;
	[tilespmem:v62+s18+$0x0] =	vst.idx.msk $0xffff, v35;
	v62 =	vshll.u32 v48, v1;
	v48 =	vld [tilespmem:s24+$0xFFFF9FC0]  }
0x106: {  	v50 =	vshll.u32 v50, v1;
	v35 =	vbroadcast v60, $0x0;
	v60 =	vld [tilespmem:s24+$0xFFFF9FF0];
	[tilespmem:v58+s18+$0x0] =	vst.idx.msk $0xffff, v56;
	v52 =	vadd.s32 v8, v39  }
0x107: {  	v34 =	vbroadcast v50, $0x0;
	v57 =	vadd.s32 v18, v43;
	v56 =	vld [tilespmem:s24+$0xFFFF9F90];
	[tilespmem:v55+s18+$0x0] =	vst.idx.msk $0xffff, v54  }
0x108: {  	v9 =	vshll.u32 v59, v1;
	v50 =	vld [tilespmem:s24+$0xFFFFE000];
	v51 =	vadd.s32 v0, v61  }
0x109: {  	v49 =	vshrl.u32 v49, $0x3;
	v47 =	vbroadcast v9, $0x0;
	v2 =	vld [tilespmem:$0x1FE60];
	[tilespmem:v63+s18+$0x0] =	vst.idx.msk $0xffff, v37;
	v63 =	vadd.s32 v4, v34  }
0x10a: {  	v9 =	vadd.s32 v5, v35;
	v4 =	vshll.u32 v49, v1;
	v49 =	vld [tilespmem:s24+$0xFFFF9FD0];
	[tilespmem:v11+s18+$0x0] =	vst.idx.msk $0xffff, v10  }
0x10b: {  	v54 =	vadd.s32 v3, v47;
	v37 =	vbroadcast v4, $0x0;
	[tilespmem:v52+s18+$0x0] =	vst.idx.msk $0xffff, v36;
	v52 =	vld [tilespmem:s24+$0xFFFF9FB0]  }
0x10c: {  	v5 =	vadd.s32 v21, v61;
	v61 =	vld [tilespmem:s24+$0xFFFFBF20];
	[tilespmem:v57+s18+$0x0] =	vst.idx.msk $0xffff, v56;
	v36 =	vbroadcast v62, $0x0;
	v62 =	vadd.s32 v15, v45  }
0x10d: {  	v3 =	vld [tilespmem:$0x1FF40];
	v4 =	vadd.s32 v8, v37;
	[tilespmem:v51+s18+$0x0] =	vst.idx.msk $0xffff, v50  }
0x10e: {  	v10 =	vld [tilespmem:s24+$0xFFFF9FE0];
	v11 =	vadd.s32 v7, v36;
	[tilespmem:v63+s18+$0x0] =	vst.idx.msk $0xffff, v48  }
0x10f: {  	v8 =	vadd.s32 v25, v40;
	v7 =	vld [tilespmem:s24+$0xFFFFBF40];
	[tilespmem:v9+s18+$0x0] =	vst.idx.msk $0xffff, v49  }
0x110: {  	v48 =	vld [tilespmem:s24+$0xFFFFBF30];
	v63 =	vadd.s32 v2, v46;
	[tilespmem:v54+s18+$0x0] =	vst.idx.msk $0xffff, v52  }
0x111: {  	v50 =	vld [tilespmem:s24+$0x0];
	[tilespmem:v62+s18+$0x0] =	vst.idx.msk $0xffff, v61  }
0x112: {  	v61 =	vld [tilespmem:s24+$0xFFFFBF70];
	v62 =	vadd.s32 v3, v39;
	[tilespmem:v4+s18+$0x0] =	vst.idx.msk $0xffff, v60  }
0x113: {  	v9 =	vld [tilespmem:s24+$0xFFFFBF50];
	[tilespmem:v11+s18+$0x0] =	vst.idx.msk $0xffff, v10;
	v10 =	vadd.s32 v32, v38  }
0x114: {  	v60 =	vadd.s32 v30, v41;
	v11 =	vld [tilespmem:s24+$0xFFFFBF60];
	[tilespmem:v8+s18+$0x0] =	vst.idx.msk $0xffff, v7  }
0x115: {  	v7 =	vld [tilespmem:s24+$0xFFFFBFA0];
	v8 =	vadd.s32 v15, v44;
	[tilespmem:v63+s18+$0x0] =	vst.idx.msk $0xffff, v48  }
0x116: {  	v4 =	vadd.s32 v6, v42;
	v63 =	vld [tilespmem:s24+$0xFFFFBF80];
	[tilespmem:v5+s18+$0x0] =	vst.idx.msk $0xffff, v50  }
0x117: {  	v6 =	vadd.s32 v14, v43;
	v5 =	vld [tilespmem:s24+$0xFFFFBF90];
	[tilespmem:v62+s18+$0x0] =	vst.idx.msk $0xffff, v61  }
0x118: {  	v61 =	vld [tilespmem:s24+$0xFFFFBFD0];
	v62 =	vadd.s32 v32, v35;
	[tilespmem:v10+s18+$0x0] =	vst.idx.msk $0xffff, v9  }
0x119: {  	[tilespmem:v60+s18+$0x0] =	vst.idx.msk $0xffff, v11;
	v9 =	vld [tilespmem:s24+$0xFFFFBFB0];
	v10 =	vadd.s32 v2, v47  }
0x11a: {  	v11 =	vld [tilespmem:s24+$0xFFFFBFC0];
	v60 =	vadd.s32 v25, v34;
	[tilespmem:v8+s18+$0x0] =	vst.idx.msk $0xffff, v7  }
0x11b: {  	v7 =	vld [tilespmem:s24+$0xFFFFBF10];
	v8 =	vadd.s32 v14, v33;
	[tilespmem:v4+s18+$0x0] =	vst.idx.msk $0xffff, v63  }
0x11c: {  	v63 =	vld [tilespmem:s24+$0xFFFFBFE0];
	v4 =	vadd.s32 v30, v36;
	[tilespmem:v6+s18+$0x0] =	vst.idx.msk $0xffff, v5  }
0x11d: {  	v5 =	vld [tilespmem:s24+$0xFFFFBFF0];
	v6 =	vadd.s32 v3, v37;
	[tilespmem:v62+s18+$0x0] =	vst.idx.msk $0xffff, v61  }
0x11e: {  	v61 =	vld [tilespmem:s24+$0xFFFFDF40];
	v62 =	vadd.s32 v22, v40;
	[tilespmem:v10+s18+$0x0] =	vst.idx.msk $0xffff, v9  }
0x11f: {  	v9 =	vld [tilespmem:s24+$0xFFFFDF20];
	v10 =	vadd.s32 v17, v45;
	[tilespmem:v60+s18+$0x0] =	vst.idx.msk $0xffff, v11  }
0x120: {  	v11 =	vld [tilespmem:s24+$0xFFFFDF30];
	v60 =	vadd.s32 v19, v46;
	[tilespmem:v8+s18+$0x0] =	vst.idx.msk $0xffff, v7  }
0x121: {  	v7 =	vld [tilespmem:s24+$0xFFFFDF70];
	v8 =	vadd.s32 v29, v39;
	[tilespmem:v4+s18+$0x0] =	vst.idx.msk $0xffff, v63  }
0x122: {  	v63 =	vld [tilespmem:s24+$0xFFFFDF50];
	v4 =	vadd.s32 v24, v38;
	[tilespmem:v6+s18+$0x0] =	vst.idx.msk $0xffff, v5  }
0x123: {  	v5 =	vld [tilespmem:s24+$0xFFFFDF60];
	v6 =	vadd.s32 v27, v41;
	[tilespmem:v62+s18+$0x0] =	vst.idx.msk $0xffff, v61  }
0x124: {  	v61 =	vld [tilespmem:s24+$0xFFFFDFA0];
	v62 =	vadd.s32 v17, v44;
	[tilespmem:v10+s18+$0x0] =	vst.idx.msk $0xffff, v9  }
0x125: {  	v59 =	vadd.s32 v29, v37;
	v49 =	vld [tilespmem:s24+$0xFFFFDFF0];
	[tilespmem:v60+s18+$0x0] =	vst.idx.msk $0xffff, v11  }
0x126: {  	v9 =	vld [tilespmem:s24+$0xFFFFDF80];
	v10 =	vadd.s32 v0, v42;
	[tilespmem:v8+s18+$0x0] =	vst.idx.msk $0xffff, v7  }
0x127: {  	v11 =	vld [tilespmem:s24+$0xFFFFDF90];
	v60 =	vadd.s32 v13, v43;
	[tilespmem:v4+s18+$0x0] =	vst.idx.msk $0xffff, v63  }
0x128: {  	v2 =	vadd.s32 v16, v45;
	v54 =	vld [tilespmem:s24+$0xFFFFFF20];
	[tilespmem:v6+s18+$0x0] =	vst.idx.msk $0xffff, v5  }
0x129: {  	v4 =	vld [tilespmem:s24+$0xFFFFDFB0];
	v5 =	vadd.s32 v19, v47;
	[tilespmem:v62+s18+$0x0] =	vst.idx.msk $0xffff, v61  }
0x12a: {  	s21 =	sadd.s32 $0x2, s15;
	v7 =	vadd.s32 v22, v34;
	v6 =	vld [tilespmem:s24+$0xFFFFDFC0];
	[tilespmem:v59+s18+$0x0] =	vst.idx.msk $0xffff, v49  }
0x12b: {  	v55 =	vmov s21;
	v8 =	vld [tilespmem:s24+$0xFFFFDFD0];
	[tilespmem:v10+s18+$0x0] =	vst.idx.msk $0xffff, v9;
	v9 =	vadd.s32 v24, v35  }
0x12c: {  	s20 =	sadd.s32 $0xC, s15;
	v55 =	vshrl.u32 v55, $0x3;
	v63 =	vmov s15;
	[tilespmem:v60+s18+$0x0] =	vst.idx.msk $0xffff, v11;
	v10 =	vld [tilespmem:s24+$0xFFFFDFE0];
	v11 =	vadd.s32 v27, v36  }
0x12d: {  	s21 =	sadd.s32 $0x4, s15;
	v51 =	vmov s20;
	v61 =	vshrl.u32 v63, $0x3;
	v63 =	vadd.s32 v13, v33;
	v60 =	vld [tilespmem:s24+$0xFFFFDF10];
	[tilespmem:v2+s18+$0x0] =	vst.idx.msk $0xffff, v54  }
0x12e: {  	s3 =	sadd.s32 $0x1, s15;
	s25 =	sadd.s32 $0x3, s15;
	v3 =	vmov s21;
	v40 =	vadd.s32 v23, v40;
	v56 =	vld [tilespmem:s24+$0xFFFFFF30];
	[tilespmem:v5+s18+$0x0] =	vst.idx.msk $0xffff, v4;
	v5 =	vadd.s32 v20, v46  }
0x12f: {  	s21 =	sadd.s32 $0x6, s15;
	v0 =	vmov s25;
	s25 =	sadd.s32 $0x5, s15;
	v62 =	vmov s3;
	v54 =	vshll.u32 v61, v1;
	[tilespmem:v7+s18+$0x0] =	vst.idx.msk $0xffff, v6;
	v7 =	vld [tilespmem:s24+$0xFFFFFF40]  }
0x130: {  	v4 =	vmov s25;
	s25 =	sadd.s32 $0x7, s15;
	v6 =	vmov s21;
	s21 =	sadd.s32 $0x8, s15;
	[tilespmem:v9+s18+$0x0] =	vst.idx.msk $0xffff, v8;
	v8 =	vld [tilespmem:s24+$0xFFFFFF50];
	v9 =	vadd.s32 v26, v38  }
0x131: {  	p0 =	slt.u32 s15, $0x1F0;
	v52 =	vmov s25;
	s25 =	sadd.s32 $0x9, s15;
	v53 =	vmov s21;
	s21 =	sadd.s32 $0xA, s15;
	[tilespmem:v11+s18+$0x0] =	vst.idx.msk $0xffff, v10;
	v10 =	vld [tilespmem:s24+$0xFFFFFF60];
	v11 =	vadd.s32 v28, v41  }
.Ltmp1:
0x132: {  	v57 =	vld [tilespmem:s24+$0xFFFFFF70];
	v61 =	vadd.s32 v21, v42;
	v45 =	vmov s25;
	s25 =	sadd.s32 $0xB, s15;
	v46 =	vmov s21;
	s21 =	sadd.s32 $0xD, s15;
	[tilespmem:v63+s18+$0x0] =	vst.idx.msk $0xffff, v60;
	(pc) =	sbr.rel @p0 .LBB2_5-.Ltmp1, $4  }
0x133: {  	v58 =	vld [tilespmem:s24+$0xFFFFFF80];
	v50 =	vmov s25;
	v48 =	vmov s21;
	v60 =	vadd.s32 v31, v39;
	[tilespmem:v5+s18+$0x0] =	vst.idx.msk $0xffff, v56  }
0x134: {  	v59 =	vld [tilespmem:s24+$0xFFFFFF90];
	s25 =	sadd.s32 $0xE, s15;
	v38 =	vshrl.u32 v3, $0x3;
	v63 =	vadd.s32 v16, v44;
	v41 =	vshrl.u32 v4, $0x3;
	[tilespmem:v40+s18+$0x0] =	vst.idx.msk $0xffff, v7  }
0x135: {  	v42 =	vld [tilespmem:s24+$0xFFFFFFA0];
	v39 =	vshrl.u32 v6, $0x3;
	v44 =	vadd.s32 v20, v47;
	v49 =	vmov s25;
	[tilespmem:v9+s18+$0x0] =	vst.idx.msk $0xffff, v8  }
0x136: {  	s20 =	sadd.s32 $0xF, s15;
	s15 =	sadd.s32 $0x10, s15;
	v56 =	vshrl.u32 v62, $0x3;
	v62 =	vadd.s32 v12, v43;
	v40 =	vshrl.u32 v0, $0x3;
	v43 =	vld [tilespmem:s24+$0xFFFFFFB0];
	[tilespmem:v11+s18+$0x0] =	vst.idx.msk $0xffff, v10  }
0x137: {  	_ =	sdelay $0x3  }
0x138: {  	[tilespmem:v60+s18+$0x0] =	vst.idx.msk $0xffff, v57;
	v3 =	vld [tilespmem:s24+$0xFFFFFFC0];
	v4 =	vadd.s32 v23, v34  }
0x139: {  	v6 =	vld [tilespmem:s24+$0xFFFFFFD0];
	v7 =	vadd.s32 v26, v35;
	[tilespmem:v61+s18+$0x0] =	vst.idx.msk $0xffff, v58  }
0x13a: {  	[tilespmem:v62+s18+$0x0] =	vst.idx.msk $0xffff, v59  }
0x13b: {  	[tilespmem:v63+s18+$0x0] =	vst.idx.msk $0xffff, v42  }
0x13c: {  	v9 =	vld [tilespmem:s24+$0xFFFFFFE0];
	[tilespmem:v44+s18+$0x0] =	vst.idx.msk $0xffff, v43  }
0x13d: {  	v34 =	vbroadcast v54, $0x0;
	v54 =	vld [tilespmem:$0x1FFA0];
	[tilespmem:v4+s18+$0x0] =	vst.idx.msk $0xffff, v3  }
0x13e: {  	v2 =	vmov s20;
	v10 =	vadd.s32 v28, v36;
	v61 =	vld [tilespmem:s24+$0xFFFFFF10];
	[tilespmem:v7+s18+$0x0] =	vst.idx.msk $0xffff, v6  }
0x13f: {  	v2 =	vshrl.u32 v2, $0x3;
	v62 =	vshll.u32 v55, v1;
	v55 =	vld [tilespmem:$0x1FFB0]  }
0x140: {  	v8 =	vshrl.u32 v45, $0x3;
	v45 =	vadd.s32 v31, v37;
	s15 =	sadd.s32 $0x100, s24;
	v2 =	vshll.u32 v2, v1;
	v42 =	vld [tilespmem:s24+$0xFFFFFFF0]  }
0x141: {  	v60 =	vshll.u32 v56, v1;
	v47 =	vadd.s32 v12, v33;
	v2 =	vbroadcast v2, $0x0;
	v43 =	vld [tilespmem:s15+$0xFFFFA000]  }
0x142: {  	v33 =	vbroadcast v60, $0x0;
	v3 =	vld [tilespmem:s15+$0xFFFF9F10];
	v4 =	vadd.s32 v18, v34  }
0x143: {  	v6 =	vld [tilespmem:s15+$0xFFFF9F20];
	[tilespmem:v10+s18+$0x0] =	vst.idx.msk $0xffff, v9;
	v44 =	vadd.s32 v54, v2  }
0x144: {  	v56 =	vld [tilespmem:$0x1FFC0];
	v7 =	vadd.s32 v55, v33  }
0x145: {  	[tilespmem:v45+s18+$0x0] =	vst.idx.msk $0xffff, v42  }
0x146: {  	v59 =	vld [tilespmem:$0x1FFD0];
	[tilespmem:v47+s18+$0x0] =	vst.idx.msk $0xffff, v61  }
0x147: {  	v35 =	vbroadcast v62, $0x0;
	v61 =	vld [tilespmem:$0x1FFE0];
	[tilespmem:v4+s18+$0x0] =	vst.idx.msk $0xffff, v3  }
0x148: {  	v9 =	vld [tilespmem:s15+$0xFFFF9F30];
	[tilespmem:v44+s18+$0x0] =	vst.idx.msk $0xffff, v43  }
0x149: {  	v63 =	vshll.u32 v40, v1;
	v10 =	vadd.s32 v56, v35;
	v57 =	vld [tilespmem:$0x1FF70];
	[tilespmem:v7+s18+$0x0] =	vst.idx.msk $0xffff, v6  }
0x14a: {  	v40 =	vshll.u32 v38, v1;
	v36 =	vbroadcast v63, $0x0;
	v58 =	vld [tilespmem:$0x1FEF0]  }
0x14b: {  	v0 =	vshrl.u32 v52, $0x3;
	v52 =	vld [tilespmem:s15+$0xFFFF9F50];
	v37 =	vbroadcast v40, $0x0  }
0x14c: {  	v41 =	vshll.u32 v41, v1;
	v42 =	vld [tilespmem:s15+$0xFFFF9F40];
	v45 =	vadd.s32 v59, v36  }
0x14d: {  	v5 =	vshrl.u32 v53, $0x3;
	v38 =	vbroadcast v41, $0x0;
	v53 =	vadd.s32 v61, v37;
	v3 =	vld [tilespmem:s15+$0xFFFFC000]  }
0x14e: {  	v6 =	vld [tilespmem:s15+$0xFFFF9F60];
	[tilespmem:v10+s18+$0x0] =	vst.idx.msk $0xffff, v9;
	v4 =	vadd.s32 v57, v2  }
0x14f: {  	v60 =	vld [tilespmem:$0x1FF30];
	v7 =	vadd.s32 v58, v38;
	_ =	sdelay $0x1  }
0x150: {  	v39 =	vshll.u32 v39, v1;
	[tilespmem:v45+s18+$0x0] =	vst.idx.msk $0xffff, v42  }
0x151: {  	v50 =	vshrl.u32 v50, $0x3;
	v39 =	vbroadcast v39, $0x0;
	[tilespmem:v53+s18+$0x0] =	vst.idx.msk $0xffff, v52  }
0x152: {  	v11 =	vshrl.u32 v46, $0x3;
	v0 =	vshll.u32 v0, v1;
	v50 =	vshll.u32 v50, v1;
	[tilespmem:v4+s18+$0x0] =	vst.idx.msk $0xffff, v3  }
0x153: {  	v40 =	vbroadcast v0, $0x0;
	v0 =	vshll.u32 v5, v1;
	v5 =	vld [tilespmem:s15+$0xFFFF9F70];
	v62 =	vadd.s32 v60, v39;
	[tilespmem:v7+s18+$0x0] =	vst.idx.msk $0xffff, v6  }
0x154: {  	v41 =	vbroadcast v0, $0x0;
	v0 =	vshll.u32 v8, v1;
	v44 =	vbroadcast v50, $0x0;
	v50 =	vld [tilespmem:$0x1FF80]  }
0x155: {  	v11 =	vshll.u32 v11, v1;
	v8 =	vld [tilespmem:s15+$0xFFFF9F80];
	v63 =	vadd.s32 v54, v40;
	v42 =	vbroadcast v0, $0x0  }
0x156: {  	v47 =	vld [tilespmem:s15+$0xFFFF9F90];
	v43 =	vbroadcast v11, $0x0;
	v0 =	vshrl.u32 v48, $0x3;
	v48 =	vadd.s32 v18, v41  }
0x157: {  	v52 =	vld [tilespmem:s15+$0xFFFF9FA0];
	v53 =	vadd.s32 v55, v42  }
0x158: {  	[tilespmem:v62+s18+$0x0] =	vst.idx.msk $0xffff, v5;
	v5 =	vld [tilespmem:s15+$0xFFFF9FB0];
	v62 =	vadd.s32 v56, v43  }
0x159: {  	v4 =	vld [tilespmem:s15+$0xFFFFE000];
	v6 =	vadd.s32 v50, v2  }
0x15a: {  	v51 =	vshrl.u32 v51, $0x3;
	[tilespmem:v63+s18+$0x0] =	vst.idx.msk $0xffff, v8  }
0x15b: {  	v3 =	vshll.u32 v51, v1;
	[tilespmem:v48+s18+$0x0] =	vst.idx.msk $0xffff, v47  }
0x15c: {  	v45 =	vbroadcast v3, $0x0;
	v3 =	vld [tilespmem:s15+$0xFFFF9FC0];
	v63 =	vadd.s32 v59, v44;
	[tilespmem:v53+s18+$0x0] =	vst.idx.msk $0xffff, v52  }
0x15d: {  	[tilespmem:v62+s18+$0x0] =	vst.idx.msk $0xffff, v5  }
0x15e: {  	v49 =	vshrl.u32 v49, $0x3;
	v9 =	vld [tilespmem:s15+$0xFFFF9FD0];
	v0 =	vshll.u32 v0, v1;
	[tilespmem:v6+s18+$0x0] =	vst.idx.msk $0xffff, v4  }
0x15f: {  	v46 =	vbroadcast v0, $0x0;
	v0 =	vshll.u32 v49, v1;
	v53 =	vld [tilespmem:$0x1FF90]  }
0x160: {  	v47 =	vbroadcast v0, $0x0;
	v0 =	vld [tilespmem:s15+$0xFFFF9FE0];
	v10 =	vadd.s32 v61, v45  }
0x161: {  	v11 =	vadd.s32 v58, v46;
	v48 =	vld [tilespmem:s15+$0xFFFF9FF0];
	[tilespmem:v63+s18+$0x0] =	vst.idx.msk $0xffff, v3  }
0x162: {  	v49 =	vadd.s32 v60, v47;
	v21 =	vld [tilespmem:$0x1FE60]  }
0x163: {  	v52 =	vld [tilespmem:s15+$0xFFFFBF20];
	v62 =	vadd.s32 v15, v33  }
0x164: {  	v4 =	vld [tilespmem:s15+$0x0];
	v2 =	vadd.s32 v53, v2  }
0x165: {  	[tilespmem:v10+s18+$0x0] =	vst.idx.msk $0xffff, v9  }
0x166: {  	v8 =	vld [tilespmem:s15+$0xFFFFBF40];
	[tilespmem:v11+s18+$0x0] =	vst.idx.msk $0xffff, v0  }
0x167: {  	v3 =	vld [tilespmem:s15+$0xFFFFBF30];
	[tilespmem:v49+s18+$0x0] =	vst.idx.msk $0xffff, v48;
	v63 =	vadd.s32 v21, v35  }
0x168: {  	v0 =	vld [tilespmem:s15+$0xFFFFBF50];
	v10 =	vadd.s32 v32, v37;
	[tilespmem:v62+s18+$0x0] =	vst.idx.msk $0xffff, v52  }
0x169: {  	v9 =	vadd.s32 v25, v36;
	v11 =	vld [tilespmem:s15+$0xFFFFBF60];
	[tilespmem:v2+s18+$0x0] =	vst.idx.msk $0xffff, v4  }
0x16a: {  	v48 =	vadd.s32 v30, v38;
	v52 =	vld [tilespmem:$0x1FF40]  }
0x16b: {  	v6 =	vld [tilespmem:s15+$0xFFFFBF90];
	v49 =	vadd.s32 v14, v41  }
0x16c: {  	[tilespmem:v63+s18+$0x0] =	vst.idx.msk $0xffff, v3;
	v3 =	vld [tilespmem:s15+$0xFFFFBF80];
	v63 =	vadd.s32 v57, v40  }
0x16d: {  	v51 =	vadd.s32 v15, v42;
	[tilespmem:v10+s18+$0x0] =	vst.idx.msk $0xffff, v0;
	v0 =	vld [tilespmem:s15+$0xFFFFBFA0]  }
0x16e: {  	[tilespmem:v9+s18+$0x0] =	vst.idx.msk $0xffff, v8;
	v9 =	vld [tilespmem:s15+$0xFFFFBFB0];
	v10 =	vadd.s32 v21, v43  }
0x16f: {  	v2 =	vld [tilespmem:s15+$0xFFFFBF70];
	[tilespmem:v48+s18+$0x0] =	vst.idx.msk $0xffff, v11;
	v62 =	vadd.s32 v52, v39  }
0x170: {  	v7 =	vadd.s32 v30, v46;
	[tilespmem:v49+s18+$0x0] =	vst.idx.msk $0xffff, v6;
	v6 =	vld [tilespmem:s15+$0xFFFFBFE0]  }
0x171: {  	v11 =	vld [tilespmem:s15+$0xFFFFBF10];
	v48 =	vadd.s32 v14, v34;
	[tilespmem:v63+s18+$0x0] =	vst.idx.msk $0xffff, v3  }
0x172: {  	v3 =	vld [tilespmem:s15+$0xFFFFBFD0];
	v63 =	vadd.s32 v32, v45;
	[tilespmem:v51+s18+$0x0] =	vst.idx.msk $0xffff, v0  }
0x173: {  	v0 =	vld [tilespmem:s15+$0xFFFFBFF0];
	v8 =	vadd.s32 v52, v47;
	[tilespmem:v10+s18+$0x0] =	vst.idx.msk $0xffff, v9  }
0x174: {  	[tilespmem:v62+s18+$0x0] =	vst.idx.msk $0xffff, v2;
	v2 =	vld [tilespmem:s15+$0xFFFFBFC0];
	v62 =	vadd.s32 v25, v44  }
0x175: {  	v9 =	vld [tilespmem:s15+$0xFFFFDF20];
	v10 =	vadd.s32 v17, v33;
	[tilespmem:v7+s18+$0x0] =	vst.idx.msk $0xffff, v6  }
0x176: {  	v49 =	vld [tilespmem:s15+$0xFFFFDF50];
	v51 =	vadd.s32 v24, v37;
	[tilespmem:v48+s18+$0x0] =	vst.idx.msk $0xffff, v11  }
0x177: {  	[tilespmem:v63+s18+$0x0] =	vst.idx.msk $0xffff, v3;
	v3 =	vld [tilespmem:s15+$0xFFFFDF40];
	v63 =	vadd.s32 v22, v36  }
0x178: {  	v48 =	vadd.s32 v13, v34;
	v11 =	vld [tilespmem:s15+$0xFFFFDF10];
	[tilespmem:v8+s18+$0x0] =	vst.idx.msk $0xffff, v0  }
0x179: {  	[tilespmem:v62+s18+$0x0] =	vst.idx.msk $0xffff, v2;
	v2 =	vld [tilespmem:s15+$0xFFFFDF30];
	v62 =	vadd.s32 v19, v35  }
0x17a: {  	v0 =	vld [tilespmem:s15+$0xFFFFDF60];
	v8 =	vadd.s32 v27, v38;
	[tilespmem:v10+s18+$0x0] =	vst.idx.msk $0xffff, v9  }
0x17b: {  	v10 =	vadd.s32 v29, v39;
	[tilespmem:v51+s18+$0x0] =	vst.idx.msk $0xffff, v49;
	v9 =	vld [tilespmem:s15+$0xFFFFDF70]  }
0x17c: {  	[tilespmem:v63+s18+$0x0] =	vst.idx.msk $0xffff, v3;
	v3 =	vld [tilespmem:s15+$0xFFFFDF90];
	v63 =	vadd.s32 v13, v41  }
0x17d: {  	v6 =	vld [tilespmem:s15+$0xFFFFDFA0];
	v49 =	vadd.s32 v17, v42;
	[tilespmem:v48+s18+$0x0] =	vst.idx.msk $0xffff, v11  }
0x17e: {  	[tilespmem:v62+s18+$0x0] =	vst.idx.msk $0xffff, v2;
	v2 =	vld [tilespmem:s15+$0xFFFFDF80];
	v62 =	vadd.s32 v50, v40  }
0x17f: {  	[tilespmem:v8+s18+$0x0] =	vst.idx.msk $0xffff, v0;
	v0 =	vld [tilespmem:s15+$0xFFFFDFB0];
	v8 =	vadd.s32 v19, v43  }
0x180: {  	[tilespmem:v10+s18+$0x0] =	vst.idx.msk $0xffff, v9;
	v9 =	vld [tilespmem:s15+$0xFFFFDFC0];
	v10 =	vadd.s32 v22, v44  }
0x181: {  	[tilespmem:v63+s18+$0x0] =	vst.idx.msk $0xffff, v3;
	v3 =	vld [tilespmem:s15+$0xFFFFDFE0];
	v63 =	vadd.s32 v27, v46  }
0x182: {  	v7 =	vadd.s32 v29, v47;
	[tilespmem:v49+s18+$0x0] =	vst.idx.msk $0xffff, v6;
	v6 =	vld [tilespmem:s15+$0xFFFFDFF0]  }
0x183: {  	[tilespmem:v62+s18+$0x0] =	vst.idx.msk $0xffff, v2;
	v2 =	vld [tilespmem:s15+$0xFFFFDFD0];
	v62 =	vadd.s32 v24, v45  }
0x184: {  	[tilespmem:v8+s18+$0x0] =	vst.idx.msk $0xffff, v0;
	v0 =	vld [tilespmem:s15+$0xFFFFFF20];
	v8 =	vadd.s32 v16, v33  }
0x185: {  	[tilespmem:v10+s18+$0x0] =	vst.idx.msk $0xffff, v9;
	v9 =	vld [tilespmem:s15+$0xFFFFFF30];
	v10 =	vadd.s32 v20, v35  }
0x186: {  	[tilespmem:v63+s18+$0x0] =	vst.idx.msk $0xffff, v3;
	v3 =	vld [tilespmem:s15+$0xFFFFFF50];
	v63 =	vadd.s32 v26, v37  }
0x187: {  	[tilespmem:v7+s18+$0x0] =	vst.idx.msk $0xffff, v6;
	v33 =	vld [tilespmem:s15+$0xFFFFFF60];
	v35 =	vadd.s32 v28, v38  }
0x188: {  	[tilespmem:v62+s18+$0x0] =	vst.idx.msk $0xffff, v2;
	v2 =	vld [tilespmem:s15+$0xFFFFFF40];
	v62 =	vadd.s32 v23, v36  }
0x189: {  	v38 =	vadd.s32 v53, v40;
	[tilespmem:v8+s18+$0x0] =	vst.idx.msk $0xffff, v0;
	v37 =	vld [tilespmem:s15+$0xFFFFFF80]  }
0x18a: {  	v0 =	vld [tilespmem:s15+$0xFFFFFF70];
	[tilespmem:v10+s18+$0x0] =	vst.idx.msk $0xffff, v9;
	v36 =	vadd.s32 v31, v39  }
0x18b: {  	v40 =	vadd.s32 v16, v42;
	[tilespmem:v63+s18+$0x0] =	vst.idx.msk $0xffff, v3;
	v3 =	vld [tilespmem:s15+$0xFFFFFFA0]  }
0x18c: {  	v42 =	vadd.s32 v20, v43;
	[tilespmem:v35+s18+$0x0] =	vst.idx.msk $0xffff, v33;
	v39 =	vadd.s32 v12, v41;
	v41 =	vld [tilespmem:s15+$0xFFFFFFB0]  }
0x18d: {  	[tilespmem:v62+s18+$0x0] =	vst.idx.msk $0xffff, v2;
	v2 =	vld [tilespmem:s15+$0xFFFFFF90]  }
0x18e: {  	v11 =	vld [tilespmem:s15+$0xFFFFFF10];
	v63 =	vadd.s32 v12, v34;
	[tilespmem:v38+s18+$0x0] =	vst.idx.msk $0xffff, v37  }
0x18f: {  	v43 =	vadd.s32 v23, v44;
	v45 =	vadd.s32 v26, v45;
	v44 =	vld [tilespmem:s15+$0xFFFFFFD0];
	[tilespmem:v36+s18+$0x0] =	vst.idx.msk $0xffff, v0  }
0x190: {  	v0 =	vld [tilespmem:s15+$0xFFFFFFC0];
	[tilespmem:v40+s18+$0x0] =	vst.idx.msk $0xffff, v3  }
0x191: {  	v3 =	vld [tilespmem:s15+$0xFFFFFFF0];
	v62 =	vadd.s32 v31, v47;
	[tilespmem:v42+s18+$0x0] =	vst.idx.msk $0xffff, v41  }
0x192: {  	s3 =	sadd.s32 s13, s30;
	v48 =	vadd.s32 v28, v46;
	[tilespmem:v39+s18+$0x0] =	vst.idx.msk $0xffff, v2;
	v2 =	vld [tilespmem:s15+$0xFFFFFFE0]  }
0x193: {  	s3 =	sshll.u32 s3, $0x12;
	[tilespmem:v63+s18+$0x0] =	vst.idx.msk $0xffff, v11  }
0x194: {  	s3 =	sor.u32 s11, s3;
	[tilespmem:v45+s18+$0x0] =	vst.idx.msk $0xffff, v44  }
0x195: {  	s3 =	sshrl.u32 s3, $0x3;
	v51 =	vmovc v17;
	v49 =	vmov v13;
	v46 =	vmov v30;
	v30 =	vmov v60;
	[tilespmem:v43+s18+$0x0] =	vst.idx.msk $0xffff, v0  }
0x196: {  	s20 =	simm.s32 $0x11000;
	v63 =	vmovc v14;
	v14 =	vmovc v55;
	v47 =	vmov v32;
	v32 =	vmov v58;
	v44 =	vmov v52;
	[tilespmem:v62+s18+$0x0] =	vst.idx.msk $0xffff, v3;
	s15 =	sadd.s32 s12, s3  }
0x197: {  	s21 =	simm.s32 $0x11208;
	s24 =	simm.s32 $0x200;
	v45 =	vmovc v29;
	v29 =	vmovc v54;
	v62 =	vmov v18;
	v18 =	vmov v56;
	s25 =	sadd.s32 $0x0, s15;
	[tilespmem:v48+s18+$0x0] =	vst.idx.msk $0xffff, v2;
	v48 =	vmov v57  }
.LBB2_7:
0x198: {  	[hbm4b:s25+s1] =	stream.linear.scatter [tilespmem:s20], [sflag:$0x5], $0x200, $0x38;
	[tilespmem:$0x19200] =	vst v63  }
0x199: {  	s3 =	smov.u32 s24;
	s20 =	smov.u32 s21;
	p0 =	sne.s32 s24, $0x7E00  }
.Ltmp2:
0x19a: {  	s24 =	sadd.s32 $0x200, s24;
	(pc) =	sbr.rel @p0 .LBB2_7-.Ltmp2, $2  }
0x19b: {  	_ =	sdelay $0x2  }
0x19c: {  	s21 =	sadd.s32 $0x208, s21;
	s25 =	sadd.s32 s3, s15  }
0x19d: {  	p0 =	sne.s32 s29, $0x18  }
.Ltmp3:
0x19e: {  	_ = 	snop;
	(pc) =	sbr.rel @p0 .LBB2_10-.Ltmp3, $2  }
0x19f: {  	_ =	sdelay $0x2  }
0x1a0: {  	[hbm4b:s25+s1] =	stream.linear.scatter [tilespmem:s20], [sflag:$0x5], $0x200, $0x38;
	[tilespmem:$0x19200] =	vst v63  }
.Ltmp4:
0x1a1: {  	(pc) =	sbr.rel .LBB2_11-.Ltmp4, $4  }
0x1a2: {  	_ = 	snop  }
0x1a3: {  	_ =	swait.ge [sflag:s19], $0x8000  }
0x1a4: {  	[sflag:s19] =	ssyncset.done $0x0  }
0x1a5: {  	v13 =	vmov v49;
	v17 =	vmov v51;
	v15 =	vld [tilespmem:$0x1FFF0];
	[sflag:s19] =	ssyncadd.s32 $0xFFFF8000  }
.LBB2_10:
0x1a6: {  	_ =	swait.ge [sflag:s31], $0x800  }
0x1a7: {  	[sflag:s31] =	ssyncset.done $0x0  }
0x1a8: {  	s3 =	simm.s32 $0x1000;
	[sflag:s31] =	ssyncadd.s32 $0xFFFFF800  }
0x1a9: {  	[tilespmem:s3], [sflag:$0x1] =	stream.indirect.gather [hbm4b:s2+s0], $0x10, s1, s0, $0xb8;
	[tilespmem:$0x19200] =	vst v63  }
0x1aa: {  	s20 =	simm.s32 $0x1800  }
0x1ab: {  	[tilespmem:s20], [sflag:$0x1] =	stream.indirect.gather [hbm4b:s2+s0], $0x10, s0, s0, $0xb8;
	[tilespmem:$0x19200] =	vst v63  }
0x1ac: {  	s21 =	simm.s32 $0x100;
	s15 =	simm.s32 $0x2000  }
0x1ad: {  	[tilespmem:s15], [sflag:$0x1] =	stream.indirect.gather [hbm4b:s2+s0], $0x10, s21, s0, $0xb8;
	[tilespmem:$0x19200] =	vst v63  }
0x1ae: {  	s24 =	simm.s32 $0x180;
	s25 =	simm.s32 $0x2800  }
0x1af: {  	[tilespmem:s25], [sflag:$0x1] =	stream.indirect.gather [hbm4b:s2+s0], $0x10, s24, s0, $0xb8;
	[tilespmem:$0x19200] =	vst v63  }
0x1b0: {  	s20 =	simm.s32 $0x200;
	s21 =	simm.s32 $0x3000  }
0x1b1: {  	[tilespmem:s21], [sflag:$0x1] =	stream.indirect.gather [hbm4b:s4+s0], $0x10, s20, s0, $0xb8;
	[tilespmem:$0x19200] =	vst v63  }
0x1b2: {  	s24 =	simm.s32 $0x280;
	s25 =	simm.s32 $0x3800  }
0x1b3: {  	[tilespmem:s25], [sflag:$0x1] =	stream.indirect.gather [hbm4b:s4+s0], $0x10, s24, s0, $0xb8;
	[tilespmem:$0x19200] =	vst v63  }
0x1b4: {  	s20 =	simm.s32 $0x300;
	s21 =	simm.s32 $0x4000  }
0x1b5: {  	[tilespmem:s21], [sflag:$0x1] =	stream.indirect.gather [hbm4b:s4+s0], $0x10, s20, s0, $0xb8;
	[tilespmem:$0x19200] =	vst v63  }
0x1b6: {  	s24 =	simm.s32 $0x380;
	s25 =	simm.s32 $0x4800  }
0x1b7: {  	[tilespmem:s25], [sflag:$0x1] =	stream.indirect.gather [hbm4b:s4+s0], $0x10, s24, s0, $0xb8;
	[tilespmem:$0x19200] =	vst v63  }
0x1b8: {  	s20 =	simm.s32 $0x400;
	s21 =	simm.s32 $0x5000  }
0x1b9: {  	[tilespmem:s21], [sflag:$0x1] =	stream.indirect.gather [hbm4b:s5+s0], $0x10, s20, s0, $0xb8;
	[tilespmem:$0x19200] =	vst v63  }
0x1ba: {  	s24 =	simm.s32 $0x480;
	s25 =	simm.s32 $0x5800  }
0x1bb: {  	[tilespmem:s25], [sflag:$0x1] =	stream.indirect.gather [hbm4b:s5+s0], $0x10, s24, s0, $0xb8;
	[tilespmem:$0x19200] =	vst v63  }
0x1bc: {  	s20 =	simm.s32 $0x500;
	s21 =	simm.s32 $0x6000  }
0x1bd: {  	[tilespmem:s21], [sflag:$0x1] =	stream.indirect.gather [hbm4b:s5+s0], $0x10, s20, s0, $0xb8;
	[tilespmem:$0x19200] =	vst v63  }
0x1be: {  	s24 =	simm.s32 $0x580;
	s25 =	simm.s32 $0x6800  }
0x1bf: {  	[tilespmem:s25], [sflag:$0x1] =	stream.indirect.gather [hbm4b:s5+s0], $0x10, s24, s0, $0xb8;
	[tilespmem:$0x19200] =	vst v63  }
0x1c0: {  	s20 =	simm.s32 $0x600;
	s21 =	simm.s32 $0x7000  }
0x1c1: {  	[tilespmem:s21], [sflag:$0x1] =	stream.indirect.gather [hbm4b:s6+s0], $0x10, s20, s0, $0xb8;
	[tilespmem:$0x19200] =	vst v63  }
0x1c2: {  	s24 =	simm.s32 $0x680;
	s25 =	simm.s32 $0x7800  }
0x1c3: {  	[tilespmem:s25], [sflag:$0x1] =	stream.indirect.gather [hbm4b:s6+s0], $0x10, s24, s0, $0xb8;
	[tilespmem:$0x19200] =	vst v63  }
0x1c4: {  	s20 =	simm.s32 $0x700;
	s21 =	simm.s32 $0x8000  }
0x1c5: {  	[tilespmem:s21], [sflag:$0x1] =	stream.indirect.gather [hbm4b:s6+s0], $0x10, s20, s0, $0xb8;
	[tilespmem:$0x19200] =	vst v63  }
0x1c6: {  	s20 =	rddreg [dreg:$0xa]  }
0x1c7: {  	s24 =	simm.s32 $0x780;
	s25 =	simm.s32 $0x8800;
	s3 =	sadd.s32 s30, s20  }
0x1c8: {  	[tilespmem:s25], [sflag:$0x1] =	stream.indirect.gather [hbm4b:s6+s0], $0x10, s24, s0, $0xb8;
	[tilespmem:$0x19200] =	vst v63  }
0x1c9: {  	s3 =	sshll.u32 s3, $0xC  }
0x1ca: {  	_ =	swait.ge [sflag:s19], $0x8000;
	s3 =	sor.u32 s11, s3  }
0x1cb: {  	[sflag:s19] =	ssyncset.done $0x0;
	s3 =	sshrl.u32 s3, $0x3  }
0x1cc: {  	s20 =	simm.s32 $0x800;
	[sflag:s19] =	ssyncadd.s32 $0xFFFF8000;
	s21 =	sadd.s32 s7, s3  }
0x1cd: {  	[tilespmem:s20], [sflag:$0x4] =	stream.linear.gather [hbm4b:s21+s1], $0x200, $0x38;
	[tilespmem:$0x19200] =	vst v63  }
0x1ce: {  	s25 =	simm.s32 $0xA00;
	s24 =	sadd.s32 s8, s3  }
0x1cf: {  	[tilespmem:s25], [sflag:$0x4] =	stream.linear.gather [hbm4b:s24+s1], $0x200, $0x38;
	[tilespmem:$0x19200] =	vst v63  }
0x1d0: {  	s21 =	sadd.s32 s9, s3;
	s24 =	simm.s32 $0xC00  }
0x1d1: {  	[tilespmem:s24], [sflag:$0x4] =	stream.linear.gather [hbm4b:s21+s1], $0x200, $0x38;
	[tilespmem:$0x19200] =	vst v63  }
0x1d2: {  	s3 =	sadd.s32 s10, s3;
	s25 =	simm.s32 $0xE00  }
0x1d3: {  	v13 =	vmov v49;
	v17 =	vmov v51;
	v15 =	vld [tilespmem:$0x1FFF0];
	[tilespmem:s25], [sflag:$0x4] =	stream.linear.gather [hbm4b:s3+s1], $0x200, $0x38  }
.LBB2_11:
0x1d4: {  	s3 =	simm.s32 $0xF  }
0x1d5: {  	s15 =	simm.s32 $0x0;
	v0 =	vmov s3  }
0x1d6: {  	v2 =	vmov s15;
	v0 =	vshrl.u32 v0, $0x3  }
0x1d7: {  	_ =	swait.ge [sflag:s17], $0x8000;
	v2 =	vshrl.u32 v2, $0x3;
	v0 =	vshll.u32 v0, v1  }
0x1d8: {  	[sflag:s17] =	ssyncset.done $0x0;
	v2 =	vshll.u32 v2, v1;
	v0 =	vbroadcast v0, $0x0  }
0x1d9: {  	s24 =	simm.s32 $0xF0F0;
	[sflag:s17] =	ssyncadd.s32 $0xFFFF8000;
	v33 =	vbroadcast v2, $0x0  }
0x1da: {  	s20 =	simm.s32 $0x8;
	v2 =	vld [tilespmem:s24+$0xFFFFA000];
	v3 =	vadd.s32 v29, v0  }
0x1db: {  	s21 =	simm.s32 $0x9;
	s25 =	simm.s32 $0xA;
	v6 =	vmov s20;
	v4 =	vld [tilespmem:s24+$0xFFFF9F10];
	v5 =	vadd.s32 v62, v33  }
0x1dc: {  	v9 =	vmov s21;
	v10 =	vmov s25;
	s15 =	simm.s32 $0xB;
	s20 =	simm.s32 $0xC;
	v7 =	vld [tilespmem:s24+$0xFFFF9F20];
	v8 =	vadd.s32 v14, v33  }
0x1dd: {  	s21 =	simm.s32 $0xD;
	v35 =	vmov s15;
	v36 =	vmov s20;
	v11 =	vld [tilespmem:s24+$0xFFFF9F30];
	v34 =	vadd.s32 v18, v33  }
0x1de: {  	v39 =	vmov s21;
	v6 =	vshrl.u32 v6, $0x3;
	v37 =	vld [tilespmem:s24+$0xFFFF9F40];
	v38 =	vadd.s32 v59, v33  }
0x1df: {  	s25 =	simm.s32 $0xE;
	v9 =	vshrl.u32 v9, $0x3;
	v41 =	vld [tilespmem:s24+$0xFFFF9F50];
	v6 =	vshll.u32 v6, v1;
	v42 =	vadd.s32 v61, v33;
	[tilespmem:v3+s18+$0x0] =	vst.idx.msk $0xffff, v2  }
0x1e0: {  	v40 =	vmov s25;
	v54 =	vld [tilespmem:s24+$0xFFFF9F70];
	v55 =	vshll.u32 v9, v1;
	v43 =	vadd.s32 v30, v33;
	[tilespmem:v5+s18+$0x0] =	vst.idx.msk $0xffff, v4  }
0x1e1: {  	v57 =	vadd.s32 v29, v33;
	v2 =	vshrl.u32 v10, $0x3;
	[tilespmem:v8+s18+$0x0] =	vst.idx.msk $0xffff, v7;
	v7 =	vld [tilespmem:s24+$0xFFFF9F60];
	v8 =	vadd.s32 v32, v33  }
0x1e2: {  	v56 =	vld [tilespmem:s24+$0xFFFF9F80];
	v3 =	vshrl.u32 v35, $0x3;
	v5 =	vadd.s32 v48, v0;
	[tilespmem:v34+s18+$0x0] =	vst.idx.msk $0xffff, v11;
	v34 =	vbroadcast v6, $0x0  }
0x1e3: {  	v10 =	vshrl.u32 v36, $0x3;
	[tilespmem:v38+s18+$0x0] =	vst.idx.msk $0xffff, v37;
	v35 =	vbroadcast v55, $0x0;
	v4 =	vld [tilespmem:s24+$0xFFFFC000];
	v2 =	vshll.u32 v2, v1  }
0x1e4: {  	v60 =	vld [tilespmem:s24+$0xFFFF9F90];
	[tilespmem:v42+s18+$0x0] =	vst.idx.msk $0xffff, v41;
	v49 =	vadd.s32 v62, v34;
	v36 =	vbroadcast v2, $0x0;
	v2 =	vshll.u32 v3, v1  }
0x1e5: {  	v51 =	vld [tilespmem:s24+$0xFFFF9FA0];
	[tilespmem:v43+s18+$0x0] =	vst.idx.msk $0xffff, v54;
	v52 =	vadd.s32 v14, v35;
	v3 =	vshll.u32 v10, v1;
	v2 =	vbroadcast v2, $0x0  }
0x1e6: {  	v58 =	vshrl.u32 v39, $0x3;
	v3 =	vbroadcast v3, $0x0;
	v54 =	vadd.s32 v18, v36;
	[tilespmem:v8+s18+$0x0] =	vst.idx.msk $0xffff, v7;
	v7 =	vld [tilespmem:s24+$0xFFFF9FB0]  }
0x1e7: {  	v40 =	vshrl.u32 v40, $0x3;
	v9 =	vld [tilespmem:s24+$0xFFFF9FC0];
	v6 =	vshll.u32 v58, v1;
	[tilespmem:v57+s18+$0x0] =	vst.idx.msk $0xffff, v56;
	v55 =	vadd.s32 v59, v2  }
0x1e8: {  	v56 =	vshll.u32 v40, v1;
	v57 =	vld [tilespmem:s24+$0xFFFF9FD0];
	v6 =	vbroadcast v6, $0x0;
	v58 =	vadd.s32 v61, v3;
	[tilespmem:v5+s18+$0x0] =	vst.idx.msk $0xffff, v4  }
0x1e9: {  	v11 =	vbroadcast v56, $0x0;
	v5 =	vadd.s32 v50, v0;
	v4 =	vld [tilespmem:s24+$0xFFFFE000];
	[tilespmem:v49+s18+$0x0] =	vst.idx.msk $0xffff, v60  }
0x1ea: {  	[tilespmem:v52+s18+$0x0] =	vst.idx.msk $0xffff, v51;
	v60 =	vld [tilespmem:s24+$0xFFFF9FE0];
	v49 =	vadd.s32 v32, v6  }
0x1eb: {  	v51 =	vld [tilespmem:s24+$0xFFFF9FF0];
	v52 =	vadd.s32 v30, v11;
	[tilespmem:v54+s18+$0x0] =	vst.idx.msk $0xffff, v7  }
0x1ec: {  	v56 =	vadd.s32 v15, v35;
	[tilespmem:v55+s18+$0x0] =	vst.idx.msk $0xffff, v9;
	v55 =	vld [tilespmem:s24+$0xFFFFBFA0]  }
0x1ed: {  	[tilespmem:v58+s18+$0x0] =	vst.idx.msk $0xffff, v57;
	v58 =	vadd.s32 v21, v36;
	v57 =	vld [tilespmem:s24+$0xFFFFBFB0]  }
0x1ee: {  	v54 =	vadd.s32 v63, v34;
	[tilespmem:v5+s18+$0x0] =	vst.idx.msk $0xffff, v4;
	v5 =	vld [tilespmem:s24+$0xFFFFBF90]  }
0x1ef: {  	[tilespmem:v49+s18+$0x0] =	vst.idx.msk $0xffff, v60;
	v60 =	vld [tilespmem:s24+$0xFFFFBFC0];
	v49 =	vadd.s32 v25, v2  }
0x1f0: {  	[tilespmem:v52+s18+$0x0] =	vst.idx.msk $0xffff, v51;
	v51 =	vld [tilespmem:s24+$0xFFFFBFD0];
	v52 =	vadd.s32 v47, v3  }
0x1f1: {  	v0 =	vadd.s32 v53, v0;
	v4 =	vld [tilespmem:s24+$0x0];
	[tilespmem:v56+s18+$0x0] =	vst.idx.msk $0xffff, v55  }
0x1f2: {  	v55 =	vld [tilespmem:s24+$0xFFFFBF10];
	v56 =	vadd.s32 v63, v33;
	[tilespmem:v58+s18+$0x0] =	vst.idx.msk $0xffff, v57  }
0x1f3: {  	v57 =	vld [tilespmem:s24+$0xFFFFBF20];
	v58 =	vadd.s32 v15, v33;
	[tilespmem:v54+s18+$0x0] =	vst.idx.msk $0xffff, v5  }
0x1f4: {  	v7 =	vadd.s32 v44, v11;
	v5 =	vld [tilespmem:s24+$0xFFFFBFF0];
	[tilespmem:v49+s18+$0x0] =	vst.idx.msk $0xffff, v60  }
0x1f5: {  	v60 =	vld [tilespmem:s24+$0xFFFFBF30];
	v49 =	vadd.s32 v21, v33;
	[tilespmem:v52+s18+$0x0] =	vst.idx.msk $0xffff, v51  }
0x1f6: {  	v54 =	vadd.s32 v46, v6;
	[tilespmem:v0+s18+$0x0] =	vst.idx.msk $0xffff, v4;
	v0 =	vld [tilespmem:s24+$0xFFFFBFE0]  }
0x1f7: {  	v51 =	vld [tilespmem:s24+$0xFFFFBF40];
	v52 =	vadd.s32 v25, v33;
	[tilespmem:v56+s18+$0x0] =	vst.idx.msk $0xffff, v55  }
0x1f8: {  	v55 =	vld [tilespmem:s24+$0xFFFFBF60];
	v56 =	vadd.s32 v46, v33;
	[tilespmem:v58+s18+$0x0] =	vst.idx.msk $0xffff, v57  }
0x1f9: {  	v57 =	vld [tilespmem:s24+$0xFFFFBF70];
	v58 =	vadd.s32 v44, v33;
	[tilespmem:v7+s18+$0x0] =	vst.idx.msk $0xffff, v5  }
0x1fa: {  	v42 =	vadd.s32 v48, v33;
	[tilespmem:v49+s18+$0x0] =	vst.idx.msk $0xffff, v60;
	v60 =	vld [tilespmem:s24+$0xFFFFBF80]  }
0x1fb: {  	[tilespmem:v54+s18+$0x0] =	vst.idx.msk $0xffff, v0;
	v0 =	vld [tilespmem:s24+$0xFFFFBF50];
	v54 =	vadd.s32 v47, v33  }
0x1fc: {  	v43 =	vld [tilespmem:s24+$0xFFFFDF90];
	[tilespmem:v52+s18+$0x0] =	vst.idx.msk $0xffff, v51;
	v49 =	vadd.s32 v13, v34  }
0x1fd: {  	[tilespmem:v56+s18+$0x0] =	vst.idx.msk $0xffff, v55;
	v55 =	vld [tilespmem:s24+$0xFFFFDFC0];
	v56 =	vadd.s32 v22, v2  }
0x1fe: {  	[tilespmem:v58+s18+$0x0] =	vst.idx.msk $0xffff, v57;
	v57 =	vld [tilespmem:s24+$0xFFFFDFD0];
	v58 =	vadd.s32 v24, v3  }
0x1ff: {  	v38 =	vld [tilespmem:s24+$0xFFFFDFE0];
	[tilespmem:v42+s18+$0x0] =	vst.idx.msk $0xffff, v60;
	v60 =	vadd.s32 v27, v6  }
0x200: {  	v51 =	vadd.s32 v17, v35;
	[tilespmem:v54+s18+$0x0] =	vst.idx.msk $0xffff, v0;
	v0 =	vld [tilespmem:s24+$0xFFFFDFA0]  }
0x201: {  	v52 =	vld [tilespmem:s24+$0xFFFFDFB0];
	[tilespmem:v49+s18+$0x0] =	vst.idx.msk $0xffff, v43;
	v54 =	vadd.s32 v19, v36  }
0x202: {  	[tilespmem:v56+s18+$0x0] =	vst.idx.msk $0xffff, v55;
	v55 =	vld [tilespmem:s24+$0xFFFFDF30];
	v56 =	vadd.s32 v19, v33  }
0x203: {  	[tilespmem:v58+s18+$0x0] =	vst.idx.msk $0xffff, v57;
	v57 =	vld [tilespmem:s24+$0xFFFFDF40];
	v58 =	vadd.s32 v22, v33  }
0x204: {  	v42 =	vadd.s32 v24, v33;
	[tilespmem:v60+s18+$0x0] =	vst.idx.msk $0xffff, v38;
	v60 =	vld [tilespmem:s24+$0xFFFFDF50]  }
0x205: {  	v4 =	vadd.s32 v45, v11;
	[tilespmem:v51+s18+$0x0] =	vst.idx.msk $0xffff, v0;
	v0 =	vld [tilespmem:s24+$0xFFFFDFF0]  }
0x206: {  	v49 =	vld [tilespmem:s24+$0xFFFFDF10];
	v51 =	vadd.s32 v13, v33;
	[tilespmem:v54+s18+$0x0] =	vst.idx.msk $0xffff, v52  }
0x207: {  	v52 =	vld [tilespmem:s24+$0xFFFFDF20];
	v54 =	vadd.s32 v17, v33;
	[tilespmem:v56+s18+$0x0] =	vst.idx.msk $0xffff, v55  }
0x208: {  	v34 =	vadd.s32 v12, v34;
	v55 =	vld [tilespmem:s24+$0xFFFFFF90];
	[tilespmem:v58+s18+$0x0] =	vst.idx.msk $0xffff, v57  }
0x209: {  	v35 =	vadd.s32 v16, v35;
	v56 =	vld [tilespmem:s24+$0xFFFFFFA0];
	[tilespmem:v42+s18+$0x0] =	vst.idx.msk $0xffff, v60  }
0x20a: {  	v43 =	vadd.s32 v27, v33;
	[tilespmem:v4+s18+$0x0] =	vst.idx.msk $0xffff, v0;
	v0 =	vld [tilespmem:s24+$0xFFFFDF60]  }
0x20b: {  	v2 =	vadd.s32 v23, v2;
	v58 =	vld [tilespmem:s24+$0xFFFFFFC0];
	[tilespmem:v51+s18+$0x0] =	vst.idx.msk $0xffff, v49  }
0x20c: {  	v3 =	vadd.s32 v26, v3;
	v60 =	vld [tilespmem:s24+$0xFFFFFFD0];
	[tilespmem:v54+s18+$0x0] =	vst.idx.msk $0xffff, v52  }
0x20d: {  	v49 =	vld [tilespmem:s24+$0xFFFFDF70];
	v51 =	vadd.s32 v45, v33;
	[tilespmem:v34+s18+$0x0] =	vst.idx.msk $0xffff, v55  }
0x20e: {  	v52 =	vld [tilespmem:s24+$0xFFFFDF80];
	v54 =	vadd.s32 v50, v33;
	[tilespmem:v35+s18+$0x0] =	vst.idx.msk $0xffff, v56  }
0x20f: {  	v57 =	vadd.s32 v20, v36;
	[tilespmem:v43+s18+$0x0] =	vst.idx.msk $0xffff, v0;
	v0 =	vld [tilespmem:s24+$0xFFFFFFB0]  }
0x210: {  	v41 =	vld [tilespmem:s24+$0xFFFFFFE0];
	[tilespmem:v2+s18+$0x0] =	vst.idx.msk $0xffff, v58;
	v43 =	vadd.s32 v28, v6  }
0x211: {  	v42 =	vadd.s32 v31, v11;
	v38 =	vld [tilespmem:s24+$0xFFFFFFF0];
	[tilespmem:v3+s18+$0x0] =	vst.idx.msk $0xffff, v60  }
0x212: {  	v40 =	vadd.s32 v12, v33;
	v35 =	vld [tilespmem:s24+$0xFFFFFF10];
	[tilespmem:v51+s18+$0x0] =	vst.idx.msk $0xffff, v49  }
0x213: {  	v36 =	vadd.s32 v16, v33;
	v34 =	vld [tilespmem:s24+$0xFFFFFF20];
	[tilespmem:v54+s18+$0x0] =	vst.idx.msk $0xffff, v52  }
0x214: {  	s15 =	simm.s32 $0x10;
	s21 =	simm.s32 $0x1F;
	s20 =	simm.s32 $0x20;
	v39 =	vadd.s32 v20, v33;
	v37 =	vld [tilespmem:s24+$0xFFFFFF30];
	[tilespmem:v57+s18+$0x0] =	vst.idx.msk $0xffff, v0  }
.LBB2_12:
0x215: {  	p0 =	slt.u32 s20, $0x1F0;
	v0 =	vmov s21;
	v2 =	vld [tilespmem:s24+$0xFFFFFF40];
	v3 =	vadd.s32 v23, v33;
	[tilespmem:v43+s18+$0x0] =	vst.idx.msk $0xffff, v41  }
0x216: {  	v4 =	vmov s15;
	v6 =	vadd.s32 v26, v33;
	v0 =	vshrl.u32 v0, $0x3;
	v5 =	vld [tilespmem:s24+$0xFFFFFF50];
	[tilespmem:v42+s18+$0x0] =	vst.idx.msk $0xffff, v38  }
0x217: {  	v8 =	vadd.s32 v28, v33;
	v4 =	vshrl.u32 v4, $0x3;
	v0 =	vshll.u32 v0, v1;
	[tilespmem:v40+s18+$0x0] =	vst.idx.msk $0xffff, v35;
	v7 =	vld [tilespmem:s24+$0xFFFFFF60]  }
0x218: {  	v10 =	vadd.s32 v31, v33;
	v4 =	vshll.u32 v4, v1;
	v0 =	vbroadcast v0, $0x0;
	[tilespmem:v36+s18+$0x0] =	vst.idx.msk $0xffff, v34;
	v9 =	vld [tilespmem:s24+$0xFFFFFF70]  }
0x219: {  	v34 =	vadd.s32 v53, v33;
	v33 =	vbroadcast v4, $0x0;
	[tilespmem:v39+s18+$0x0] =	vst.idx.msk $0xffff, v37;
	v11 =	vld [tilespmem:s24+$0xFFFFFF80];
	s24 =	sadd.s32 $0x100, s24  }
0x21a: {  	s3 =	sadd.s32 $0x8, s15;
	v4 =	vld [tilespmem:s24+$0xFFFFA000];
	v35 =	vadd.s32 v29, v0;
	[tilespmem:v3+s18+$0x0] =	vst.idx.msk $0xffff, v2  }
0x21b: {  	s21 =	sadd.s32 $0xA, s15;
	v36 =	vmov s3;
	s3 =	sadd.s32 $0x9, s15;
	v3 =	vadd.s32 v62, v33;
	v2 =	vld [tilespmem:s24+$0xFFFF9F10];
	[tilespmem:v6+s18+$0x0] =	vst.idx.msk $0xffff, v5  }
0x21c: {  	v38 =	vmov s21;
	s21 =	sadd.s32 $0xC, s15;
	v37 =	vmov s3;
	s3 =	sadd.s32 $0xB, s15;
	v6 =	vadd.s32 v14, v33;
	v5 =	vld [tilespmem:s24+$0xFFFF9F20];
	[tilespmem:v8+s18+$0x0] =	vst.idx.msk $0xffff, v7  }
0x21d: {  	v40 =	vmov s21;
	s21 =	sadd.s32 $0xE, s15;
	v39 =	vmov s3;
	s3 =	sadd.s32 $0xD, s15;
	s15 =	smov.u32 s20;
	v8 =	vadd.s32 v18, v33;
	v7 =	vld [tilespmem:s24+$0xFFFF9F30];
	[tilespmem:v10+s18+$0x0] =	vst.idx.msk $0xffff, v9  }
0x21e: {  	v42 =	vmov s21;
	v41 =	vmov s3;
	v10 =	vadd.s32 v59, v33;
	v9 =	vld [tilespmem:s24+$0xFFFF9F40];
	[tilespmem:v34+s18+$0x0] =	vst.idx.msk $0xffff, v11  }
0x21f: {  	v43 =	vadd.s32 v61, v33;
	v34 =	vshrl.u32 v36, $0x3;
	v36 =	vshrl.u32 v37, $0x3;
	v11 =	vld [tilespmem:s24+$0xFFFF9F50];
	[tilespmem:v35+s18+$0x0] =	vst.idx.msk $0xffff, v4  }
0x220: {  	v37 =	vadd.s32 v48, v0;
	[tilespmem:v3+s18+$0x0] =	vst.idx.msk $0xffff, v2;
	v2 =	vshrl.u32 v38, $0x3;
	v3 =	vshrl.u32 v39, $0x3;
	v4 =	vld [tilespmem:s24+$0xFFFFC000]  }
0x221: {  	v34 =	vshll.u32 v34, v1;
	v38 =	vshrl.u32 v40, $0x3;
	[tilespmem:v6+s18+$0x0] =	vst.idx.msk $0xffff, v5;
	v5 =	vld [tilespmem:s24+$0xFFFF9F60];
	v6 =	vadd.s32 v32, v33  }
0x222: {  	v35 =	vshll.u32 v36, v1;
	v34 =	vbroadcast v34, $0x0;
	[tilespmem:v8+s18+$0x0] =	vst.idx.msk $0xffff, v7;
	v7 =	vld [tilespmem:s24+$0xFFFF9F70];
	v8 =	vadd.s32 v30, v33  }
0x223: {  	v35 =	vbroadcast v35, $0x0;
	v39 =	vshrl.u32 v41, $0x3;
	[tilespmem:v10+s18+$0x0] =	vst.idx.msk $0xffff, v9;
	v9 =	vld [tilespmem:s24+$0xFFFF9F80];
	v10 =	vadd.s32 v29, v33  }
0x224: {  	v41 =	vshrl.u32 v42, $0x3;
	v2 =	vshll.u32 v2, v1;
	v40 =	vadd.s32 v62, v34;
	[tilespmem:v43+s18+$0x0] =	vst.idx.msk $0xffff, v11;
	v11 =	vld [tilespmem:s24+$0xFFFF9F90]  }
0x225: {  	v36 =	vbroadcast v2, $0x0;
	v2 =	vshll.u32 v3, v1;
	v43 =	vadd.s32 v14, v35;
	v42 =	vld [tilespmem:s24+$0xFFFF9FA0];
	[tilespmem:v37+s18+$0x0] =	vst.idx.msk $0xffff, v4  }
0x226: {  	v37 =	vbroadcast v2, $0x0;
	v2 =	vshll.u32 v38, v1;
	v4 =	vadd.s32 v50, v0;
	[tilespmem:v6+s18+$0x0] =	vst.idx.msk $0xffff, v5;
	v3 =	vld [tilespmem:s24+$0xFFFFE000]  }
0x227: {  	v6 =	vadd.s32 v18, v36;
	v38 =	vbroadcast v2, $0x0;
	v2 =	vshll.u32 v39, v1;
	[tilespmem:v8+s18+$0x0] =	vst.idx.msk $0xffff, v7;
	v5 =	vld [tilespmem:s24+$0xFFFF9FB0]  }
0x228: {  	v8 =	vadd.s32 v59, v37;
	v39 =	vbroadcast v2, $0x0;
	v2 =	vshll.u32 v41, v1;
	[tilespmem:v10+s18+$0x0] =	vst.idx.msk $0xffff, v9;
	v7 =	vld [tilespmem:s24+$0xFFFF9FC0]  }
0x229: {  	v10 =	vadd.s32 v61, v38;
	[tilespmem:v40+s18+$0x0] =	vst.idx.msk $0xffff, v11;
	v9 =	vld [tilespmem:s24+$0xFFFF9FD0];
	v40 =	vbroadcast v2, $0x0  }
0x22a: {  	v11 =	vadd.s32 v32, v39;
	[tilespmem:v43+s18+$0x0] =	vst.idx.msk $0xffff, v42;
	v2 =	vld [tilespmem:s24+$0xFFFF9FE0]  }
0x22b: {  	v41 =	vld [tilespmem:s24+$0xFFFF9FF0];
	v42 =	vadd.s32 v30, v40;
	[tilespmem:v4+s18+$0x0] =	vst.idx.msk $0xffff, v3  }
0x22c: {  	v0 =	vadd.s32 v53, v0;
	[tilespmem:v6+s18+$0x0] =	vst.idx.msk $0xffff, v5;
	v3 =	vld [tilespmem:s24+$0x0]  }
0x22d: {  	v5 =	vadd.s32 v63, v34;
	v4 =	vld [tilespmem:s24+$0xFFFFBF90];
	[tilespmem:v8+s18+$0x0] =	vst.idx.msk $0xffff, v7  }
0x22e: {  	v7 =	vadd.s32 v15, v35;
	v6 =	vld [tilespmem:s24+$0xFFFFBFA0];
	[tilespmem:v10+s18+$0x0] =	vst.idx.msk $0xffff, v9  }
0x22f: {  	v9 =	vadd.s32 v21, v36;
	v8 =	vld [tilespmem:s24+$0xFFFFBFB0];
	[tilespmem:v11+s18+$0x0] =	vst.idx.msk $0xffff, v2  }
0x230: {  	v10 =	vadd.s32 v25, v37;
	v2 =	vld [tilespmem:s24+$0xFFFFBFC0];
	[tilespmem:v42+s18+$0x0] =	vst.idx.msk $0xffff, v41  }
0x231: {  	v41 =	vadd.s32 v47, v38;
	v11 =	vld [tilespmem:s24+$0xFFFFBFD0];
	[tilespmem:v0+s18+$0x0] =	vst.idx.msk $0xffff, v3  }
0x232: {  	v3 =	vadd.s32 v46, v39;
	[tilespmem:v5+s18+$0x0] =	vst.idx.msk $0xffff, v4;
	v0 =	vld [tilespmem:s24+$0xFFFFBFE0]  }
0x233: {  	v5 =	vadd.s32 v44, v40;
	[tilespmem:v7+s18+$0x0] =	vst.idx.msk $0xffff, v6;
	v4 =	vld [tilespmem:s24+$0xFFFFBFF0]  }
0x234: {  	v7 =	vadd.s32 v63, v33;
	v6 =	vld [tilespmem:s24+$0xFFFFBF10];
	[tilespmem:v9+s18+$0x0] =	vst.idx.msk $0xffff, v8  }
0x235: {  	v9 =	vadd.s32 v15, v33;
	v8 =	vld [tilespmem:s24+$0xFFFFBF20];
	[tilespmem:v10+s18+$0x0] =	vst.idx.msk $0xffff, v2  }
0x236: {  	v10 =	vadd.s32 v21, v33;
	v2 =	vld [tilespmem:s24+$0xFFFFBF30];
	[tilespmem:v41+s18+$0x0] =	vst.idx.msk $0xffff, v11  }
0x237: {  	v41 =	vadd.s32 v25, v33;
	v11 =	vld [tilespmem:s24+$0xFFFFBF40];
	[tilespmem:v3+s18+$0x0] =	vst.idx.msk $0xffff, v0  }
0x238: {  	v3 =	vadd.s32 v47, v33;
	v0 =	vld [tilespmem:s24+$0xFFFFBF50];
	[tilespmem:v5+s18+$0x0] =	vst.idx.msk $0xffff, v4  }
0x239: {  	v5 =	vadd.s32 v46, v33;
	[tilespmem:v7+s18+$0x0] =	vst.idx.msk $0xffff, v6;
	v4 =	vld [tilespmem:s24+$0xFFFFBF60]  }
0x23a: {  	v7 =	vadd.s32 v44, v33;
	[tilespmem:v9+s18+$0x0] =	vst.idx.msk $0xffff, v8;
	v6 =	vld [tilespmem:s24+$0xFFFFBF70]  }
0x23b: {  	v8 =	vadd.s32 v48, v33;
	[tilespmem:v10+s18+$0x0] =	vst.idx.msk $0xffff, v2;
	v2 =	vld [tilespmem:s24+$0xFFFFBF80]  }
0x23c: {  	v10 =	vadd.s32 v13, v34;
	[tilespmem:v41+s18+$0x0] =	vst.idx.msk $0xffff, v11;
	v9 =	vld [tilespmem:s24+$0xFFFFDF90]  }
0x23d: {  	[tilespmem:v3+s18+$0x0] =	vst.idx.msk $0xffff, v0;
	v0 =	vld [tilespmem:s24+$0xFFFFDFA0];
	v3 =	vadd.s32 v17, v35  }
0x23e: {  	[tilespmem:v5+s18+$0x0] =	vst.idx.msk $0xffff, v4;
	v4 =	vld [tilespmem:s24+$0xFFFFDFB0];
	v5 =	vadd.s32 v19, v36  }
0x23f: {  	[tilespmem:v7+s18+$0x0] =	vst.idx.msk $0xffff, v6;
	v6 =	vld [tilespmem:s24+$0xFFFFDFC0];
	v7 =	vadd.s32 v22, v37  }
0x240: {  	[tilespmem:v8+s18+$0x0] =	vst.idx.msk $0xffff, v2;
	v2 =	vld [tilespmem:s24+$0xFFFFDFD0];
	v8 =	vadd.s32 v24, v38  }
0x241: {  	[tilespmem:v10+s18+$0x0] =	vst.idx.msk $0xffff, v9;
	v9 =	vld [tilespmem:s24+$0xFFFFDFE0];
	v10 =	vadd.s32 v27, v39  }
0x242: {  	[tilespmem:v3+s18+$0x0] =	vst.idx.msk $0xffff, v0;
	v0 =	vld [tilespmem:s24+$0xFFFFDFF0];
	v3 =	vadd.s32 v45, v40  }
0x243: {  	v41 =	vadd.s32 v13, v33;
	v11 =	vld [tilespmem:s24+$0xFFFFDF10];
	[tilespmem:v5+s18+$0x0] =	vst.idx.msk $0xffff, v4  }
0x244: {  	v5 =	vadd.s32 v17, v33;
	v4 =	vld [tilespmem:s24+$0xFFFFDF20];
	[tilespmem:v7+s18+$0x0] =	vst.idx.msk $0xffff, v6  }
0x245: {  	v7 =	vadd.s32 v19, v33;
	v6 =	vld [tilespmem:s24+$0xFFFFDF30];
	[tilespmem:v8+s18+$0x0] =	vst.idx.msk $0xffff, v2  }
0x246: {  	v8 =	vadd.s32 v22, v33;
	v2 =	vld [tilespmem:s24+$0xFFFFDF40];
	[tilespmem:v10+s18+$0x0] =	vst.idx.msk $0xffff, v9  }
0x247: {  	v10 =	vadd.s32 v24, v33;
	v9 =	vld [tilespmem:s24+$0xFFFFDF50];
	[tilespmem:v3+s18+$0x0] =	vst.idx.msk $0xffff, v0  }
0x248: {  	v3 =	vadd.s32 v27, v33;
	[tilespmem:v41+s18+$0x0] =	vst.idx.msk $0xffff, v11;
	v0 =	vld [tilespmem:s24+$0xFFFFDF60]  }
0x249: {  	[tilespmem:v5+s18+$0x0] =	vst.idx.msk $0xffff, v4;
	v4 =	vld [tilespmem:s24+$0xFFFFDF70];
	v5 =	vadd.s32 v45, v33  }
0x24a: {  	[tilespmem:v7+s18+$0x0] =	vst.idx.msk $0xffff, v6;
	v6 =	vld [tilespmem:s24+$0xFFFFDF80];
	v7 =	vadd.s32 v50, v33  }
0x24b: {  	[tilespmem:v8+s18+$0x0] =	vst.idx.msk $0xffff, v2;
	v2 =	vld [tilespmem:s24+$0xFFFFFF90];
	v8 =	vadd.s32 v12, v34  }
0x24c: {  	[tilespmem:v10+s18+$0x0] =	vst.idx.msk $0xffff, v9;
	v9 =	vld [tilespmem:s24+$0xFFFFFFA0];
	v10 =	vadd.s32 v16, v35  }
0x24d: {  	[tilespmem:v3+s18+$0x0] =	vst.idx.msk $0xffff, v0;
	v0 =	vld [tilespmem:s24+$0xFFFFFFB0];
	v3 =	vadd.s32 v20, v36  }
0x24e: {  	[tilespmem:v5+s18+$0x0] =	vst.idx.msk $0xffff, v4;
	v4 =	vld [tilespmem:s24+$0xFFFFFFC0];
	v5 =	vadd.s32 v23, v37  }
0x24f: {  	[tilespmem:v7+s18+$0x0] =	vst.idx.msk $0xffff, v6;
	v6 =	vld [tilespmem:s24+$0xFFFFFFD0];
	v7 =	vadd.s32 v26, v38  }
.Ltmp5:
0x250: {  	v43 =	vadd.s32 v28, v39;
	[tilespmem:v8+s18+$0x0] =	vst.idx.msk $0xffff, v2;
	v41 =	vld [tilespmem:s24+$0xFFFFFFE0];
	(pc) =	sbr.rel @p0 .LBB2_12-.Ltmp5, $4  }
0x251: {  	v42 =	vadd.s32 v31, v40;
	[tilespmem:v10+s18+$0x0] =	vst.idx.msk $0xffff, v9;
	v38 =	vld [tilespmem:s24+$0xFFFFFFF0]  }
0x252: {  	v40 =	vadd.s32 v12, v33;
	v35 =	vld [tilespmem:s24+$0xFFFFFF10];
	[tilespmem:v3+s18+$0x0] =	vst.idx.msk $0xffff, v0  }
0x253: {  	v36 =	vadd.s32 v16, v33;
	v34 =	vld [tilespmem:s24+$0xFFFFFF20];
	[tilespmem:v5+s18+$0x0] =	vst.idx.msk $0xffff, v4  }
0x254: {  	s20 =	sadd.s32 $0x10, s20;
	s21 =	sadd.s32 $0xF, s15;
	v39 =	vadd.s32 v20, v33;
	v37 =	vld [tilespmem:s24+$0xFFFFFF30];
	[tilespmem:v7+s18+$0x0] =	vst.idx.msk $0xffff, v6  }
0x255: {  	_ =	sdelay $0x3  }
0x256: {  	v0 =	vmov s21;
	v2 =	vld [tilespmem:s24+$0xFFFFFF40];
	v3 =	vadd.s32 v23, v33;
	[tilespmem:v43+s18+$0x0] =	vst.idx.msk $0xffff, v41  }
0x257: {  	v4 =	vmov s15;
	v5 =	vld [tilespmem:s24+$0xFFFFFF50];
	v6 =	vadd.s32 v26, v33;
	v0 =	vshrl.u32 v0, $0x3;
	[tilespmem:v42+s18+$0x0] =	vst.idx.msk $0xffff, v38  }
0x258: {  	v7 =	vld [tilespmem:s24+$0xFFFFFF60];
	v8 =	vadd.s32 v28, v33;
	v4 =	vshrl.u32 v4, $0x3;
	v0 =	vshll.u32 v0, v1;
	[tilespmem:v40+s18+$0x0] =	vst.idx.msk $0xffff, v35  }
0x259: {  	v9 =	vld [tilespmem:s24+$0xFFFFFF70];
	v10 =	vadd.s32 v31, v33;
	v4 =	vshll.u32 v4, v1;
	v0 =	vbroadcast v0, $0x0;
	[tilespmem:v36+s18+$0x0] =	vst.idx.msk $0xffff, v34  }
0x25a: {  	v60 =	vld [tilespmem:s24+$0xFFFFFF80];
	v11 =	vadd.s32 v53, v33;
	s20 =	sadd.s32 $0x100, s24;
	v34 =	vbroadcast v4, $0x0;
	[tilespmem:v39+s18+$0x0] =	vst.idx.msk $0xffff, v37  }
0x25b: {  	s25 =	sadd.s32 $0xA, s15;
	v33 =	vld [tilespmem:s20+$0xFFFFA000];
	v35 =	vadd.s32 v29, v0;
	[tilespmem:v3+s18+$0x0] =	vst.idx.msk $0xffff, v2  }
0x25c: {  	s3 =	sadd.s32 $0x8, s15;
	v38 =	vmov s25;
	s25 =	sadd.s32 $0xC, s15;
	v2 =	vld [tilespmem:s20+$0xFFFF9F10];
	v3 =	vadd.s32 v62, v34;
	[tilespmem:v6+s18+$0x0] =	vst.idx.msk $0xffff, v5  }
0x25d: {  	s24 =	sadd.s32 $0x9, s15;
	v52 =	vmov s25;
	v36 =	vmov s3;
	[tilespmem:v8+s18+$0x0] =	vst.idx.msk $0xffff, v7;
	v7 =	vld [tilespmem:s20+$0xFFFF9F30];
	v49 =	vadd.s32 v18, v34  }
0x25e: {  	v40 =	vshrl.u32 v52, $0x3;
	v37 =	vmov s24;
	s24 =	sadd.s32 $0xB, s15;
	v5 =	vld [tilespmem:s20+$0xFFFF9F20];
	v6 =	vadd.s32 v14, v34;
	[tilespmem:v10+s18+$0x0] =	vst.idx.msk $0xffff, v9  }
0x25f: {  	v54 =	vld [tilespmem:s20+$0xFFFF9F40];
	v36 =	vshrl.u32 v36, $0x3;
	v51 =	vmov s24;
	v55 =	vadd.s32 v59, v34;
	[tilespmem:v11+s18+$0x0] =	vst.idx.msk $0xffff, v60  }
0x260: {  	v58 =	vld [tilespmem:s20+$0xFFFF9F50];
	s24 =	sadd.s32 $0xD, s15;
	v60 =	vadd.s32 v61, v34;
	v37 =	vshrl.u32 v37, $0x3;
	v39 =	vadd.s32 v48, v0;
	[tilespmem:v35+s18+$0x0] =	vst.idx.msk $0xffff, v33  }
0x261: {  	v36 =	vshll.u32 v36, v1;
	v9 =	vld [tilespmem:s20+$0xFFFF9F80];
	v52 =	vadd.s32 v29, v34;
	v56 =	vmov s24;
	[tilespmem:v3+s18+$0x0] =	vst.idx.msk $0xffff, v2  }
0x262: {  	v2 =	vshrl.u32 v38, $0x3;
	v3 =	vshrl.u32 v51, $0x3;
	[tilespmem:v49+s18+$0x0] =	vst.idx.msk $0xffff, v7;
	v7 =	vld [tilespmem:s20+$0xFFFF9F70];
	v49 =	vadd.s32 v30, v34  }
0x263: {  	[tilespmem:v6+s18+$0x0] =	vst.idx.msk $0xffff, v5;
	v6 =	vadd.s32 v32, v34;
	v33 =	vbroadcast v36, $0x0;
	v51 =	vshll.u32 v37, v1;
	v38 =	vld [tilespmem:s20+$0xFFFFC000]  }
0x264: {  	v5 =	vld [tilespmem:s20+$0xFFFF9F60];
	[tilespmem:v55+s18+$0x0] =	vst.idx.msk $0xffff, v54;
	v54 =	vshrl.u32 v56, $0x3;
	v35 =	vbroadcast v51, $0x0;
	v2 =	vshll.u32 v2, v1  }
0x265: {  	s25 =	sadd.s32 $0xE, s15;
	[tilespmem:v60+s18+$0x0] =	vst.idx.msk $0xffff, v58;
	v55 =	vld [tilespmem:s20+$0xFFFF9F90];
	v56 =	vadd.s32 v62, v33;
	v36 =	vbroadcast v2, $0x0;
	v2 =	vshll.u32 v3, v1  }
0x266: {  	v57 =	vmov s25;
	v58 =	vld [tilespmem:s20+$0xFFFF9FA0];
	[tilespmem:v52+s18+$0x0] =	vst.idx.msk $0xffff, v9;
	v60 =	vadd.s32 v14, v35;
	v2 =	vbroadcast v2, $0x0  }
0x267: {  	v57 =	vshrl.u32 v57, $0x3;
	v3 =	vshll.u32 v40, v1;
	v51 =	vadd.s32 v18, v36;
	[tilespmem:v49+s18+$0x0] =	vst.idx.msk $0xffff, v7;
	v49 =	vld [tilespmem:s20+$0xFFFF9FB0]  }
0x268: {  	v9 =	vld [tilespmem:s20+$0xFFFF9FC0];
	v37 =	vshll.u32 v54, v1;
	v3 =	vbroadcast v3, $0x0;
	v52 =	vadd.s32 v59, v2;
	[tilespmem:v39+s18+$0x0] =	vst.idx.msk $0xffff, v38  }
0x269: {  	v54 =	vshll.u32 v57, v1;
	v37 =	vbroadcast v37, $0x0;
	[tilespmem:v6+s18+$0x0] =	vst.idx.msk $0xffff, v5;
	v6 =	vadd.s32 v50, v0;
	v5 =	vld [tilespmem:s20+$0xFFFFE000]  }
0x26a: {  	v38 =	vbroadcast v54, $0x0;
	[tilespmem:v56+s18+$0x0] =	vst.idx.msk $0xffff, v55;
	v55 =	vld [tilespmem:s20+$0xFFFF9FD0];
	v56 =	vadd.s32 v61, v3  }
0x26b: {  	v57 =	vld [tilespmem:s20+$0xFFFF9FE0];
	[tilespmem:v60+s18+$0x0] =	vst.idx.msk $0xffff, v58;
	v58 =	vadd.s32 v32, v37  }
0x26c: {  	v60 =	vld [tilespmem:s20+$0xFFFF9FF0];
	v32 =	vadd.s32 v30, v38;
	[tilespmem:v51+s18+$0x0] =	vst.idx.msk $0xffff, v49  }
0x26d: {  	v49 =	vld [tilespmem:s20+$0xFFFFBF90];
	v51 =	vadd.s32 v63, v33;
	[tilespmem:v52+s18+$0x0] =	vst.idx.msk $0xffff, v9  }
0x26e: {  	v54 =	vadd.s32 v15, v35;
	v52 =	vld [tilespmem:s20+$0xFFFFBFA0];
	[tilespmem:v6+s18+$0x0] =	vst.idx.msk $0xffff, v5  }
0x26f: {  	[tilespmem:v56+s18+$0x0] =	vst.idx.msk $0xffff, v55;
	v55 =	vld [tilespmem:s20+$0xFFFFBFB0];
	v56 =	vadd.s32 v21, v36  }
0x270: {  	v0 =	vadd.s32 v53, v0;
	v5 =	vld [tilespmem:s20+$0x0];
	[tilespmem:v58+s18+$0x0] =	vst.idx.msk $0xffff, v57  }
0x271: {  	v57 =	vld [tilespmem:s20+$0xFFFFBFC0];
	v58 =	vadd.s32 v25, v2;
	[tilespmem:v32+s18+$0x0] =	vst.idx.msk $0xffff, v60  }
0x272: {  	v42 =	vadd.s32 v46, v34;
	v40 =	vld [tilespmem:s20+$0xFFFFBFD0];
	v60 =	vadd.s32 v47, v3;
	[tilespmem:v51+s18+$0x0] =	vst.idx.msk $0xffff, v49  }
0x273: {  	v43 =	vld [tilespmem:s20+$0xFFFFBF70];
	v32 =	vadd.s32 v46, v37;
	v46 =	vadd.s32 v44, v34;
	[tilespmem:v54+s18+$0x0] =	vst.idx.msk $0xffff, v52  }
0x274: {  	v49 =	vld [tilespmem:s20+$0xFFFFBFF0];
	v51 =	vadd.s32 v44, v38;
	[tilespmem:v56+s18+$0x0] =	vst.idx.msk $0xffff, v55  }
0x275: {  	v52 =	vld [tilespmem:s20+$0xFFFFBF10];
	v54 =	vadd.s32 v63, v34;
	[tilespmem:v0+s18+$0x0] =	vst.idx.msk $0xffff, v5  }
0x276: {  	v55 =	vld [tilespmem:s20+$0xFFFFBF20];
	v56 =	vadd.s32 v15, v34;
	[tilespmem:v58+s18+$0x0] =	vst.idx.msk $0xffff, v57  }
0x277: {  	v0 =	vld [tilespmem:s20+$0xFFFFBFE0];
	[tilespmem:v60+s18+$0x0] =	vst.idx.msk $0xffff, v40  }
0x278: {  	v57 =	vld [tilespmem:s20+$0xFFFFBF30];
	v58 =	vadd.s32 v21, v34;
	[tilespmem:v46+s18+$0x0] =	vst.idx.msk $0xffff, v43  }
0x279: {  	v60 =	vld [tilespmem:s20+$0xFFFFBF40];
	v21 =	vadd.s32 v25, v34;
	[tilespmem:v51+s18+$0x0] =	vst.idx.msk $0xffff, v49  }
0x27a: {  	v48 =	vadd.s32 v48, v34;
	v25 =	vadd.s32 v47, v34;
	v47 =	vld [tilespmem:s20+$0xFFFFBF80];
	[tilespmem:v54+s18+$0x0] =	vst.idx.msk $0xffff, v52  }
0x27b: {  	v49 =	vld [tilespmem:s20+$0xFFFFDF90];
	v51 =	vadd.s32 v13, v33;
	[tilespmem:v56+s18+$0x0] =	vst.idx.msk $0xffff, v55  }
0x27c: {  	[tilespmem:v32+s18+$0x0] =	vst.idx.msk $0xffff, v0;
	v0 =	vld [tilespmem:s20+$0xFFFFBF50]  }
0x27d: {  	v46 =	vadd.s32 v13, v34;
	v44 =	vld [tilespmem:s20+$0xFFFFDF10];
	[tilespmem:v58+s18+$0x0] =	vst.idx.msk $0xffff, v57  }
0x27e: {  	v54 =	vld [tilespmem:s20+$0xFFFFDFB0];
	v55 =	vadd.s32 v19, v36;
	[tilespmem:v21+s18+$0x0] =	vst.idx.msk $0xffff, v60  }
0x27f: {  	v32 =	vld [tilespmem:s20+$0xFFFFBF60];
	[tilespmem:v48+s18+$0x0] =	vst.idx.msk $0xffff, v47  }
0x280: {  	v56 =	vld [tilespmem:s20+$0xFFFFDFC0];
	v57 =	vadd.s32 v22, v2;
	[tilespmem:v51+s18+$0x0] =	vst.idx.msk $0xffff, v49  }
0x281: {  	v52 =	vadd.s32 v17, v35;
	[tilespmem:v25+s18+$0x0] =	vst.idx.msk $0xffff, v0;
	v0 =	vld [tilespmem:s20+$0xFFFFDFA0]  }
0x282: {  	v58 =	vld [tilespmem:s20+$0xFFFFDFD0];
	v60 =	vadd.s32 v24, v3;
	[tilespmem:v46+s18+$0x0] =	vst.idx.msk $0xffff, v44  }
0x283: {  	v47 =	vld [tilespmem:s20+$0xFFFFDF20];
	v48 =	vadd.s32 v17, v34;
	[tilespmem:v55+s18+$0x0] =	vst.idx.msk $0xffff, v54  }
0x284: {  	v49 =	vld [tilespmem:s20+$0xFFFFDF30];
	v51 =	vadd.s32 v19, v34;
	[tilespmem:v42+s18+$0x0] =	vst.idx.msk $0xffff, v32  }
0x285: {  	v21 =	vld [tilespmem:s20+$0xFFFFDFE0];
	v25 =	vadd.s32 v27, v37;
	[tilespmem:v57+s18+$0x0] =	vst.idx.msk $0xffff, v56  }
0x286: {  	v32 =	vadd.s32 v45, v38;
	[tilespmem:v52+s18+$0x0] =	vst.idx.msk $0xffff, v0;
	v0 =	vld [tilespmem:s20+$0xFFFFDFF0]  }
0x287: {  	[tilespmem:v60+s18+$0x0] =	vst.idx.msk $0xffff, v58;
	v58 =	vld [tilespmem:s20+$0xFFFFDF70];
	v60 =	vadd.s32 v45, v34  }
0x288: {  	v56 =	vadd.s32 v24, v34;
	[tilespmem:v48+s18+$0x0] =	vst.idx.msk $0xffff, v47;
	v55 =	vld [tilespmem:s20+$0xFFFFDF50]  }
0x289: {  	v2 =	vadd.s32 v23, v2;
	v42 =	vld [tilespmem:s20+$0xFFFFFFC0];
	[tilespmem:v51+s18+$0x0] =	vst.idx.msk $0xffff, v49  }
0x28a: {  	v3 =	vadd.s32 v26, v3;
	v43 =	vld [tilespmem:s20+$0xFFFFFFD0];
	[tilespmem:v25+s18+$0x0] =	vst.idx.msk $0xffff, v21  }
0x28b: {  	v57 =	vadd.s32 v27, v34;
	[tilespmem:v32+s18+$0x0] =	vst.idx.msk $0xffff, v0;
	v0 =	vld [tilespmem:s20+$0xFFFFDF60]  }
0x28c: {  	v48 =	vld [tilespmem:s20+$0xFFFFFF10];
	v49 =	vadd.s32 v12, v34;
	[tilespmem:v60+s18+$0x0] =	vst.idx.msk $0xffff, v58  }
0x28d: {  	v54 =	vadd.s32 v22, v34;
	v52 =	vld [tilespmem:s20+$0xFFFFDF40];
	[tilespmem:v56+s18+$0x0] =	vst.idx.msk $0xffff, v55  }
0x28e: {  	v22 =	vadd.s32 v50, v34;
	v21 =	vld [tilespmem:s20+$0xFFFFDF80];
	[tilespmem:v2+s18+$0x0] =	vst.idx.msk $0xffff, v42  }
0x28f: {  	v24 =	vld [tilespmem:s20+$0xFFFFFF90];
	v25 =	vadd.s32 v12, v33;
	[tilespmem:v3+s18+$0x0] =	vst.idx.msk $0xffff, v43  }
0x290: {  	v41 =	vadd.s32 v20, v36;
	[tilespmem:v57+s18+$0x0] =	vst.idx.msk $0xffff, v0;
	v0 =	vld [tilespmem:s20+$0xFFFFFFB0]  }
0x291: {  	v40 =	vadd.s32 v16, v35;
	v39 =	vld [tilespmem:s20+$0xFFFFFFA0];
	[tilespmem:v49+s18+$0x0] =	vst.idx.msk $0xffff, v48  }
0x292: {  	v45 =	vadd.s32 v28, v37;
	v44 =	vld [tilespmem:s20+$0xFFFFFFE0];
	[tilespmem:v54+s18+$0x0] =	vst.idx.msk $0xffff, v52  }
0x293: {  	v51 =	vadd.s32 v20, v34;
	v2 =	vld [tilespmem:s20+$0xFFFFFF30];
	[tilespmem:v22+s18+$0x0] =	vst.idx.msk $0xffff, v21  }
0x294: {  	v55 =	vadd.s32 v26, v34;
	[tilespmem:v25+s18+$0x0] =	vst.idx.msk $0xffff, v24;
	v54 =	vld [tilespmem:s20+$0xFFFFFF50]  }
0x295: {  	v50 =	vadd.s32 v16, v34;
	[tilespmem:v41+s18+$0x0] =	vst.idx.msk $0xffff, v0;
	v0 =	vld [tilespmem:s20+$0xFFFFFF20]  }
0x296: {  	v47 =	vadd.s32 v31, v38;
	[tilespmem:v40+s18+$0x0] =	vst.idx.msk $0xffff, v39;
	v46 =	vld [tilespmem:s20+$0xFFFFFFF0]  }
0x297: {  	v52 =	vadd.s32 v23, v34;
	v3 =	vld [tilespmem:s20+$0xFFFFFF40];
	[tilespmem:v45+s18+$0x0] =	vst.idx.msk $0xffff, v44  }
0x298: {  	v60 =	vadd.s32 v53, v34;
	[tilespmem:v51+s18+$0x0] =	vst.idx.msk $0xffff, v2;
	v2 =	vld [tilespmem:s20+$0xFFFFFF80]  }
0x299: {  	v57 =	vadd.s32 v28, v34;
	[tilespmem:v55+s18+$0x0] =	vst.idx.msk $0xffff, v54;
	v56 =	vld [tilespmem:s20+$0xFFFFFF60]  }
0x29a: {  	s30 =	sadd.s32 s30, s26;
	v58 =	vadd.s32 v31, v34;
	[tilespmem:v50+s18+$0x0] =	vst.idx.msk $0xffff, v0;
	v0 =	vld [tilespmem:s20+$0xFFFFFF70]  }
0x29b: {  	s3 =	sshll.u32 s30, $0x12;
	[tilespmem:v47+s18+$0x0] =	vst.idx.msk $0xffff, v46  }
0x29c: {  	s3 =	sor.u32 s11, s3;
	[tilespmem:v52+s18+$0x0] =	vst.idx.msk $0xffff, v3  }
0x29d: {  	s3 =	sshrl.u32 s3, $0x3;
	[tilespmem:v60+s18+$0x0] =	vst.idx.msk $0xffff, v2  }
0x29e: {  	s21 =	simm.s32 $0x11208;
	s15 =	sadd.s32 s12, s3;
	[tilespmem:v57+s18+$0x0] =	vst.idx.msk $0xffff, v56  }
0x29f: {  	s24 =	simm.s32 $0x200;
	s25 =	sadd.s32 $0x0, s15;
	s20 =	simm.s32 $0x11000;
	[tilespmem:v58+s18+$0x0] =	vst.idx.msk $0xffff, v0  }
.LBB2_14:
0x2a0: {  	[hbm4b:s25+s1] =	stream.linear.scatter [tilespmem:s20], [sflag:$0x5], $0x200, $0x38;
	[tilespmem:$0x19200] =	vst v63  }
0x2a1: {  	s3 =	smov.u32 s24;
	s20 =	smov.u32 s21;
	p0 =	sne.s32 s24, $0x7E00  }
.Ltmp6:
0x2a2: {  	s24 =	sadd.s32 $0x200, s24;
	(pc) =	sbr.rel @p0 .LBB2_14-.Ltmp6, $2  }
0x2a3: {  	_ =	sdelay $0x2  }
0x2a4: {  	s21 =	sadd.s32 $0x208, s21;
	s25 =	sadd.s32 s3, s15  }
0x2a5: {  	s29 =	sadd.s32 $0x1, s29  }
0x2a6: {  	p0 =	sne.s32 s29, $0x19  }
.Ltmp7:
0x2a7: {  	_ = 	snop;
	(pc) =	sbr.rel @p0 .LBB2_4-.Ltmp7, $2  }
0x2a8: {  	_ =	sdelay $0x2  }
0x2a9: {  	[hbm4b:s25+s1] =	stream.linear.scatter [tilespmem:s20], [sflag:$0x5], $0x200, $0x38;
	[tilespmem:$0x19200] =	vst v63  }
0x2aa: {  	_ =	swait.ge [sflag:s17], $0x8000  }
0x2ab: {  	s15 =	rddreg [dreg:$0xc]  }
0x2ac: {  	s3 =	rddreg [dreg:$0xb];
	s15 =	sadd.s32 $0x1, s15  }
0x2ad: {  	p0 =	sne.s32 s15, s3  }
.Ltmp8:
0x2ae: {  	_ = 	snop;
	(pc) =	sbr.rel @p0 .LBB2_1-.Ltmp8, $3  }
0x2af: {  	_ =	sdelay $0x1  }
0x2b0: {  	[sflag:s17] =	ssyncset.done $0x0  }
0x2b1: {  	[sflag:s17] =	ssyncadd.s32 $0xFFFF8000  }
0x2b2: {  	_ =	sfence.sel $0x180000  }
0x2b3: {  	[bflag:$0x0] =	sbarrier.arrive $0xFFFF  }
0x2b4: {  	_ =	strace $0x90000047  }
0x2b5: {  	s0 =	stileid.u32;
	[bflag:$0x2] =	sbarrier.arrive $0xFFFF  }
0x2b6: {  	p0 =	sne.s32 s0, $0x0;
	s0 =	rddreg [dreg:$0x1]  }
0x2b7: {  	s0 =	sadd.s32 @!p0 $0x100000, s0  }
0x2b8: {  	[sflag:s0] =	ssyncadd.tile.s32 @!p0 $0x1;
	_ =	shalt  }
.Lfunc_end2:
_tile_overlayer_lowered:
.L_overlay_start_2:
0x2b9: {  	(tag) =	ssettag $0x2  }
0x2ba: {  	s0 =	rddreg [dreg:$0x0];
	s2 =	stileid.u32  }
0x2bb: {  	s1 =	rddreg [dreg:$0x1];
	p0 =	sne.s32 s2, $0x0  }
0x2bc: {  	s3 =	rddreg [dreg:$0x2];
	[bflag:$0x3] =	sbarrier.arrive $0xFFFF;
	s2 =	simm.s32 @!p0 $0x1C06  }
0x2bd: {  	[timem:s3], [sflag:s2] =	dma.local @!p0 [hbm:s0], s1  }
0x2be: {  	s0 =	simm.s32 @!p0 $0x6  }
0x2bf: {  	_ =	swait.ge @!p0 [sflag:s0], s1  }
0x2c0: {  	s1 =	ssub.s32 @!p0 $0x0, s1;
	[sflag:s0] =	ssyncset.done @!p0 $0x0  }
0x2c1: {  	[sflag:s0] =	ssyncadd.s32 @!p0 s1  }
0x2c2: {  	[bflag:$0x3] =	sbarrier.arrive $0xFFFF  }
0x2c3: {  	_ =	shalt  }

</sc_bundles>
